<compile_context>
chip_gen: v7x
topology: tpu7x:2x2x1
jax: 0.10.2.dev20260603
libtpu: 0.0.44.dev20260713+nightly
codegen_flags: <defaults>
</compile_context>

<pallas_src>
import functools
import jax
import jax.numpy as jnp
from jax import lax
from jax.experimental import pallas as pl
from jax.experimental.pallas import tpu as pltpu
from jax.experimental.pallas import tpu_sc as plsc

SEQ = 2048
E = 768
NH = 12
HS = 64
FF = 3072
NEXP = 8
VOCAB = 8192
EPS = 1e-5

TOK_BLK = 256
TILE = 512
NT_MAX = 16
PTOT = NT_MAX * TILE
FFC = 1536
NFFC = FF // FFC
VBLK = 1024
_PREC = None


def _ln(x, s, b):
    mu = jnp.mean(x, axis=-1, keepdims=True)
    var = jnp.mean((x - mu) ** 2, axis=-1, keepdims=True)
    return (x - mu) / jnp.sqrt(var + EPS) * s + b


def _t1_body(emb_ref, pos_ref, s_ref, b_ref, w_ref, wb_ref, x1_ref, qkv_ref):
    x = _ln(emb_ref[...] + pos_ref[...], s_ref[...], b_ref[...])
    x1_ref[...] = x
    qkv_ref[...] = jnp.dot(x, w_ref[...], precision=_PREC,
                           preferred_element_type=jnp.float32) + wb_ref[...]


def _t1(emb, pos, ln1_s, ln1_b, wqkv, bqkv):
    n = SEQ // TOK_BLK
    return pl.pallas_call(
        _t1_body,
        grid=(n,),
        in_specs=[
            pl.BlockSpec((TOK_BLK, E), lambda i: (i, 0)),
            pl.BlockSpec((TOK_BLK, E), lambda i: (i, 0)),
            pl.BlockSpec((1, E), lambda i: (0, 0)),
            pl.BlockSpec((1, E), lambda i: (0, 0)),
            pl.BlockSpec((E, 3 * E), lambda i: (0, 0)),
            pl.BlockSpec((1, 3 * E), lambda i: (0, 0)),
        ],
        out_specs=[
            pl.BlockSpec((TOK_BLK, E), lambda i: (i, 0)),
            pl.BlockSpec((TOK_BLK, 3 * E), lambda i: (i, 0)),
        ],
        out_shape=[
            jax.ShapeDtypeStruct((SEQ, E), jnp.float32),
            jax.ShapeDtypeStruct((SEQ, 3 * E), jnp.float32),
        ],
    )(emb, pos, ln1_s.reshape(1, E), ln1_b.reshape(1, E), wqkv, bqkv)


def _t2_body(q_ref, k_ref, v_ref, o_ref):
    i = pl.program_id(1)
    q = q_ref[0]
    s = lax.dot_general(q, k_ref[0], (((1,), (1,)), ((), ())),
                        preferred_element_type=jnp.float32)
    s = s / jnp.float32(E ** 0.5)
    rows = i * TOK_BLK + lax.broadcasted_iota(jnp.int32, (TOK_BLK, SEQ), 0)
    cols = lax.broadcasted_iota(jnp.int32, (TOK_BLK, SEQ), 1)
    s = jnp.where(rows >= cols, s, -1e30)
    m = jnp.max(s, axis=1, keepdims=True)
    p = jnp.exp(s - m)
    p = p / jnp.sum(p, axis=1, keepdims=True)
    o_ref[0] = jnp.dot(p, v_ref[0], preferred_element_type=jnp.float32)


def _t2(qkv3):
    n = SEQ // TOK_BLK
    return pl.pallas_call(
        _t2_body,
        grid=(NH, n),
        in_specs=[
            pl.BlockSpec((1, TOK_BLK, HS), lambda h, i: (h, i, 0)),
            pl.BlockSpec((1, SEQ, HS), lambda h, i: (NH + h, 0, 0)),
            pl.BlockSpec((1, SEQ, HS), lambda h, i: (2 * NH + h, 0, 0)),
        ],
        out_specs=pl.BlockSpec((1, TOK_BLK, HS), lambda h, i: (h, i, 0)),
        out_shape=jax.ShapeDtypeStruct((NH, SEQ, HS), jnp.float32),
    )(qkv3, qkv3, qkv3)


def _t3_body(o_ref, x1_ref, wp_ref, bp_ref, s2_ref, b2_ref, rw1_ref, rb1_ref,
             rw2_ref, rb2_ref, x3_ref, sc_ref):
    x2 = jnp.dot(o_ref[...], wp_ref[...], precision=_PREC,
                 preferred_element_type=jnp.float32) + bp_ref[...] + x1_ref[...]
    x3 = _ln(x2, s2_ref[...], b2_ref[...])
    x3_ref[...] = x3
    h = jnp.maximum(jnp.dot(x3, rw1_ref[...], precision=_PREC,
                            preferred_element_type=jnp.float32) + rb1_ref[...], 0.0)
    sc_ref[...] = jnp.dot(h, rw2_ref[...], precision=_PREC,
                          preferred_element_type=jnp.float32) + rb2_ref[...]


def _t3(o, x1, Wp, bp, ln2_s, ln2_b, rW1, rb1, rW2, rb2):
    n = SEQ // TOK_BLK
    return pl.pallas_call(
        _t3_body,
        grid=(n,),
        in_specs=[
            pl.BlockSpec((TOK_BLK, E), lambda i: (i, 0)),
            pl.BlockSpec((TOK_BLK, E), lambda i: (i, 0)),
            pl.BlockSpec((E, E), lambda i: (0, 0)),
            pl.BlockSpec((1, E), lambda i: (0, 0)),
            pl.BlockSpec((1, E), lambda i: (0, 0)),
            pl.BlockSpec((1, E), lambda i: (0, 0)),
            pl.BlockSpec((E, FF), lambda i: (0, 0)),
            pl.BlockSpec((1, FF), lambda i: (0, 0)),
            pl.BlockSpec((FF, NEXP), lambda i: (0, 0)),
            pl.BlockSpec((1, NEXP), lambda i: (0, 0)),
        ],
        out_specs=[
            pl.BlockSpec((TOK_BLK, E), lambda i: (i, 0)),
            pl.BlockSpec((TOK_BLK, NEXP), lambda i: (i, 0)),
        ],
        out_shape=[
            jax.ShapeDtypeStruct((SEQ, E), jnp.float32),
            jax.ShapeDtypeStruct((SEQ, NEXP), jnp.float32),
        ],
    )(o, x1, Wp, bp.reshape(1, E), ln2_s.reshape(1, E), ln2_b.reshape(1, E),
      rW1, rb1.reshape(1, FF), rW2, rb2.reshape(1, NEXP))


def _t4_body(sc_ref, gates_ref, dests_ref, tile_e_ref, nact_ref):
    s = sc_ref[...]
    io8 = lax.broadcasted_iota(jnp.int32, (SEQ, NEXP), 1)
    m1 = jnp.max(s, axis=1, keepdims=True)
    i1 = jnp.min(jnp.where(s == m1, io8, NEXP), axis=1, keepdims=True)
    s2 = jnp.where(io8 == i1, -jnp.float32(1e30), s)
    m2 = jnp.max(s2, axis=1, keepdims=True)
    i2 = jnp.min(jnp.where(s2 == m2, io8, NEXP), axis=1, keepdims=True)
    t = jnp.exp(m2 - m1)
    g1 = 1.0 / (1.0 + t)
    g2 = t / (1.0 + t)
    gates_ref[...] = jnp.concatenate([g1, g2], axis=1)

    oh0 = (io8 == i1).astype(jnp.float32)
    oh1 = (io8 == i2).astype(jnp.float32)
    oh = oh0 + oh1
    r = lax.broadcasted_iota(jnp.int32, (SEQ, SEQ), 0)
    c = lax.broadcasted_iota(jnp.int32, (SEQ, SEQ), 1)
    L = (r > c).astype(jnp.float32)
    excl = jnp.dot(L, oh, preferred_element_type=jnp.float32)
    pos0 = jnp.sum(excl * oh0, axis=1, keepdims=True)
    pos1 = jnp.sum(excl * oh1, axis=1, keepdims=True)

    cnt = jnp.sum(oh, axis=0, keepdims=True)
    cnti = cnt.astype(jnp.int32)
    nt_e = (cnti + (TILE - 1)) // TILE
    padded = (nt_e * TILE).astype(jnp.float32)
    re = lax.broadcasted_iota(jnp.int32, (NEXP, NEXP), 0)
    ce = lax.broadcasted_iota(jnp.int32, (NEXP, NEXP), 1)
    U = (re < ce).astype(jnp.float32)
    offs = jnp.dot(padded, U, preferred_element_type=jnp.float32)
    d0 = jnp.sum(offs * oh0, axis=1, keepdims=True) + pos0
    d1 = jnp.sum(offs * oh1, axis=1, keepdims=True) + pos1
    dests_ref[...] = jnp.concatenate([d0, d1], axis=1).astype(jnp.int32)

    tile_off = (offs.astype(jnp.int32)) // TILE
    ntot = jnp.sum(nt_e)
    nact_ref[0, 0] = ntot
    jt = lax.broadcasted_iota(jnp.int32, (NT_MAX, NEXP), 0)
    je = lax.broadcasted_iota(jnp.int32, (NT_MAX, NEXP), 1)
    act = jnp.logical_and(jt >= tile_off, jt < tile_off + nt_e)
    te = jnp.sum(jnp.where(act, je, 0), axis=1)
    e_last = jnp.max(jnp.where(nt_e > 0, lax.broadcasted_iota(
        jnp.int32, (1, NEXP), 1), -1))
    jrow = lax.broadcasted_iota(jnp.int32, (NT_MAX,), 0)
    tile_e_ref[...] = jnp.where(jrow < ntot, te, e_last)[None, :]


def _t4(score):
    return pl.pallas_call(
        _t4_body,
        out_specs=[
            pl.BlockSpec((SEQ, 2), lambda: (0, 0)),
            pl.BlockSpec((SEQ, 2), lambda: (0, 0)),
            pl.BlockSpec((1, NT_MAX), lambda: (0, 0)),
            pl.BlockSpec(memory_space=pltpu.SMEM),
        ],
        out_shape=[
            jax.ShapeDtypeStruct((SEQ, 2), jnp.float32),
            jax.ShapeDtypeStruct((SEQ, 2), jnp.int32),
            jax.ShapeDtypeStruct((1, NT_MAX), jnp.int32),
            jax.ShapeDtypeStruct((1, 1), jnp.int32),
        ],
    )(score)


def _t5_body(tile_e_ref, nact_ref, xs_ref, w1_ref, b1_ref, w2_ref, b2_ref,
             y_ref):
    i = pl.program_id(0)
    j = pl.program_id(1)

    @pl.when(i < nact_ref[0])
    def _():
        h = jnp.maximum(
            jnp.dot(xs_ref[...], w1_ref[0],
                    preferred_element_type=jnp.float32) + b1_ref[0], 0.0)
        part = jnp.dot(h, w2_ref[0], preferred_element_type=jnp.float32)

        @pl.when(j == 0)
        def _():
            y_ref[...] = part + b2_ref[0]

        @pl.when(j > 0)
        def _():
            y_ref[...] += part


def _t5(tile_e, nact, xs, eW1, eb1, eW2, eb2):
    grid_spec = pltpu.PrefetchScalarGridSpec(
        num_scalar_prefetch=2,
        grid=(NT_MAX, NFFC),
        in_specs=[
            pl.BlockSpec((TILE, E), lambda i, j, te, na: (i, 0)),
            pl.BlockSpec((1, E, FFC), lambda i, j, te, na: (te[i], 0, j)),
            pl.BlockSpec((1, 1, FFC), lambda i, j, te, na: (te[i], 0, j)),
            pl.BlockSpec((1, FFC, E), lambda i, j, te, na: (te[i], j, 0)),
            pl.BlockSpec((1, 1, E), lambda i, j, te, na: (te[i], 0, 0)),
        ],
        out_specs=pl.BlockSpec((TILE, E), lambda i, j, te, na: (i, 0)),
    )
    return pl.pallas_call(
        _t5_body,
        grid_spec=grid_spec,
        out_shape=jax.ShapeDtypeStruct((PTOT, E), jnp.float32),
    )(tile_e, nact, xs, eW1, eb1.reshape(NEXP, 1, FF), eW2,
      eb2.reshape(NEXP, 1, E))


def _t6_body(x3_ref, y0_ref, y1_ref, g_ref, s_ref, b_ref, w_ref, wb_ref,
             out_ref):
    g = g_ref[...]
    x4 = (g[:, 0:1] * y0_ref[...] + g[:, 1:2] * y1_ref[...] + x3_ref[...])
    xf = _ln(x4, s_ref[...], b_ref[...])
    out_ref[...] = jnp.dot(xf, w_ref[...],
                           preferred_element_type=jnp.float32) + wb_ref[...]


def _t6(x3, y0, y1, gates, lnf_s, lnf_b, Wout, bout):
    n = SEQ // TOK_BLK
    nv = VOCAB // VBLK
    return pl.pallas_call(
        _t6_body,
        grid=(nv, n),
        in_specs=[
            pl.BlockSpec((TOK_BLK, E), lambda v, i: (i, 0)),
            pl.BlockSpec((TOK_BLK, E), lambda v, i: (i, 0)),
            pl.BlockSpec((TOK_BLK, E), lambda v, i: (i, 0)),
            pl.BlockSpec((TOK_BLK, 2), lambda v, i: (i, 0)),
            pl.BlockSpec((1, E), lambda v, i: (0, 0)),
            pl.BlockSpec((1, E), lambda v, i: (0, 0)),
            pl.BlockSpec((E, VBLK), lambda v, i: (0, v)),
            pl.BlockSpec((1, VBLK), lambda v, i: (0, v)),
        ],
        out_specs=pl.BlockSpec((TOK_BLK, VBLK), lambda v, i: (i, v)),
        out_shape=jax.ShapeDtypeStruct((SEQ, VOCAB), jnp.float32),
    )(x3, y0, y1, gates, lnf_s.reshape(1, E), lnf_b.reshape(1, E), Wout,
      bout.reshape(1, VOCAB))


_MESH = dict(core_axis_name="c", subcore_axis_name="s")
_NW = 32
_LANES = 16


def _s1_emb(tok_emb, ids):
    bpw = SEQ // _NW

    @functools.partial(
        pl.kernel,
        mesh=plsc.VectorSubcoreMesh(**_MESH),
        out_type=jax.ShapeDtypeStruct((SEQ, E), jnp.float32),
        scratch_types=[
            pltpu.VMEM((bpw,), jnp.int32),
            pltpu.VMEM((bpw, E), jnp.float32),
            pltpu.SemaphoreType.DMA,
        ],
    )
    def k(tab_hbm, idx_hbm, out_hbm, idx_v, rows_v, sem):
        wid = lax.axis_index("s") * 2 + lax.axis_index("c")
        base = wid * bpw
        pltpu.sync_copy(idx_hbm.at[pl.ds(base, bpw)], idx_v)
        pltpu.async_copy(tab_hbm.at[idx_v], rows_v, sem).wait()
        pltpu.sync_copy(rows_v, out_hbm.at[pl.ds(base, bpw)])

    return k(tok_emb, ids)


def _s2_scatter(dests):
    nch = SEQ // _LANES

    @functools.partial(
        pl.kernel,
        mesh=plsc.VectorSubcoreMesh(**_MESH),
        out_type=jax.ShapeDtypeStruct((PTOT,), jnp.int32),
        scratch_types=[
            pltpu.VMEM((PTOT,), jnp.int32),
            pltpu.VMEM((SEQ,), jnp.int32),
            pltpu.VMEM((SEQ,), jnp.int32),
        ],
        compiler_params=pltpu.CompilerParams(needs_layout_passes=False),
    )
    def k(d0_hbm, d1_hbm, out_hbm, st_v, d0_v, d1_v):
        wid = lax.axis_index("s") * 2 + lax.axis_index("c")

        @pl.when(wid == 0)
        def _():
            zero = jnp.zeros((_LANES,), jnp.int32)
            io = lax.iota(jnp.int32, _LANES)

            def zbody(q, carry):
                st_v[pl.ds(q * _LANES, _LANES)] = zero
                return carry

            lax.fori_loop(0, PTOT // _LANES, zbody, 0)
            pltpu.sync_copy(d0_hbm, d0_v)
            pltpu.sync_copy(d1_hbm, d1_v)

            def sbody(q, carry):
                toks = io + (q * _LANES)
                plsc.store_scatter(st_v, [d0_v[pl.ds(q * _LANES, _LANES)]],
                                   toks)
                plsc.store_scatter(st_v, [d1_v[pl.ds(q * _LANES, _LANES)]],
                                   toks)
                return carry

            lax.fori_loop(0, nch, sbody, 0)
            pltpu.sync_copy(st_v, out_hbm)

    d0 = dests[:, 0].reshape(SEQ)
    d1 = dests[:, 1].reshape(SEQ)
    return k(d0, d1)


def _s3_gather_rows(src, idx, nrows, ncols):
    bpw = nrows // _NW
    chunk = 64
    nloop = bpw // chunk

    @functools.partial(
        pl.kernel,
        mesh=plsc.VectorSubcoreMesh(**_MESH),
        out_type=jax.ShapeDtypeStruct((nrows, ncols), jnp.float32),
        scratch_types=[
            pltpu.VMEM((bpw,), jnp.int32),
            pltpu.VMEM((chunk, ncols), jnp.float32),
            pltpu.SemaphoreType.DMA,
        ],
    )
    def k(src_hbm, idx_hbm, out_hbm, idx_v, rows_v, sem):
        wid = lax.axis_index("s") * 2 + lax.axis_index("c")
        base = wid * bpw
        pltpu.sync_copy(idx_hbm.at[pl.ds(base, bpw)], idx_v)
        for q in range(nloop):
            pltpu.async_copy(src_hbm.at[idx_v.at[pl.ds(q * chunk, chunk)]],
                             rows_v, sem).wait()
            pltpu.sync_copy(rows_v, out_hbm.at[pl.ds(base + q * chunk, chunk)])

    return k(src, idx)


def kernel(inputs, tok_emb, pos_emb, ln1_s, ln1_b, ln2_s, ln2_b, Wq, bq, Wk,
           bk, Wv, bv, Wp, bp, rW1, rb1, rW2, rb2, eW1, eb1, eW2, eb2, lnf_s,
           lnf_b, Wout, bout):
    ids = inputs.reshape(SEQ).astype(jnp.int32)

    wq = jnp.transpose(Wq, (1, 0, 2)).reshape(E, NH * HS)
    wk = jnp.transpose(Wk, (1, 0, 2)).reshape(E, NH * HS)
    wv = jnp.transpose(Wv, (1, 0, 2)).reshape(E, NH * HS)
    wqkv = jnp.concatenate([wq, wk, wv], axis=1)
    bqkv = jnp.concatenate([bq.reshape(1, NH * HS), bk.reshape(1, NH * HS),
                            bv.reshape(1, NH * HS)], axis=1)

    emb = _s1_emb(tok_emb, ids)
    x1, qkv = _t1(emb, pos_emb, ln1_s, ln1_b, wqkv, bqkv)
    qkv3 = qkv.reshape(SEQ, 3 * NH, HS).transpose(1, 0, 2)
    o3 = _t2(qkv3)
    o = o3.transpose(1, 0, 2).reshape(SEQ, E)
    x3, score = _t3(o, x1, Wp, bp, ln2_s, ln2_b, rW1, rb1, rW2, rb2)
    gates, dests, tile_e, nact = _t4(score)

    sorted_tok = _s2_scatter(dests)
    xs = _s3_gather_rows(x3, sorted_tok, PTOT, E)
    y = _t5(tile_e.reshape(NT_MAX), nact.reshape(1), xs, eW1, eb1, eW2, eb2)
    y0 = _s3_gather_rows(y, dests[:, 0].reshape(SEQ), SEQ, E)
    y1 = _s3_gather_rows(y, dests[:, 1].reshape(SEQ), SEQ, E)

    logits = _t6(x3, y0, y1, gates, lnf_s, lnf_b, Wout, bout)
    return logits.reshape(1, SEQ, VOCAB)

# --- scband reference (transcript-rebuilt; emitter-appended) ---
"""Pipeline reference for scband-sparse-mo-etransformer-25074019074701 (READ-ONLY COPY).

The authoritative reference and input builder live on the scoring server;
editing this copy changes nothing except your own understanding.
"""

import jax, jax.numpy as jnp
import numpy as np

VOCAB = 8192
SEQ = 2048
B = 1
E = 768
NH = 12
HS = E // NH
FF = 4 * E
NEXP = 8
TOPK = 2


def _p(key, shape, scale=0.02):
    return scale * jax.random.normal(key, shape, dtype=jnp.float32)


def setup_inputs(seed: int = 0):
    key = jax.random.key(seed)
    ks = jax.random.split(key, 16)
    inp = {}
    inp['inputs'] = jax.random.randint(ks[0], (B, SEQ), 0, VOCAB, dtype=jnp.int32)
    inp['tok_emb'] = _p(ks[1], (VOCAB, E))
    inp['pos_emb'] = _p(ks[2], (SEQ, E))
    inp['ln1_s'] = jnp.ones((E,), jnp.float32)
    inp['ln1_b'] = jnp.zeros((E,), jnp.float32)
    inp['ln2_s'] = jnp.ones((E,), jnp.float32)
    inp['ln2_b'] = jnp.zeros((E,), jnp.float32)
    inp['Wq'] = _p(ks[3], (NH, E, HS))
    inp['bq'] = jnp.zeros((NH, HS), jnp.float32)
    inp['Wk'] = _p(ks[4], (NH, E, HS))
    inp['bk'] = jnp.zeros((NH, HS), jnp.float32)
    inp['Wv'] = _p(ks[5], (NH, E, HS))
    inp['bv'] = jnp.zeros((NH, HS), jnp.float32)
    inp['Wp'] = _p(ks[6], (E, E))
    inp['bp'] = jnp.zeros((E,), jnp.float32)
    inp['rW1'] = _p(ks[7], (E, FF))
    inp['rb1'] = jnp.zeros((FF,), jnp.float32)
    inp['rW2'] = _p(ks[8], (FF, NEXP))
    inp['rb2'] = jnp.zeros((NEXP,), jnp.float32)
    inp['eW1'] = _p(ks[9], (NEXP, E, FF))
    inp['eb1'] = jnp.zeros((NEXP, FF), jnp.float32)
    inp['eW2'] = _p(ks[10], (NEXP, FF, E))
    inp['eb2'] = jnp.zeros((NEXP, E), jnp.float32)
    inp['lnf_s'] = jnp.ones((E,), jnp.float32)
    inp['lnf_b'] = jnp.zeros((E,), jnp.float32)
    inp['Wout'] = _p(ks[11], (E, VOCAB))
    inp['bout'] = jnp.zeros((VOCAB,), jnp.float32)
    return inp


def _layernorm(x, s, b, eps=1e-5):
    mu = jnp.mean(x, axis=-1, keepdims=True)
    var = jnp.mean((x - mu) ** 2, axis=-1, keepdims=True)
    return (x - mu) / jnp.sqrt(var + eps) * s + b


def _forward(inputs, tok_emb, pos_emb, ln1_s, ln1_b, ln2_s, ln2_b, Wq, bq, Wk, bk, Wv, bv, Wp, bp, rW1, rb1, rW2, rb2, eW1, eb1, eW2, eb2, lnf_s, lnf_b, Wout, bout):
    bsz, seq_len = inputs.shape
    # embedding lookup (gather) + positional embedding
    emb = jnp.take(tok_emb, inputs, axis=0) + pos_emb[jnp.arange(seq_len)][None, :, :]
    # NOTE: the original torch loop feeds the SAME embedding to every block and keeps
    # only the LAST block's output (attens is overwritten each iteration), so with
    # n_layers=1 a single block is exactly faithful.
    x = _layernorm(emb, ln1_s, ln1_b)
    # multi-head attention (per-head linear projections stacked on axis 0)
    q = jnp.einsum('bse,hed->bhsd', x, Wq) + bq[None, :, None, :]
    k = jnp.einsum('bse,hed->bhsd', x, Wk) + bk[None, :, None, :]
    v = jnp.einsum('bse,hed->bhsd', x, Wv) + bv[None, :, None, :]
    # original divides by embed_size ** 0.5 (not head_size) - keep faithful
    att = jnp.einsum('bhsd,bhtd->bhst', q, k) / (E ** 0.5)
    tril = jnp.tril(jnp.ones((seq_len, seq_len), dtype=jnp.float32))
    att = jnp.where(tril[None, None, :, :] == 0, -jnp.inf, att)
    att = jax.nn.softmax(att, axis=-1)
    o = jnp.einsum('bhst,bhtd->bhsd', att, v)
    o = jnp.transpose(o, (0, 2, 1, 3)).reshape(bsz, seq_len, E)
    x = o @ Wp + bp + x  # residual adds post-ln1 activations (faithful to original)
    x = _layernorm(x, ln2_s, ln2_b)
    # sparse MoE: router -> top-k mask -> softmax over selected experts
    score = jax.nn.relu(x @ rW1 + rb1) @ rW2 + rb2  # [B, S, NEXP]
    _, topk_idx = jax.lax.top_k(score, TOPK)
    sel = jax.nn.one_hot(topk_idx, NEXP, dtype=jnp.float32).sum(axis=-2) > 0
    masked = jnp.where(sel, score, -jnp.inf)
    router = jax.nn.softmax(masked, axis=-1)  # zeros at non-selected experts
    # dense dispatch: non-selected experts get exactly zero gate weight, so
    # weighting all expert outputs by router is math-identical to masked dispatch
    h = jax.nn.relu(jnp.einsum('bse,nef->bsnf', x, eW1) + eb1[None, None, :, :])
    eo = jnp.einsum('bsnf,nfe->bsne', h, eW2) + eb2[None, None, :, :]
    moe = jnp.einsum('bsne,bsn->bse', eo, router)
    x = moe + x
    logits = _layernorm(x, lnf_s, lnf_b) @ Wout + bout
    return logits


def reference(inputs, tok_emb, pos_emb, ln1_s, ln1_b, ln2_s, ln2_b, Wq, bq, Wk, bk, Wv, bv, Wp, bp, rW1, rb1, rW2, rb2, eW1, eb1, eW2, eb2, lnf_s, lnf_b, Wout, bout):
    return _forward(inputs, tok_emb, pos_emb, ln1_s, ln1_b, ln2_s, ln2_b, Wq, bq, Wk, bk, Wv, bv, Wp, bp, rW1, rb1, rW2, rb2, eW1, eb1, eW2, eb2, lnf_s, lnf_b, Wout, bout)

if __name__ == "__main__":
    import jax
    _d = setup_inputs()
    print(jax.jit(kernel)(*tuple(_d.values())))

</pallas_src>

<mosaic_0001>
#map = affine_map<(d0, d1) -> (0, 0)>
#map1 = affine_map<(d0, d1) -> (0)>
module attributes {stable_mosaic.version = 14 : i64} {
  func.func @k(%arg0: i32, %arg1: i32, %arg2: memref<2048x768xf32, #tpu.memory_space<hbm>>, %arg3: memref<8192xi32, #tpu.memory_space<hbm>>, %arg4: memref<8192x768xf32, #tpu.memory_space<hbm>>, %arg5: memref<256xi32, #tpu.memory_space<vmem>>, %arg6: memref<64x768xf32, #tpu.memory_space<vmem>>, %arg7: memref<!tpu.dma_semaphore, #tpu.memory_space<semaphore_mem>>) attributes {dimension_semantics = [#tpu.dimension_semantics<core_parallel>, #tpu.dimension_semantics<subcore_parallel>], iteration_bounds = array<i64: 2, 16>, scalar_prefetch = 0 : i64, scratch_operands = 3 : i64, tpu.core_type = #tpu.core_type<sc_vector_subcore>, window_params = [{transform_indices = #map}, {transform_indices = #map1}, {transform_indices = #map}]} {
    %mul3A = arith.constant 2 : i32
    %mul3A_0 = arith.muli %arg1, %mul3A : i32
    %add3A = arith.addi %mul3A_0, %arg0 : i32
    %mul3A_1 = arith.constant 256 : i32
    %mul3A_2 = arith.muli %add3A, %mul3A_1 : i32
    "tpu.region"() ({
      %run_scoped3A = tpu.sem_alloc : memref<!tpu.dma_semaphore, #tpu.memory_space<semaphore_mem>>
      %dma_start3A_49 = tpu.memref_slice %arg3[%mul3A_2] : memref<8192xi32, #tpu.memory_space<hbm>> -> memref<256xi32, #tpu.memory_space<hbm>>
      %dma_start3A_50 = tpu.memref_slice %arg3[%mul3A_2] : memref<8192xi32, #tpu.memory_space<hbm>> -> memref<256xi32, #tpu.memory_space<hbm>>
      tpu.enqueue_dma source(%dma_start3A_50 : memref<256xi32, #tpu.memory_space<hbm>>) target(%arg5 : memref<256xi32, #tpu.memory_space<vmem>>) target_semaphore(%run_scoped3A : memref<!tpu.dma_semaphore, #tpu.memory_space<semaphore_mem>>)
      %dma_wait3A_51 = tpu.memref_slice %arg3[%mul3A_2] : memref<8192xi32, #tpu.memory_space<hbm>> -> memref<256xi32, #tpu.memory_space<hbm>>
      %dma_wait3A_52 = tpu.memref_slice %arg3[%mul3A_2] : memref<8192xi32, #tpu.memory_space<hbm>> -> memref<256xi32, #tpu.memory_space<hbm>>
      tpu.wait_dma2 semaphore(%run_scoped3A : memref<!tpu.dma_semaphore, #tpu.memory_space<semaphore_mem>>) src(%dma_wait3A_52 : memref<256xi32, #tpu.memory_space<hbm>>) dst(%arg5 : memref<256xi32, #tpu.memory_space<vmem>>)
      tpu.yield
    }) : () -> ()
    %dma_start3A = arith.constant 0 : i32
    %dma_start3A_3 = tpu.memref_slice %arg5[%dma_start3A] : memref<256xi32, #tpu.memory_space<vmem>> -> memref<64xi32, #tpu.memory_space<vmem>>
    %dma_start3A_4 = arith.constant 0 : i32
    %dma_start3A_5 = arith.constant 0 : i32
    %dma_start3A_6 = tpu.memref_slice %arg2[%dma_start3A_4, %dma_start3A_5] : memref<2048x768xf32, #tpu.memory_space<hbm>> -> memref<2048x768xf32, #tpu.memory_space<hbm>>
    tpu.enqueue_indirect_dma source(%dma_start3A_6 : memref<2048x768xf32, #tpu.memory_space<hbm>>) target(%arg6 : memref<64x768xf32, #tpu.memory_space<vmem>>) offsets(%dma_start3A_3 : memref<64xi32, #tpu.memory_space<vmem>>) semaphore(%arg7 : memref<!tpu.dma_semaphore, #tpu.memory_space<semaphore_mem>>)
    %dma_wait3A = arith.constant 0 : i32
    %dma_wait3A_7 = tpu.memref_slice %arg5[%dma_wait3A] : memref<256xi32, #tpu.memory_space<vmem>> -> memref<64xi32, #tpu.memory_space<vmem>>
    %dma_wait3A_8 = arith.constant 0 : i32
    %dma_wait3A_9 = arith.constant 0 : i32
    %dma_wait3A_10 = tpu.memref_slice %arg2[%dma_wait3A_8, %dma_wait3A_9] : memref<2048x768xf32, #tpu.memory_space<hbm>> -> memref<2048x768xf32, #tpu.memory_space<hbm>>
    tpu.wait_indirect_dma semaphore(%arg7 : memref<!tpu.dma_semaphore, #tpu.memory_space<semaphore_mem>>) src(%dma_wait3A_10 : memref<2048x768xf32, #tpu.memory_space<hbm>>) dst(%arg6 : memref<64x768xf32, #tpu.memory_space<vmem>>)
    %add3A_11 = arith.constant 0 : i32
    %add3A_12 = arith.addi %mul3A_2, %add3A_11 : i32
    "tpu.region"() ({
      %run_scoped3A = tpu.sem_alloc : memref<!tpu.dma_semaphore, #tpu.memory_space<semaphore_mem>>
      %dma_start3A_49 = arith.constant 0 : i32
      %dma_start3A_50 = tpu.memref_slice %arg4[%add3A_12, %dma_start3A_49] : memref<8192x768xf32, #tpu.memory_space<hbm>> -> memref<64x768xf32, #tpu.memory_space<hbm>>
      %dma_start3A_51 = arith.constant 0 : i32
      %dma_start3A_52 = tpu.memref_slice %arg4[%add3A_12, %dma_start3A_51] : memref<8192x768xf32, #tpu.memory_space<hbm>> -> memref<64x768xf32, #tpu.memory_space<hbm>>
      tpu.enqueue_dma source(%arg6 : memref<64x768xf32, #tpu.memory_space<vmem>>) target(%dma_start3A_52 : memref<64x768xf32, #tpu.memory_space<hbm>>) target_semaphore(%run_scoped3A : memref<!tpu.dma_semaphore, #tpu.memory_space<semaphore_mem>>)
      %dma_wait3A_53 = arith.constant 0 : i32
      %dma_wait3A_54 = tpu.memref_slice %arg4[%add3A_12, %dma_wait3A_53] : memref<8192x768xf32, #tpu.memory_space<hbm>> -> memref<64x768xf32, #tpu.memory_space<hbm>>
      %dma_wait3A_55 = arith.constant 0 : i32
      %dma_wait3A_56 = tpu.memref_slice %arg4[%add3A_12, %dma_wait3A_55] : memref<8192x768xf32, #tpu.memory_space<hbm>> -> memref<64x768xf32, #tpu.memory_space<hbm>>
      tpu.wait_dma2 semaphore(%run_scoped3A : memref<!tpu.dma_semaphore, #tpu.memory_space<semaphore_mem>>) src(%arg6 : memref<64x768xf32, #tpu.memory_space<vmem>>) dst(%dma_wait3A_56 : memref<64x768xf32, #tpu.memory_space<hbm>>)
      tpu.yield
    }) : () -> ()
    %dma_start3A_13 = arith.constant 64 : i32
    %dma_start3A_14 = tpu.memref_slice %arg5[%dma_start3A_13] : memref<256xi32, #tpu.memory_space<vmem>> -> memref<64xi32, #tpu.memory_space<vmem>>
    %dma_start3A_15 = arith.constant 0 : i32
    %dma_start3A_16 = arith.constant 0 : i32
    %dma_start3A_17 = tpu.memref_slice %arg2[%dma_start3A_15, %dma_start3A_16] : memref<2048x768xf32, #tpu.memory_space<hbm>> -> memref<2048x768xf32, #tpu.memory_space<hbm>>
    tpu.enqueue_indirect_dma source(%dma_start3A_17 : memref<2048x768xf32, #tpu.memory_space<hbm>>) target(%arg6 : memref<64x768xf32, #tpu.memory_space<vmem>>) offsets(%dma_start3A_14 : memref<64xi32, #tpu.memory_space<vmem>>) semaphore(%arg7 : memref<!tpu.dma_semaphore, #tpu.memory_space<semaphore_mem>>)
    %dma_wait3A_18 = arith.constant 64 : i32
    %dma_wait3A_19 = tpu.memref_slice %arg5[%dma_wait3A_18] : memref<256xi32, #tpu.memory_space<vmem>> -> memref<64xi32, #tpu.memory_space<vmem>>
    %dma_wait3A_20 = arith.constant 0 : i32
    %dma_wait3A_21 = arith.constant 0 : i32
    %dma_wait3A_22 = tpu.memref_slice %arg2[%dma_wait3A_20, %dma_wait3A_21] : memref<2048x768xf32, #tpu.memory_space<hbm>> -> memref<2048x768xf32, #tpu.memory_space<hbm>>
    tpu.wait_indirect_dma semaphore(%arg7 : memref<!tpu.dma_semaphore, #tpu.memory_space<semaphore_mem>>) src(%dma_wait3A_22 : memref<2048x768xf32, #tpu.memory_space<hbm>>) dst(%arg6 : memref<64x768xf32, #tpu.memory_space<vmem>>)
    %add3A_23 = arith.constant 64 : i32
    %add3A_24 = arith.addi %mul3A_2, %add3A_23 : i32
    "tpu.region"() ({
      %run_scoped3A = tpu.sem_alloc : memref<!tpu.dma_semaphore, #tpu.memory_space<semaphore_mem>>
      %dma_start3A_49 = arith.constant 0 : i32
      %dma_start3A_50 = tpu.memref_slice %arg4[%add3A_24, %dma_start3A_49] : memref<8192x768xf32, #tpu.memory_space<hbm>> -> memref<64x768xf32, #tpu.memory_space<hbm>>
      %dma_start3A_51 = arith.constant 0 : i32
      %dma_start3A_52 = tpu.memref_slice %arg4[%add3A_24, %dma_start3A_51] : memref<8192x768xf32, #tpu.memory_space<hbm>> -> memref<64x768xf32, #tpu.memory_space<hbm>>
      tpu.enqueue_dma source(%arg6 : memref<64x768xf32, #tpu.memory_space<vmem>>) target(%dma_start3A_52 : memref<64x768xf32, #tpu.memory_space<hbm>>) target_semaphore(%run_scoped3A : memref<!tpu.dma_semaphore, #tpu.memory_space<semaphore_mem>>)
      %dma_wait3A_53 = arith.constant 0 : i32
      %dma_wait3A_54 = tpu.memref_slice %arg4[%add3A_24, %dma_wait3A_53] : memref<8192x768xf32, #tpu.memory_space<hbm>> -> memref<64x768xf32, #tpu.memory_space<hbm>>
      %dma_wait3A_55 = arith.constant 0 : i32
      %dma_wait3A_56 = tpu.memref_slice %arg4[%add3A_24, %dma_wait3A_55] : memref<8192x768xf32, #tpu.memory_space<hbm>> -> memref<64x768xf32, #tpu.memory_space<hbm>>
      tpu.wait_dma2 semaphore(%run_scoped3A : memref<!tpu.dma_semaphore, #tpu.memory_space<semaphore_mem>>) src(%arg6 : memref<64x768xf32, #tpu.memory_space<vmem>>) dst(%dma_wait3A_56 : memref<64x768xf32, #tpu.memory_space<hbm>>)
      tpu.yield
    }) : () -> ()
    %dma_start3A_25 = arith.constant 128 : i32
    %dma_start3A_26 = tpu.memref_slice %arg5[%dma_start3A_25] : memref<256xi32, #tpu.memory_space<vmem>> -> memref<64xi32, #tpu.memory_space<vmem>>
    %dma_start3A_27 = arith.constant 0 : i32
    %dma_start3A_28 = arith.constant 0 : i32
    %dma_start3A_29 = tpu.memref_slice %arg2[%dma_start3A_27, %dma_start3A_28] : memref<2048x768xf32, #tpu.memory_space<hbm>> -> memref<2048x768xf32, #tpu.memory_space<hbm>>
    tpu.enqueue_indirect_dma source(%dma_start3A_29 : memref<2048x768xf32, #tpu.memory_space<hbm>>) target(%arg6 : memref<64x768xf32, #tpu.memory_space<vmem>>) offsets(%dma_start3A_26 : memref<64xi32, #tpu.memory_space<vmem>>) semaphore(%arg7 : memref<!tpu.dma_semaphore, #tpu.memory_space<semaphore_mem>>)
    %dma_wait3A_30 = arith.constant 128 : i32
    %dma_wait3A_31 = tpu.memref_slice %arg5[%dma_wait3A_30] : memref<256xi32, #tpu.memory_space<vmem>> -> memref<64xi32, #tpu.memory_space<vmem>>
    %dma_wait3A_32 = arith.constant 0 : i32
    %dma_wait3A_33 = arith.constant 0 : i32
    %dma_wait3A_34 = tpu.memref_slice %arg2[%dma_wait3A_32, %dma_wait3A_33] : memref<2048x768xf32, #tpu.memory_space<hbm>> -> memref<2048x768xf32, #tpu.memory_space<hbm>>
    tpu.wait_indirect_dma semaphore(%arg7 : memref<!tpu.dma_semaphore, #tpu.memory_space<semaphore_mem>>) src(%dma_wait3A_34 : memref<2048x768xf32, #tpu.memory_space<hbm>>) dst(%arg6 : memref<64x768xf32, #tpu.memory_space<vmem>>)
    %add3A_35 = arith.constant 128 : i32
    %add3A_36 = arith.addi %mul3A_2, %add3A_35 : i32
    "tpu.region"() ({
      %run_scoped3A = tpu.sem_alloc : memref<!tpu.dma_semaphore, #tpu.memory_space<semaphore_mem>>
      %dma_start3A_49 = arith.constant 0 : i32
      %dma_start3A_50 = tpu.memref_slice %arg4[%add3A_36, %dma_start3A_49] : memref<8192x768xf32, #tpu.memory_space<hbm>> -> memref<64x768xf32, #tpu.memory_space<hbm>>
      %dma_start3A_51 = arith.constant 0 : i32
      %dma_start3A_52 = tpu.memref_slice %arg4[%add3A_36, %dma_start3A_51] : memref<8192x768xf32, #tpu.memory_space<hbm>> -> memref<64x768xf32, #tpu.memory_space<hbm>>
      tpu.enqueue_dma source(%arg6 : memref<64x768xf32, #tpu.memory_space<vmem>>) target(%dma_start3A_52 : memref<64x768xf32, #tpu.memory_space<hbm>>) target_semaphore(%run_scoped3A : memref<!tpu.dma_semaphore, #tpu.memory_space<semaphore_mem>>)
      %dma_wait3A_53 = arith.constant 0 : i32
      %dma_wait3A_54 = tpu.memref_slice %arg4[%add3A_36, %dma_wait3A_53] : memref<8192x768xf32, #tpu.memory_space<hbm>> -> memref<64x768xf32, #tpu.memory_space<hbm>>
      %dma_wait3A_55 = arith.constant 0 : i32
      %dma_wait3A_56 = tpu.memref_slice %arg4[%add3A_36, %dma_wait3A_55] : memref<8192x768xf32, #tpu.memory_space<hbm>> -> memref<64x768xf32, #tpu.memory_space<hbm>>
      tpu.wait_dma2 semaphore(%run_scoped3A : memref<!tpu.dma_semaphore, #tpu.memory_space<semaphore_mem>>) src(%arg6 : memref<64x768xf32, #tpu.memory_space<vmem>>) dst(%dma_wait3A_56 : memref<64x768xf32, #tpu.memory_space<hbm>>)
      tpu.yield
    }) : () -> ()
    %dma_start3A_37 = arith.constant 192 : i32
    %dma_start3A_38 = tpu.memref_slice %arg5[%dma_start3A_37] : memref<256xi32, #tpu.memory_space<vmem>> -> memref<64xi32, #tpu.memory_space<vmem>>
    %dma_start3A_39 = arith.constant 0 : i32
    %dma_start3A_40 = arith.constant 0 : i32
    %dma_start3A_41 = tpu.memref_slice %arg2[%dma_start3A_39, %dma_start3A_40] : memref<2048x768xf32, #tpu.memory_space<hbm>> -> memref<2048x768xf32, #tpu.memory_space<hbm>>
    tpu.enqueue_indirect_dma source(%dma_start3A_41 : memref<2048x768xf32, #tpu.memory_space<hbm>>) target(%arg6 : memref<64x768xf32, #tpu.memory_space<vmem>>) offsets(%dma_start3A_38 : memref<64xi32, #tpu.memory_space<vmem>>) semaphore(%arg7 : memref<!tpu.dma_semaphore, #tpu.memory_space<semaphore_mem>>)
    %dma_wait3A_42 = arith.constant 192 : i32
    %dma_wait3A_43 = tpu.memref_slice %arg5[%dma_wait3A_42] : memref<256xi32, #tpu.memory_space<vmem>> -> memref<64xi32, #tpu.memory_space<vmem>>
    %dma_wait3A_44 = arith.constant 0 : i32
    %dma_wait3A_45 = arith.constant 0 : i32
    %dma_wait3A_46 = tpu.memref_slice %arg2[%dma_wait3A_44, %dma_wait3A_45] : memref<2048x768xf32, #tpu.memory_space<hbm>> -> memref<2048x768xf32, #tpu.memory_space<hbm>>
    tpu.wait_indirect_dma semaphore(%arg7 : memref<!tpu.dma_semaphore, #tpu.memory_space<semaphore_mem>>) src(%dma_wait3A_46 : memref<2048x768xf32, #tpu.memory_space<hbm>>) dst(%arg6 : memref<64x768xf32, #tpu.memory_space<vmem>>)
    %add3A_47 = arith.constant 192 : i32
    %add3A_48 = arith.addi %mul3A_2, %add3A_47 : i32
    "tpu.region"() ({
      %run_scoped3A = tpu.sem_alloc : memref<!tpu.dma_semaphore, #tpu.memory_space<semaphore_mem>>
      %dma_start3A_49 = arith.constant 0 : i32
      %dma_start3A_50 = tpu.memref_slice %arg4[%add3A_48, %dma_start3A_49] : memref<8192x768xf32, #tpu.memory_space<hbm>> -> memref<64x768xf32, #tpu.memory_space<hbm>>
      %dma_start3A_51 = arith.constant 0 : i32
      %dma_start3A_52 = tpu.memref_slice %arg4[%add3A_48, %dma_start3A_51] : memref<8192x768xf32, #tpu.memory_space<hbm>> -> memref<64x768xf32, #tpu.memory_space<hbm>>
      tpu.enqueue_dma source(%arg6 : memref<64x768xf32, #tpu.memory_space<vmem>>) target(%dma_start3A_52 : memref<64x768xf32, #tpu.memory_space<hbm>>) target_semaphore(%run_scoped3A : memref<!tpu.dma_semaphore, #tpu.memory_space<semaphore_mem>>)
      %dma_wait3A_53 = arith.constant 0 : i32
      %dma_wait3A_54 = tpu.memref_slice %arg4[%add3A_48, %dma_wait3A_53] : memref<8192x768xf32, #tpu.memory_space<hbm>> -> memref<64x768xf32, #tpu.memory_space<hbm>>
      %dma_wait3A_55 = arith.constant 0 : i32
      %dma_wait3A_56 = tpu.memref_slice %arg4[%add3A_48, %dma_wait3A_55] : memref<8192x768xf32, #tpu.memory_space<hbm>> -> memref<64x768xf32, #tpu.memory_space<hbm>>
      tpu.wait_dma2 semaphore(%run_scoped3A : memref<!tpu.dma_semaphore, #tpu.memory_space<semaphore_mem>>) src(%arg6 : memref<64x768xf32, #tpu.memory_space<vmem>>) dst(%dma_wait3A_56 : memref<64x768xf32, #tpu.memory_space<hbm>>)
      tpu.yield
    }) : () -> ()
    return
  }
}

#map = affine_map<(d0, d1) -> (0, 0)>
#map1 = affine_map<(d0, d1) -> (0)>
module attributes {stable_mosaic.version = 14 : i64} {
  func.func @k(%arg0: i32, %arg1: i32, %arg2: memref<8192x768xf32, #tpu.memory_space<hbm>>, %arg3: memref<2048xi32, #tpu.memory_space<hbm>>, %arg4: memref<2048x768xf32, #tpu.memory_space<hbm>>, %arg5: memref<64xi32, #tpu.memory_space<vmem>>, %arg6: memref<64x768xf32, #tpu.memory_space<vmem>>, %arg7: memref<!tpu.dma_semaphore, #tpu.memory_space<semaphore_mem>>) attributes {dimension_semantics = [#tpu.dimension_semantics<core_parallel>, #tpu.dimension_semantics<subcore_parallel>], iteration_bounds = array<i64: 2, 16>, scalar_prefetch = 0 : i64, scratch_operands = 3 : i64, tpu.core_type = #tpu.core_type<sc_vector_subcore>, window_params = [{transform_indices = #map}, {transform_indices = #map1}, {transform_indices = #map}]} {
    %mul3A = arith.constant 2 : i32
    %mul3A_0 = arith.muli %arg1, %mul3A : i32
    %add3A = arith.addi %mul3A_0, %arg0 : i32
    %mul3A_1 = arith.constant 64 : i32
    %mul3A_2 = arith.muli %add3A, %mul3A_1 : i32
    "tpu.region"() ({
      %run_scoped3A = tpu.sem_alloc : memref<!tpu.dma_semaphore, #tpu.memory_space<semaphore_mem>>
      %dma_start3A_13 = tpu.memref_slice %arg3[%mul3A_2] : memref<2048xi32, #tpu.memory_space<hbm>> -> memref<64xi32, #tpu.memory_space<hbm>>
      %dma_start3A_14 = tpu.memref_slice %arg3[%mul3A_2] : memref<2048xi32, #tpu.memory_space<hbm>> -> memref<64xi32, #tpu.memory_space<hbm>>
      tpu.enqueue_dma source(%dma_start3A_14 : memref<64xi32, #tpu.memory_space<hbm>>) target(%arg5 : memref<64xi32, #tpu.memory_space<vmem>>) target_semaphore(%run_scoped3A : memref<!tpu.dma_semaphore, #tpu.memory_space<semaphore_mem>>)
      %dma_wait3A_15 = tpu.memref_slice %arg3[%mul3A_2] : memref<2048xi32, #tpu.memory_space<hbm>> -> memref<64xi32, #tpu.memory_space<hbm>>
      %dma_wait3A_16 = tpu.memref_slice %arg3[%mul3A_2] : memref<2048xi32, #tpu.memory_space<hbm>> -> memref<64xi32, #tpu.memory_space<hbm>>
      tpu.wait_dma2 semaphore(%run_scoped3A : memref<!tpu.dma_semaphore, #tpu.memory_space<semaphore_mem>>) src(%dma_wait3A_16 : memref<64xi32, #tpu.memory_space<hbm>>) dst(%arg5 : memref<64xi32, #tpu.memory_space<vmem>>)
      tpu.yield
    }) : () -> ()
    %dma_start3A = arith.constant 0 : i32
    %dma_start3A_3 = tpu.memref_slice %arg5[%dma_start3A] : memref<64xi32, #tpu.memory_space<vmem>> -> memref<64xi32, #tpu.memory_space<vmem>>
    %dma_start3A_4 = arith.constant 0 : i32
    %dma_start3A_5 = arith.constant 0 : i32
    %dma_start3A_6 = tpu.memref_slice %arg2[%dma_start3A_4, %dma_start3A_5] : memref<8192x768xf32, #tpu.memory_space<hbm>> -> memref<8192x768xf32, #tpu.memory_space<hbm>>
    tpu.enqueue_indirect_dma source(%dma_start3A_6 : memref<8192x768xf32, #tpu.memory_space<hbm>>) target(%arg6 : memref<64x768xf32, #tpu.memory_space<vmem>>) offsets(%dma_start3A_3 : memref<64xi32, #tpu.memory_space<vmem>>) semaphore(%arg7 : memref<!tpu.dma_semaphore, #tpu.memory_space<semaphore_mem>>)
    %dma_wait3A = arith.constant 0 : i32
    %dma_wait3A_7 = tpu.memref_slice %arg5[%dma_wait3A] : memref<64xi32, #tpu.memory_space<vmem>> -> memref<64xi32, #tpu.memory_space<vmem>>
    %dma_wait3A_8 = arith.constant 0 : i32
    %dma_wait3A_9 = arith.constant 0 : i32
    %dma_wait3A_10 = tpu.memref_slice %arg2[%dma_wait3A_8, %dma_wait3A_9] : memref<8192x768xf32, #tpu.memory_space<hbm>> -> memref<8192x768xf32, #tpu.memory_space<hbm>>
    tpu.wait_indirect_dma semaphore(%arg7 : memref<!tpu.dma_semaphore, #tpu.memory_space<semaphore_mem>>) src(%dma_wait3A_10 : memref<8192x768xf32, #tpu.memory_space<hbm>>) dst(%arg6 : memref<64x768xf32, #tpu.memory_space<vmem>>)
    %add3A_11 = arith.constant 0 : i32
    %add3A_12 = arith.addi %mul3A_2, %add3A_11 : i32
    "tpu.region"() ({
      %run_scoped3A = tpu.sem_alloc : memref<!tpu.dma_semaphore, #tpu.memory_space<semaphore_mem>>
      %dma_start3A_13 = arith.constant 0 : i32
      %dma_start3A_14 = tpu.memref_slice %arg4[%add3A_12, %dma_start3A_13] : memref<2048x768xf32, #tpu.memory_space<hbm>> -> memref<64x768xf32, #tpu.memory_space<hbm>>
      %dma_start3A_15 = arith.constant 0 : i32
      %dma_start3A_16 = tpu.memref_slice %arg4[%add3A_12, %dma_start3A_15] : memref<2048x768xf32, #tpu.memory_space<hbm>> -> memref<64x768xf32, #tpu.memory_space<hbm>>
      tpu.enqueue_dma source(%arg6 : memref<64x768xf32, #tpu.memory_space<vmem>>) target(%dma_start3A_16 : memref<64x768xf32, #tpu.memory_space<hbm>>) target_semaphore(%run_scoped3A : memref<!tpu.dma_semaphore, #tpu.memory_space<semaphore_mem>>)
      %dma_wait3A_17 = arith.constant 0 : i32
      %dma_wait3A_18 = tpu.memref_slice %arg4[%add3A_12, %dma_wait3A_17] : memref<2048x768xf32, #tpu.memory_space<hbm>> -> memref<64x768xf32, #tpu.memory_space<hbm>>
      %dma_wait3A_19 = arith.constant 0 : i32
      %dma_wait3A_20 = tpu.memref_slice %arg4[%add3A_12, %dma_wait3A_19] : memref<2048x768xf32, #tpu.memory_space<hbm>> -> memref<64x768xf32, #tpu.memory_space<hbm>>
      tpu.wait_dma2 semaphore(%run_scoped3A : memref<!tpu.dma_semaphore, #tpu.memory_space<semaphore_mem>>) src(%arg6 : memref<64x768xf32, #tpu.memory_space<vmem>>) dst(%dma_wait3A_20 : memref<64x768xf32, #tpu.memory_space<hbm>>)
      tpu.yield
    }) : () -> ()
    return
  }
}

#map = affine_map<(d0, d1) -> (0)>
module attributes {stable_mosaic.version = 14 : i64} {
  func.func @k(%arg0: i32, %arg1: i32, %arg2: memref<2048xi32, #tpu.memory_space<hbm>>, %arg3: memref<2048xi32, #tpu.memory_space<hbm>>, %arg4: memref<8192xi32, #tpu.memory_space<hbm>>, %arg5: memref<8192xi32, #tpu.memory_space<vmem>>, %arg6: memref<2048xi32, #tpu.memory_space<vmem>>, %arg7: memref<2048xi32, #tpu.memory_space<vmem>>) attributes {dimension_semantics = [#tpu.dimension_semantics<core_parallel>, #tpu.dimension_semantics<subcore_parallel>], iteration_bounds = array<i64: 2, 16>, scalar_prefetch = 0 : i64, scratch_operands = 3 : i64, tpu.core_type = #tpu.core_type<sc_vector_subcore>, window_params = [{transform_indices = #map}, {transform_indices = #map}, {transform_indices = #map}]} {
    %mul3A = arith.constant 2 : i32
    %mul3A_0 = arith.muli %arg1, %mul3A : i32
    %add3A = arith.addi %mul3A_0, %arg0 : i32
    %eq3A = arith.constant 0 : i32
    %eq3A_1 = arith.cmpi eq, %add3A, %eq3A : i32
    %convert_element_type3A = arith.extui %eq3A_1 : i1 to i32
    %cond3A = arith.constant 0 : i32
    %cond3A_2 = arith.cmpi ne, %convert_element_type3A, %cond3A : i32
    scf.if %cond3A_2 {
      %broadcast_in_dim3A = arith.constant 0 : i32
      %broadcast_in_dim3A_3 = vector.broadcast %broadcast_in_dim3A : i32 to vector<16xi32>
      %iota3A = tpu.iota {dimensions = array<i32: 0>} : vector<16xi32>
      %scan3A = arith.constant 0 : i32
      %scan3A_4 = arith.constant 0 : i32
      %scan3A_5 = arith.constant 512 : i32
      %scan3A_6 = arith.addi %scan3A_4, %scan3A_5 : i32
      %scan3A_7 = arith.constant 1 : i32
      scf.for %scan3A_15 = %scan3A_4 to %scan3A_6 step %scan3A_7  : i32 {
        %mul3A_16 = arith.constant 16 : i32
        %mul3A_17 = arith.muli %scan3A_15, %mul3A_16 : i32
        %swap3A = arith.index_cast %mul3A_17 : i32 to index
        %swap3A_18 = tpu.vector_load %arg5[%swap3A] {strides = array<i32>} : memref<8192xi32, #tpu.memory_space<vmem>>, vector<16xi32>,
        tpu.vector_store %arg5[%swap3A], %broadcast_in_dim3A_3 {strides = array<i32>} : memref<8192xi32, #tpu.memory_space<vmem>>, vector<16xi32>,
      }
      %scan3A_8 = arith.constant 512 : i32
      "tpu.region"() ({
        %run_scoped3A = tpu.sem_alloc : memref<!tpu.dma_semaphore, #tpu.memory_space<semaphore_mem>>
        tpu.enqueue_dma source(%arg2 : memref<2048xi32, #tpu.memory_space<hbm>>) target(%arg6 : memref<2048xi32, #tpu.memory_space<vmem>>) target_semaphore(%run_scoped3A : memref<!tpu.dma_semaphore, #tpu.memory_space<semaphore_mem>>)
        tpu.wait_dma2 semaphore(%run_scoped3A : memref<!tpu.dma_semaphore, #tpu.memory_space<semaphore_mem>>) src(%arg2 : memref<2048xi32, #tpu.memory_space<hbm>>) dst(%arg6 : memref<2048xi32, #tpu.memory_space<vmem>>)
        tpu.yield
      }) : () -> ()
      "tpu.region"() ({
        %run_scoped3A = tpu.sem_alloc : memref<!tpu.dma_semaphore, #tpu.memory_space<semaphore_mem>>
        tpu.enqueue_dma source(%arg3 : memref<2048xi32, #tpu.memory_space<hbm>>) target(%arg7 : memref<2048xi32, #tpu.memory_space<vmem>>) target_semaphore(%run_scoped3A : memref<!tpu.dma_semaphore, #tpu.memory_space<semaphore_mem>>)
        tpu.wait_dma2 semaphore(%run_scoped3A : memref<!tpu.dma_semaphore, #tpu.memory_space<semaphore_mem>>) src(%arg3 : memref<2048xi32, #tpu.memory_space<hbm>>) dst(%arg7 : memref<2048xi32, #tpu.memory_space<vmem>>)
        tpu.yield
      }) : () -> ()
      %scan3A_9 = arith.constant 0 : i32
      %scan3A_10 = arith.constant 0 : i32
      %scan3A_11 = arith.constant 128 : i32
      %scan3A_12 = arith.addi %scan3A_10, %scan3A_11 : i32
      %scan3A_13 = arith.constant 1 : i32
      scf.for %scan3A_15 = %scan3A_10 to %scan3A_12 step %scan3A_13  : i32 {
        %mul3A_16 = arith.constant 16 : i32
        %mul3A_17 = arith.muli %scan3A_15, %mul3A_16 : i32
        %add3A_18 = vector.broadcast %mul3A_17 : i32 to vector<16xi32>
        %add3A_19 = arith.addi %iota3A, %add3A_18 : vector<16xi32>
        %mul3A_20 = arith.constant 16 : i32
        %mul3A_21 = arith.muli %scan3A_15, %mul3A_20 : i32
        %get3A = arith.index_cast %mul3A_21 : i32 to index
        %get3A_22 = tpu.vector_load %arg6[%get3A] {strides = array<i32>} : memref<2048xi32, #tpu.memory_space<vmem>>, vector<16xi32>,
        tpu.vector_store_idx %arg5[%get3A_22], %add3A_19 : memref<8192xi32, #tpu.memory_space<vmem>>[vector<16xi32>], vector<16xi32>,
        %mul3A_23 = arith.constant 16 : i32
        %mul3A_24 = arith.muli %scan3A_15, %mul3A_23 : i32
        %get3A_25 = arith.index_cast %mul3A_24 : i32 to index
        %get3A_26 = tpu.vector_load %arg7[%get3A_25] {strides = array<i32>} : memref<2048xi32, #tpu.memory_space<vmem>>, vector<16xi32>,
        tpu.vector_store_idx %arg5[%get3A_26], %add3A_19 : memref<8192xi32, #tpu.memory_space<vmem>>[vector<16xi32>], vector<16xi32>,
      }
      %scan3A_14 = arith.constant 128 : i32
      "tpu.region"() ({
        %run_scoped3A = tpu.sem_alloc : memref<!tpu.dma_semaphore, #tpu.memory_space<semaphore_mem>>
        tpu.enqueue_dma source(%arg5 : memref<8192xi32, #tpu.memory_space<vmem>>) target(%arg4 : memref<8192xi32, #tpu.memory_space<hbm>>) target_semaphore(%run_scoped3A : memref<!tpu.dma_semaphore, #tpu.memory_space<semaphore_mem>>)
        tpu.wait_dma2 semaphore(%run_scoped3A : memref<!tpu.dma_semaphore, #tpu.memory_space<semaphore_mem>>) src(%arg5 : memref<8192xi32, #tpu.memory_space<vmem>>) dst(%arg4 : memref<8192xi32, #tpu.memory_space<hbm>>)
        tpu.yield
      }) : () -> ()
    } else {
    }
    return
  }
}

#map = affine_map<(d0, d1) -> (0, 0)>
#map1 = affine_map<(d0, d1) -> (0)>
module attributes {stable_mosaic.version = 14 : i64} {
  func.func @k(%arg0: i32, %arg1: i32, %arg2: memref<8192x768xf32, #tpu.memory_space<hbm>>, %arg3: memref<2048xi32, #tpu.memory_space<hbm>>, %arg4: memref<2048x768xf32, #tpu.memory_space<hbm>>, %arg5: memref<64xi32, #tpu.memory_space<vmem>>, %arg6: memref<64x768xf32, #tpu.memory_space<vmem>>, %arg7: memref<!tpu.dma_semaphore, #tpu.memory_space<semaphore_mem>>) attributes {dimension_semantics = [#tpu.dimension_semantics<core_parallel>, #tpu.dimension_semantics<subcore_parallel>], iteration_bounds = array<i64: 2, 16>, scalar_prefetch = 0 : i64, scratch_operands = 3 : i64, tpu.core_type = #tpu.core_type<sc_vector_subcore>, window_params = [{transform_indices = #map}, {transform_indices = #map1}, {transform_indices = #map}]} {
    %mul3A = arith.constant 2 : i32
    %mul3A_0 = arith.muli %arg1, %mul3A : i32
    %add3A = arith.addi %mul3A_0, %arg0 : i32
    %mul3A_1 = arith.constant 64 : i32
    %mul3A_2 = arith.muli %add3A, %mul3A_1 : i32
    "tpu.region"() ({
      %run_scoped3A = tpu.sem_alloc : memref<!tpu.dma_semaphore, #tpu.memory_space<semaphore_mem>>
      %dma_start3A_7 = tpu.memref_slice %arg3[%mul3A_2] : memref<2048xi32, #tpu.memory_space<hbm>> -> memref<64xi32, #tpu.memory_space<hbm>>
      %dma_start3A_8 = tpu.memref_slice %arg3[%mul3A_2] : memref<2048xi32, #tpu.memory_space<hbm>> -> memref<64xi32, #tpu.memory_space<hbm>>
      tpu.enqueue_dma source(%dma_start3A_8 : memref<64xi32, #tpu.memory_space<hbm>>) target(%arg5 : memref<64xi32, #tpu.memory_space<vmem>>) target_semaphore(%run_scoped3A : memref<!tpu.dma_semaphore, #tpu.memory_space<semaphore_mem>>)
      %dma_wait3A_9 = tpu.memref_slice %arg3[%mul3A_2] : memref<2048xi32, #tpu.memory_space<hbm>> -> memref<64xi32, #tpu.memory_space<hbm>>
      %dma_wait3A_10 = tpu.memref_slice %arg3[%mul3A_2] : memref<2048xi32, #tpu.memory_space<hbm>> -> memref<64xi32, #tpu.memory_space<hbm>>
      tpu.wait_dma2 semaphore(%run_scoped3A : memref<!tpu.dma_semaphore, #tpu.memory_space<semaphore_mem>>) src(%dma_wait3A_10 : memref<64xi32, #tpu.memory_space<hbm>>) dst(%arg5 : memref<64xi32, #tpu.memory_space<vmem>>)
      tpu.yield
    }) : () -> ()
    %dma_start3A = arith.constant 0 : i32
    %dma_start3A_3 = arith.constant 0 : i32
    %dma_start3A_4 = tpu.memref_slice %arg2[%dma_start3A, %dma_start3A_3] : memref<8192x768xf32, #tpu.memory_space<hbm>> -> memref<8192x768xf32, #tpu.memory_space<hbm>>
    tpu.enqueue_indirect_dma source(%dma_start3A_4 : memref<8192x768xf32, #tpu.memory_space<hbm>>) target(%arg6 : memref<64x768xf32, #tpu.memory_space<vmem>>) offsets(%arg5 : memref<64xi32, #tpu.memory_space<vmem>>) semaphore(%arg7 : memref<!tpu.dma_semaphore, #tpu.memory_space<semaphore_mem>>)
    %dma_wait3A = arith.constant 0 : i32
    %dma_wait3A_5 = arith.constant 0 : i32
    %dma_wait3A_6 = tpu.memref_slice %arg2[%dma_wait3A, %dma_wait3A_5] : memref<8192x768xf32, #tpu.memory_space<hbm>> -> memref<8192x768xf32, #tpu.memory_space<hbm>>
    tpu.wait_indirect_dma semaphore(%arg7 : memref<!tpu.dma_semaphore, #tpu.memory_space<semaphore_mem>>) src(%dma_wait3A_6 : memref<8192x768xf32, #tpu.memory_space<hbm>>) dst(%arg6 : memref<64x768xf32, #tpu.memory_space<vmem>>)
    "tpu.region"() ({
      %run_scoped3A = tpu.sem_alloc : memref<!tpu.dma_semaphore, #tpu.memory_space<semaphore_mem>>
      %dma_start3A_7 = arith.constant 0 : i32
      %dma_start3A_8 = tpu.memref_slice %arg4[%mul3A_2, %dma_start3A_7] : memref<2048x768xf32, #tpu.memory_space<hbm>> -> memref<64x768xf32, #tpu.memory_space<hbm>>
      %dma_start3A_9 = arith.constant 0 : i32
      %dma_start3A_10 = tpu.memref_slice %arg4[%mul3A_2, %dma_start3A_9] : memref<2048x768xf32, #tpu.memory_space<hbm>> -> memref<64x768xf32, #tpu.memory_space<hbm>>
      tpu.enqueue_dma source(%arg6 : memref<64x768xf32, #tpu.memory_space<vmem>>) target(%dma_start3A_10 : memref<64x768xf32, #tpu.memory_space<hbm>>) target_semaphore(%run_scoped3A : memref<!tpu.dma_semaphore, #tpu.memory_space<semaphore_mem>>)
      %dma_wait3A_11 = arith.constant 0 : i32
      %dma_wait3A_12 = tpu.memref_slice %arg4[%mul3A_2, %dma_wait3A_11] : memref<2048x768xf32, #tpu.memory_space<hbm>> -> memref<64x768xf32, #tpu.memory_space<hbm>>
      %dma_wait3A_13 = arith.constant 0 : i32
      %dma_wait3A_14 = tpu.memref_slice %arg4[%mul3A_2, %dma_wait3A_13] : memref<2048x768xf32, #tpu.memory_space<hbm>> -> memref<64x768xf32, #tpu.memory_space<hbm>>
      tpu.wait_dma2 semaphore(%run_scoped3A : memref<!tpu.dma_semaphore, #tpu.memory_space<semaphore_mem>>) src(%arg6 : memref<64x768xf32, #tpu.memory_space<vmem>>) dst(%dma_wait3A_14 : memref<64x768xf32, #tpu.memory_space<hbm>>)
      tpu.yield
    }) : () -> ()
    return
  }
}

#map = affine_map<(d0, d1) -> (0, 0)>
#map1 = affine_map<(d0, d1) -> (0)>
module attributes {stable_mosaic.version = 14 : i64} {
  func.func @k(%arg0: i32, %arg1: i32, %arg2: memref<8192x768xf32, #tpu.memory_space<hbm>>, %arg3: memref<2048xi32, #tpu.memory_space<hbm>>, %arg4: memref<2048x768xf32, #tpu.memory_space<hbm>>, %arg5: memref<64xi32, #tpu.memory_space<vmem>>, %arg6: memref<64x768xf32, #tpu.memory_space<vmem>>, %arg7: memref<!tpu.dma_semaphore, #tpu.memory_space<semaphore_mem>>) attributes {dimension_semantics = [#tpu.dimension_semantics<core_parallel>, #tpu.dimension_semantics<subcore_parallel>], iteration_bounds = array<i64: 2, 16>, scalar_prefetch = 0 : i64, scratch_operands = 3 : i64, tpu.core_type = #tpu.core_type<sc_vector_subcore>, window_params = [{transform_indices = #map}, {transform_indices = #map1}, {transform_indices = #map}]} {
    %mul3A = arith.constant 2 : i32
    %mul3A_0 = arith.muli %arg1, %mul3A : i32
    %add3A = arith.addi %mul3A_0, %arg0 : i32
    %mul3A_1 = arith.constant 64 : i32
    %mul3A_2 = arith.muli %add3A, %mul3A_1 : i32
    "tpu.region"() ({
      %run_scoped3A = tpu.sem_alloc : memref<!tpu.dma_semaphore, #tpu.memory_space<semaphore_mem>>
      %dma_start3A_13 = tpu.memref_slice %arg3[%mul3A_2] : memref<2048xi32, #tpu.memory_space<hbm>> -> memref<64xi32, #tpu.memory_space<hbm>>
      %dma_start3A_14 = tpu.memref_slice %arg3[%mul3A_2] : memref<2048xi32, #tpu.memory_space<hbm>> -> memref<64xi32, #tpu.memory_space<hbm>>
      tpu.enqueue_dma source(%dma_start3A_14 : memref<64xi32, #tpu.memory_space<hbm>>) target(%arg5 : memref<64xi32, #tpu.memory_space<vmem>>) target_semaphore(%run_scoped3A : memref<!tpu.dma_semaphore, #tpu.memory_space<semaphore_mem>>)
      %dma_wait3A_15 = tpu.memref_slice %arg3[%mul3A_2] : memref<2048xi32, #tpu.memory_space<hbm>> -> memref<64xi32, #tpu.memory_space<hbm>>
      %dma_wait3A_16 = tpu.memref_slice %arg3[%mul3A_2] : memref<2048xi32, #tpu.memory_space<hbm>> -> memref<64xi32, #tpu.memory_space<hbm>>
      tpu.wait_dma2 semaphore(%run_scoped3A : memref<!tpu.dma_semaphore, #tpu.memory_space<semaphore_mem>>) src(%dma_wait3A_16 : memref<64xi32, #tpu.memory_space<hbm>>) dst(%arg5 : memref<64xi32, #tpu.memory_space<vmem>>)
      tpu.yield
    }) : () -> ()
    %dma_start3A = arith.constant 0 : i32
    %dma_start3A_3 = tpu.memref_slice %arg5[%dma_start3A] : memref<64xi32, #tpu.memory_space<vmem>> -> memref<64xi32, #tpu.memory_space<vmem>>
    %dma_start3A_4 = arith.constant 0 : i32
    %dma_start3A_5 = arith.constant 0 : i32
    %dma_start3A_6 = tpu.memref_slice %arg2[%dma_start3A_4, %dma_start3A_5] : memref<8192x768xf32, #tpu.memory_space<hbm>> -> memref<8192x768xf32, #tpu.memory_space<hbm>>
    tpu.enqueue_indirect_dma source(%dma_start3A_6 : memref<8192x768xf32, #tpu.memory_space<hbm>>) target(%arg6 : memref<64x768xf32, #tpu.memory_space<vmem>>) offsets(%dma_start3A_3 : memref<64xi32, #tpu.memory_space<vmem>>) semaphore(%arg7 : memref<!tpu.dma_semaphore, #tpu.memory_space<semaphore_mem>>)
    %dma_wait3A = arith.constant 0 : i32
    %dma_wait3A_7 = tpu.memref_slice %arg5[%dma_wait3A] : memref<64xi32, #tpu.memory_space<vmem>> -> memref<64xi32, #tpu.memory_space<vmem>>
    %dma_wait3A_8 = arith.constant 0 : i32
    %dma_wait3A_9 = arith.constant 0 : i32
    %dma_wait3A_10 = tpu.memref_slice %arg2[%dma_wait3A_8, %dma_wait3A_9] : memref<8192x768xf32, #tpu.memory_space<hbm>> -> memref<8192x768xf32, #tpu.memory_space<hbm>>
    tpu.wait_indirect_dma semaphore(%arg7 : memref<!tpu.dma_semaphore, #tpu.memory_space<semaphore_mem>>) src(%dma_wait3A_10 : memref<8192x768xf32, #tpu.memory_space<hbm>>) dst(%arg6 : memref<64x768xf32, #tpu.memory_space<vmem>>)
    %add3A_11 = arith.constant 0 : i32
    %add3A_12 = arith.addi %mul3A_2, %add3A_11 : i32
    "tpu.region"() ({
      %run_scoped3A = tpu.sem_alloc : memref<!tpu.dma_semaphore, #tpu.memory_space<semaphore_mem>>
      %dma_start3A_13 = arith.constant 0 : i32
      %dma_start3A_14 = tpu.memref_slice %arg4[%add3A_12, %dma_start3A_13] : memref<2048x768xf32, #tpu.memory_space<hbm>> -> memref<64x768xf32, #tpu.memory_space<hbm>>
      %dma_start3A_15 = arith.constant 0 : i32
      %dma_start3A_16 = tpu.memref_slice %arg4[%add3A_12, %dma_start3A_15] : memref<2048x768xf32, #tpu.memory_space<hbm>> -> memref<64x768xf32, #tpu.memory_space<hbm>>
      tpu.enqueue_dma source(%arg6 : memref<64x768xf32, #tpu.memory_space<vmem>>) target(%dma_start3A_16 : memref<64x768xf32, #tpu.memory_space<hbm>>) target_semaphore(%run_scoped3A : memref<!tpu.dma_semaphore, #tpu.memory_space<semaphore_mem>>)
      %dma_wait3A_17 = arith.constant 0 : i32
      %dma_wait3A_18 = tpu.memref_slice %arg4[%add3A_12, %dma_wait3A_17] : memref<2048x768xf32, #tpu.memory_space<hbm>> -> memref<64x768xf32, #tpu.memory_space<hbm>>
      %dma_wait3A_19 = arith.constant 0 : i32
      %dma_wait3A_20 = tpu.memref_slice %arg4[%add3A_12, %dma_wait3A_19] : memref<2048x768xf32, #tpu.memory_space<hbm>> -> memref<64x768xf32, #tpu.memory_space<hbm>>
      tpu.wait_dma2 semaphore(%run_scoped3A : memref<!tpu.dma_semaphore, #tpu.memory_space<semaphore_mem>>) src(%arg6 : memref<64x768xf32, #tpu.memory_space<vmem>>) dst(%dma_wait3A_20 : memref<64x768xf32, #tpu.memory_space<hbm>>)
      tpu.yield
    }) : () -> ()
    return
  }
}

module attributes {stable_mosaic.version = 14 : i64} {
  func.func @_t1_body(%arg0: i32, %arg1: memref<256x768xf32, #tpu.memory_space<vmem>>, %arg2: memref<256x768xf32, #tpu.memory_space<vmem>>, %arg3: memref<1x768xf32, #tpu.memory_space<vmem>>, %arg4: memref<1x768xf32, #tpu.memory_space<vmem>>, %arg5: memref<768x2304xf32, #tpu.memory_space<vmem>>, %arg6: memref<1x2304xf32, #tpu.memory_space<vmem>>, %arg7: memref<256x768xf32, #tpu.memory_space<vmem>>, %arg8: memref<256x2304xf32, #tpu.memory_space<vmem>>) attributes {dimension_semantics = [#tpu.dimension_semantics<arbitrary>], iteration_bounds = array<i64: 8>, scalar_prefetch = 0 : i64, scratch_operands = 0 : i64, tpu.core_type = #tpu.core_type<tc>, window_params = [{transform_indices = @transform_0, window_bounds = array<i64: 256, 768>}, {transform_indices = @transform_1, window_bounds = array<i64: 256, 768>}, {pipeline_mode = #tpu.pipeline_mode<synchronous>, transform_indices = @transform_2, window_bounds = array<i64: 1, 768>}, {pipeline_mode = #tpu.pipeline_mode<synchronous>, transform_indices = @transform_3, window_bounds = array<i64: 1, 768>}, {pipeline_mode = #tpu.pipeline_mode<synchronous>, transform_indices = @transform_4, window_bounds = array<i64: 768, 2304>}, {pipeline_mode = #tpu.pipeline_mode<synchronous>, transform_indices = @transform_5, window_bounds = array<i64: 1, 2304>}, {transform_indices = @transform_6, window_bounds = array<i64: 256, 768>}, {transform_indices = @transform_7, window_bounds = array<i64: 256, 2304>}]} {
    %get3A = arith.constant 0 : index
    %get3A_0 = arith.constant 0 : index
    %get3A_1 = vector.load %arg1[%get3A, %get3A_0] : memref<256x768xf32, #tpu.memory_space<vmem>>, vector<256x768xf32>
    %get3A_2 = arith.constant 0 : index
    %get3A_3 = arith.constant 0 : index
    %get3A_4 = vector.load %arg2[%get3A_2, %get3A_3] : memref<256x768xf32, #tpu.memory_space<vmem>>, vector<256x768xf32>
    %add3A = arith.addf %get3A_1, %get3A_4 : vector<256x768xf32>
    %get3A_5 = arith.constant 0 : index
    %get3A_6 = arith.constant 0 : index
    %get3A_7 = vector.load %arg3[%get3A_5, %get3A_6] : memref<1x768xf32, #tpu.memory_space<vmem>>, vector<1x768xf32>
    %get3A_8 = arith.constant 0 : index
    %get3A_9 = arith.constant 0 : index
    %get3A_10 = vector.load %arg4[%get3A_8, %get3A_9] : memref<1x768xf32, #tpu.memory_space<vmem>>, vector<1x768xf32>
    %reduce_sum3A = arith.constant dense<0.000000e+00> : vector<256xf32>
    %reduce_sum3A_11 = vector.multi_reduction <add>, %add3A, %reduce_sum3A [1] : vector<256x768xf32> to vector<256xf32>
    %broadcast_in_dim3A = vector.shape_cast %reduce_sum3A_11 : vector<256xf32> to vector<256x1xf32>
    %div3A = arith.constant 7.680000e+02 : f32
    %div3A_12 = vector.broadcast %div3A : f32 to vector<256x1xf32>
    %div3A_13 = arith.divf %broadcast_in_dim3A, %div3A_12 : vector<256x1xf32>
    %sub3A = vector.broadcast %div3A_13 : vector<256x1xf32> to vector<256x768xf32>
    %sub3A_14 = arith.subf %add3A, %sub3A : vector<256x768xf32>
    %integer_pow3A = arith.mulf %sub3A_14, %sub3A_14 : vector<256x768xf32>
    %reduce_sum3A_15 = arith.constant dense<0.000000e+00> : vector<256xf32>
    %reduce_sum3A_16 = vector.multi_reduction <add>, %integer_pow3A, %reduce_sum3A_15 [1] : vector<256x768xf32> to vector<256xf32>
    %broadcast_in_dim3A_17 = vector.shape_cast %reduce_sum3A_16 : vector<256xf32> to vector<256x1xf32>
    %div3A_18 = arith.constant 7.680000e+02 : f32
    %div3A_19 = vector.broadcast %div3A_18 : f32 to vector<256x1xf32>
    %div3A_20 = arith.divf %broadcast_in_dim3A_17, %div3A_19 : vector<256x1xf32>
    %sub3A_21 = vector.broadcast %div3A_13 : vector<256x1xf32> to vector<256x768xf32>
    %sub3A_22 = arith.subf %add3A, %sub3A_21 : vector<256x768xf32>
    %add3A_23 = arith.constant 9.99999974E-6 : f32
    %add3A_24 = vector.broadcast %add3A_23 : f32 to vector<256x1xf32>
    %add3A_25 = arith.addf %div3A_20, %add3A_24 : vector<256x1xf32>
    %sqrt3A = math.sqrt %add3A_25 : vector<256x1xf32>
    %div3A_26 = vector.broadcast %sqrt3A : vector<256x1xf32> to vector<256x768xf32>
    %div3A_27 = arith.divf %sub3A_22, %div3A_26 : vector<256x768xf32>
    %mul3A = vector.broadcast %get3A_7 : vector<1x768xf32> to vector<256x768xf32>
    %mul3A_28 = arith.mulf %div3A_27, %mul3A : vector<256x768xf32>
    %add3A_29 = vector.broadcast %get3A_10 : vector<1x768xf32> to vector<256x768xf32>
    %add3A_30 = arith.addf %mul3A_28, %add3A_29 : vector<256x768xf32>
    %swap3A = arith.constant 0 : index
    %swap3A_31 = arith.constant 0 : index
    %swap3A_32 = vector.load %arg7[%swap3A, %swap3A_31] : memref<256x768xf32, #tpu.memory_space<vmem>>, vector<256x768xf32>
    tpu.vector_store %arg7[%swap3A, %swap3A_31], %add3A_30 {strides = array<i32>} : memref<256x768xf32, #tpu.memory_space<vmem>>, vector<256x768xf32>,
    %get3A_33 = arith.constant 0 : index
    %get3A_34 = arith.constant 0 : index
    %get3A_35 = vector.load %arg5[%get3A_33, %get3A_34] : memref<768x2304xf32, #tpu.memory_space<vmem>>, vector<768x2304xf32>
    %dot_general3A = arith.constant dense<0.000000e+00> : vector<256x2304xf32>
    %dot_general3A_36 = tpu.matmul %add3A_30, %get3A_35, %dot_general3A {dimension_numbers = #tpu.dot_dimension_numbers<[1], [0], [0], [1], [0, 0, 1, 1], [], []>, transpose_lhs_hint = false} : vector<256x768xf32>, vector<768x2304xf32>, vector<256x2304xf32> -> vector<256x2304xf32>
    %get3A_37 = arith.constant 0 : index
    %get3A_38 = arith.constant 0 : index
    %get3A_39 = vector.load %arg6[%get3A_37, %get3A_38] : memref<1x2304xf32, #tpu.memory_space<vmem>>, vector<1x2304xf32>
    %add3A_40 = vector.broadcast %get3A_39 : vector<1x2304xf32> to vector<256x2304xf32>
    %add3A_41 = arith.addf %dot_general3A_36, %add3A_40 : vector<256x2304xf32>
    %swap3A_42 = arith.constant 0 : index
    %swap3A_43 = arith.constant 0 : index
    %swap3A_44 = vector.load %arg8[%swap3A_42, %swap3A_43] : memref<256x2304xf32, #tpu.memory_space<vmem>>, vector<256x2304xf32>
    tpu.vector_store %arg8[%swap3A_42, %swap3A_43], %add3A_41 {strides = array<i32>} : memref<256x2304xf32, #tpu.memory_space<vmem>>, vector<256x2304xf32>,
    return
  }
  func.func @transform_0(%arg0: i32) -> (i32, i32) {
    %c0_i32 = arith.constant 0 : i32
    %c0_i32_0 = arith.constant 0 : i32
    return %arg0, %c0_i32 : i32, i32
  }
  func.func @transform_1(%arg0: i32) -> (i32, i32) {
    %c0_i32 = arith.constant 0 : i32
    %c0_i32_0 = arith.constant 0 : i32
    return %arg0, %c0_i32 : i32, i32
  }
  func.func @transform_2(%arg0: i32) -> (i32, i32) {
    %c0_i32 = arith.constant 0 : i32
    %c0_i32_0 = arith.constant 0 : i32
    %c0_i32_1 = arith.constant 0 : i32
    return %c0_i32, %c0_i32_0 : i32, i32
  }
  func.func @transform_3(%arg0: i32) -> (i32, i32) {
    %c0_i32 = arith.constant 0 : i32
    %c0_i32_0 = arith.constant 0 : i32
    %c0_i32_1 = arith.constant 0 : i32
    return %c0_i32, %c0_i32_0 : i32, i32
  }
  func.func @transform_4(%arg0: i32) -> (i32, i32) {
    %c0_i32 = arith.constant 0 : i32
    %c0_i32_0 = arith.constant 0 : i32
    %c0_i32_1 = arith.constant 0 : i32
    return %c0_i32, %c0_i32_0 : i32, i32
  }
  func.func @transform_5(%arg0: i32) -> (i32, i32) {
    %c0_i32 = arith.constant 0 : i32
    %c0_i32_0 = arith.constant 0 : i32
    %c0_i32_1 = arith.constant 0 : i32
    return %c0_i32, %c0_i32_0 : i32, i32
  }
  func.func @transform_6(%arg0: i32) -> (i32, i32) {
    %c0_i32 = arith.constant 0 : i32
    %c0_i32_0 = arith.constant 0 : i32
    return %arg0, %c0_i32 : i32, i32
  }
  func.func @transform_7(%arg0: i32) -> (i32, i32) {
    %c0_i32 = arith.constant 0 : i32
    %c0_i32_0 = arith.constant 0 : i32
    return %arg0, %c0_i32 : i32, i32
  }
}

module attributes {stable_mosaic.version = 14 : i64} {
  func.func @_t2_body(%arg0: i32, %arg1: i32, %arg2: memref<1x256x64xf32, #tpu.memory_space<vmem>>, %arg3: memref<1x2048x64xf32, #tpu.memory_space<vmem>>, %arg4: memref<1x2048x64xf32, #tpu.memory_space<vmem>>, %arg5: memref<1x256x64xf32, #tpu.memory_space<vmem>>) attributes {dimension_semantics = [#tpu.dimension_semantics<arbitrary>, #tpu.dimension_semantics<arbitrary>], iteration_bounds = array<i64: 12, 8>, scalar_prefetch = 0 : i64, scratch_operands = 0 : i64, tpu.core_type = #tpu.core_type<tc>, window_params = [{transform_indices = @transform_0, window_bounds = array<i64: 1, 256, 64>}, {transform_indices = @transform_1, window_bounds = array<i64: 1, 2048, 64>}, {transform_indices = @transform_2, window_bounds = array<i64: 1, 2048, 64>}, {transform_indices = @transform_3, window_bounds = array<i64: 1, 256, 64>}]} {
    %get3A = arith.constant 0 : index
    %get3A_0 = arith.constant 0 : index
    %get3A_1 = arith.constant 0 : index
    %get3A_2 = vector.load %arg2[%get3A, %get3A_0, %get3A_1] : memref<1x256x64xf32, #tpu.memory_space<vmem>>, vector<1x256x64xf32>
    %get3A_3 = vector.shape_cast %get3A_2 : vector<1x256x64xf32> to vector<256x64xf32>
    %get3A_4 = arith.constant 0 : index
    %get3A_5 = arith.constant 0 : index
    %get3A_6 = arith.constant 0 : index
    %get3A_7 = vector.load %arg3[%get3A_4, %get3A_5, %get3A_6] : memref<1x2048x64xf32, #tpu.memory_space<vmem>>, vector<1x2048x64xf32>
    %get3A_8 = vector.shape_cast %get3A_7 : vector<1x2048x64xf32> to vector<2048x64xf32>
    %dot_general3A = arith.constant dense<0.000000e+00> : vector<256x2048xf32>
    %dot_general3A_9 = tpu.matmul %get3A_3, %get3A_8, %dot_general3A {dimension_numbers = #tpu.dot_dimension_numbers<[1], [1], [0], [0], [0, 0, 1, 0], [], []>, transpose_lhs_hint = false} : vector<256x64xf32>, vector<2048x64xf32>, vector<256x2048xf32> -> vector<256x2048xf32>
    %div3A = arith.constant 27.7128124 : f32
    %div3A_10 = vector.broadcast %div3A : f32 to vector<256x2048xf32>
    %div3A_11 = arith.divf %dot_general3A_9, %div3A_10 : vector<256x2048xf32>
    %mul3A = arith.constant 256 : i32
    %mul3A_12 = arith.muli %arg1, %mul3A : i32
    %iota3A = tpu.iota {dimensions = array<i32: 0>} : vector<256x2048xi32>
    %add3A = vector.broadcast %mul3A_12 : i32 to vector<256x2048xi32>
    %add3A_13 = arith.addi %add3A, %iota3A : vector<256x2048xi32>
    %iota3A_14 = tpu.iota {dimensions = array<i32: 1>} : vector<256x2048xi32>
    %ge3A = arith.cmpi sge, %add3A_13, %iota3A_14 : vector<256x2048xi32>
    %jit3A = arith.constant -1.000000e+30 : f32
    %broadcast_in_dim3A = vector.broadcast %jit3A : f32 to vector<256x2048xf32>
    %select_n3A = arith.select %ge3A, %div3A_11, %broadcast_in_dim3A : vector<256x2048xi1>, vector<256x2048xf32>
    %reduce_max3A = arith.constant dense<0xFF800000> : vector<256xf32>
    %reduce_max3A_15 = vector.multi_reduction <maximumf>, %select_n3A, %reduce_max3A [1] : vector<256x2048xf32> to vector<256xf32>
    %broadcast_in_dim3A_16 = vector.shape_cast %reduce_max3A_15 : vector<256xf32> to vector<256x1xf32>
    %sub3A = vector.broadcast %broadcast_in_dim3A_16 : vector<256x1xf32> to vector<256x2048xf32>
    %sub3A_17 = arith.subf %select_n3A, %sub3A : vector<256x2048xf32>
    %exp3A = math.exp %sub3A_17 : vector<256x2048xf32>
    %reduce_sum3A = arith.constant dense<0.000000e+00> : vector<256xf32>
    %reduce_sum3A_18 = vector.multi_reduction <add>, %exp3A, %reduce_sum3A [1] : vector<256x2048xf32> to vector<256xf32>
    %broadcast_in_dim3A_19 = vector.shape_cast %reduce_sum3A_18 : vector<256xf32> to vector<256x1xf32>
    %div3A_20 = vector.broadcast %broadcast_in_dim3A_19 : vector<256x1xf32> to vector<256x2048xf32>
    %div3A_21 = arith.divf %exp3A, %div3A_20 : vector<256x2048xf32>
    %get3A_22 = arith.constant 0 : index
    %get3A_23 = arith.constant 0 : index
    %get3A_24 = arith.constant 0 : index
    %get3A_25 = vector.load %arg4[%get3A_22, %get3A_23, %get3A_24] : memref<1x2048x64xf32, #tpu.memory_space<vmem>>, vector<1x2048x64xf32>
    %get3A_26 = vector.shape_cast %get3A_25 : vector<1x2048x64xf32> to vector<2048x64xf32>
    %dot_general3A_27 = arith.constant dense<0.000000e+00> : vector<256x64xf32>
    %dot_general3A_28 = tpu.matmul %div3A_21, %get3A_26, %dot_general3A_27 {dimension_numbers = #tpu.dot_dimension_numbers<[1], [0], [0], [1], [0, 0, 1, 1], [], []>, transpose_lhs_hint = false} : vector<256x2048xf32>, vector<2048x64xf32>, vector<256x64xf32> -> vector<256x64xf32>
    %swap3A = arith.constant 0 : index
    %swap3A_29 = arith.constant 0 : index
    %swap3A_30 = arith.constant 0 : index
    %swap3A_31 = vector.load %arg5[%swap3A, %swap3A_29, %swap3A_30] : memref<1x256x64xf32, #tpu.memory_space<vmem>>, vector<1x256x64xf32>
    %swap3A_32 = vector.shape_cast %swap3A_31 : vector<1x256x64xf32> to vector<256x64xf32>
    %swap3A_33 = vector.shape_cast %dot_general3A_28 : vector<256x64xf32> to vector<1x256x64xf32>
    tpu.vector_store %arg5[%swap3A, %swap3A_29, %swap3A_30], %swap3A_33 {strides = array<i32>} : memref<1x256x64xf32, #tpu.memory_space<vmem>>, vector<1x256x64xf32>,
    return
  }
  func.func @transform_0(%arg0: i32, %arg1: i32) -> (i32, i32, i32) {
    %c0_i32 = arith.constant 0 : i32
    %c0_i32_0 = arith.constant 0 : i32
    return %arg0, %arg1, %c0_i32 : i32, i32, i32
  }
  func.func @transform_1(%arg0: i32, %arg1: i32) -> (i32, i32, i32) {
    %add3A = arith.constant 12 : i32
    %add3A_0 = arith.addi %add3A, %arg0 : i32
    %c0_i32 = arith.constant 0 : i32
    %c0_i32_1 = arith.constant 0 : i32
    %c0_i32_2 = arith.constant 0 : i32
    return %add3A_0, %c0_i32, %c0_i32_1 : i32, i32, i32
  }
  func.func @transform_2(%arg0: i32, %arg1: i32) -> (i32, i32, i32) {
    %add3A = arith.constant 24 : i32
    %add3A_0 = arith.addi %add3A, %arg0 : i32
    %c0_i32 = arith.constant 0 : i32
    %c0_i32_1 = arith.constant 0 : i32
    %c0_i32_2 = arith.constant 0 : i32
    return %add3A_0, %c0_i32, %c0_i32_1 : i32, i32, i32
  }
  func.func @transform_3(%arg0: i32, %arg1: i32) -> (i32, i32, i32) {
    %c0_i32 = arith.constant 0 : i32
    %c0_i32_0 = arith.constant 0 : i32
    return %arg0, %arg1, %c0_i32 : i32, i32, i32
  }
}

module attributes {stable_mosaic.version = 14 : i64} {
  func.func @_t3_body(%arg0: i32, %arg1: memref<256x768xf32, #tpu.memory_space<vmem>>, %arg2: memref<256x768xf32, #tpu.memory_space<vmem>>, %arg3: memref<768x768xf32, #tpu.memory_space<vmem>>, %arg4: memref<1x768xf32, #tpu.memory_space<vmem>>, %arg5: memref<1x768xf32, #tpu.memory_space<vmem>>, %arg6: memref<1x768xf32, #tpu.memory_space<vmem>>, %arg7: memref<768x3072xf32, #tpu.memory_space<vmem>>, %arg8: memref<1x3072xf32, #tpu.memory_space<vmem>>, %arg9: memref<3072x8xf32, #tpu.memory_space<vmem>>, %arg10: memref<1x8xf32, #tpu.memory_space<vmem>>, %arg11: memref<256x768xf32, #tpu.memory_space<vmem>>, %arg12: memref<256x8xf32, #tpu.memory_space<vmem>>) attributes {dimension_semantics = [#tpu.dimension_semantics<arbitrary>], iteration_bounds = array<i64: 8>, scalar_prefetch = 0 : i64, scratch_operands = 0 : i64, tpu.core_type = #tpu.core_type<tc>, window_params = [{transform_indices = @transform_0, window_bounds = array<i64: 256, 768>}, {transform_indices = @transform_1, window_bounds = array<i64: 256, 768>}, {pipeline_mode = #tpu.pipeline_mode<synchronous>, transform_indices = @transform_2, window_bounds = array<i64: 768, 768>}, {pipeline_mode = #tpu.pipeline_mode<synchronous>, transform_indices = @transform_3, window_bounds = array<i64: 1, 768>}, {pipeline_mode = #tpu.pipeline_mode<synchronous>, transform_indices = @transform_4, window_bounds = array<i64: 1, 768>}, {pipeline_mode = #tpu.pipeline_mode<synchronous>, transform_indices = @transform_5, window_bounds = array<i64: 1, 768>}, {pipeline_mode = #tpu.pipeline_mode<synchronous>, transform_indices = @transform_6, window_bounds = array<i64: 768, 3072>}, {pipeline_mode = #tpu.pipeline_mode<synchronous>, transform_indices = @transform_7, window_bounds = array<i64: 1, 3072>}, {pipeline_mode = #tpu.pipeline_mode<synchronous>, transform_indices = @transform_8, window_bounds = array<i64: 3072, 8>}, {pipeline_mode = #tpu.pipeline_mode<synchronous>, transform_indices = @transform_9, window_bounds = array<i64: 1, 8>}, {transform_indices = @transform_10, window_bounds = array<i64: 256, 768>}, {transform_indices = @transform_11, window_bounds = array<i64: 256, 8>}]} {
    %get3A = arith.constant 0 : index
    %get3A_0 = arith.constant 0 : index
    %get3A_1 = vector.load %arg1[%get3A, %get3A_0] : memref<256x768xf32, #tpu.memory_space<vmem>>, vector<256x768xf32>
    %get3A_2 = arith.constant 0 : index
    %get3A_3 = arith.constant 0 : index
    %get3A_4 = vector.load %arg3[%get3A_2, %get3A_3] : memref<768x768xf32, #tpu.memory_space<vmem>>, vector<768x768xf32>
    %dot_general3A = arith.constant dense<0.000000e+00> : vector<256x768xf32>
    %dot_general3A_5 = tpu.matmul %get3A_1, %get3A_4, %dot_general3A {dimension_numbers = #tpu.dot_dimension_numbers<[1], [0], [0], [1], [0, 0, 1, 1], [], []>, transpose_lhs_hint = false} : vector<256x768xf32>, vector<768x768xf32>, vector<256x768xf32> -> vector<256x768xf32>
    %get3A_6 = arith.constant 0 : index
    %get3A_7 = arith.constant 0 : index
    %get3A_8 = vector.load %arg4[%get3A_6, %get3A_7] : memref<1x768xf32, #tpu.memory_space<vmem>>, vector<1x768xf32>
    %add3A = vector.broadcast %get3A_8 : vector<1x768xf32> to vector<256x768xf32>
    %add3A_9 = arith.addf %dot_general3A_5, %add3A : vector<256x768xf32>
    %get3A_10 = arith.constant 0 : index
    %get3A_11 = arith.constant 0 : index
    %get3A_12 = vector.load %arg2[%get3A_10, %get3A_11] : memref<256x768xf32, #tpu.memory_space<vmem>>, vector<256x768xf32>
    %add3A_13 = arith.addf %add3A_9, %get3A_12 : vector<256x768xf32>
    %get3A_14 = arith.constant 0 : index
    %get3A_15 = arith.constant 0 : index
    %get3A_16 = vector.load %arg5[%get3A_14, %get3A_15] : memref<1x768xf32, #tpu.memory_space<vmem>>, vector<1x768xf32>
    %get3A_17 = arith.constant 0 : index
    %get3A_18 = arith.constant 0 : index
    %get3A_19 = vector.load %arg6[%get3A_17, %get3A_18] : memref<1x768xf32, #tpu.memory_space<vmem>>, vector<1x768xf32>
    %reduce_sum3A = arith.constant dense<0.000000e+00> : vector<256xf32>
    %reduce_sum3A_20 = vector.multi_reduction <add>, %add3A_13, %reduce_sum3A [1] : vector<256x768xf32> to vector<256xf32>
    %broadcast_in_dim3A = vector.shape_cast %reduce_sum3A_20 : vector<256xf32> to vector<256x1xf32>
    %div3A = arith.constant 7.680000e+02 : f32
    %div3A_21 = vector.broadcast %div3A : f32 to vector<256x1xf32>
    %div3A_22 = arith.divf %broadcast_in_dim3A, %div3A_21 : vector<256x1xf32>
    %sub3A = vector.broadcast %div3A_22 : vector<256x1xf32> to vector<256x768xf32>
    %sub3A_23 = arith.subf %add3A_13, %sub3A : vector<256x768xf32>
    %integer_pow3A = arith.mulf %sub3A_23, %sub3A_23 : vector<256x768xf32>
    %reduce_sum3A_24 = arith.constant dense<0.000000e+00> : vector<256xf32>
    %reduce_sum3A_25 = vector.multi_reduction <add>, %integer_pow3A, %reduce_sum3A_24 [1] : vector<256x768xf32> to vector<256xf32>
    %broadcast_in_dim3A_26 = vector.shape_cast %reduce_sum3A_25 : vector<256xf32> to vector<256x1xf32>
    %div3A_27 = arith.constant 7.680000e+02 : f32
    %div3A_28 = vector.broadcast %div3A_27 : f32 to vector<256x1xf32>
    %div3A_29 = arith.divf %broadcast_in_dim3A_26, %div3A_28 : vector<256x1xf32>
    %sub3A_30 = vector.broadcast %div3A_22 : vector<256x1xf32> to vector<256x768xf32>
    %sub3A_31 = arith.subf %add3A_13, %sub3A_30 : vector<256x768xf32>
    %add3A_32 = arith.constant 9.99999974E-6 : f32
    %add3A_33 = vector.broadcast %add3A_32 : f32 to vector<256x1xf32>
    %add3A_34 = arith.addf %div3A_29, %add3A_33 : vector<256x1xf32>
    %sqrt3A = math.sqrt %add3A_34 : vector<256x1xf32>
    %div3A_35 = vector.broadcast %sqrt3A : vector<256x1xf32> to vector<256x768xf32>
    %div3A_36 = arith.divf %sub3A_31, %div3A_35 : vector<256x768xf32>
    %mul3A = vector.broadcast %get3A_16 : vector<1x768xf32> to vector<256x768xf32>
    %mul3A_37 = arith.mulf %div3A_36, %mul3A : vector<256x768xf32>
    %add3A_38 = vector.broadcast %get3A_19 : vector<1x768xf32> to vector<256x768xf32>
    %add3A_39 = arith.addf %mul3A_37, %add3A_38 : vector<256x768xf32>
    %swap3A = arith.constant 0 : index
    %swap3A_40 = arith.constant 0 : index
    %swap3A_41 = vector.load %arg11[%swap3A, %swap3A_40] : memref<256x768xf32, #tpu.memory_space<vmem>>, vector<256x768xf32>
    tpu.vector_store %arg11[%swap3A, %swap3A_40], %add3A_39 {strides = array<i32>} : memref<256x768xf32, #tpu.memory_space<vmem>>, vector<256x768xf32>,
    %get3A_42 = arith.constant 0 : index
    %get3A_43 = arith.constant 0 : index
    %get3A_44 = vector.load %arg7[%get3A_42, %get3A_43] : memref<768x3072xf32, #tpu.memory_space<vmem>>, vector<768x3072xf32>
    %dot_general3A_45 = arith.constant dense<0.000000e+00> : vector<256x3072xf32>
    %dot_general3A_46 = tpu.matmul %add3A_39, %get3A_44, %dot_general3A_45 {dimension_numbers = #tpu.dot_dimension_numbers<[1], [0], [0], [1], [0, 0, 1, 1], [], []>, transpose_lhs_hint = false} : vector<256x768xf32>, vector<768x3072xf32>, vector<256x3072xf32> -> vector<256x3072xf32>
    %get3A_47 = arith.constant 0 : index
    %get3A_48 = arith.constant 0 : index
    %get3A_49 = vector.load %arg8[%get3A_47, %get3A_48] : memref<1x3072xf32, #tpu.memory_space<vmem>>, vector<1x3072xf32>
    %add3A_50 = vector.broadcast %get3A_49 : vector<1x3072xf32> to vector<256x3072xf32>
    %add3A_51 = arith.addf %dot_general3A_46, %add3A_50 : vector<256x3072xf32>
    %max3A = arith.constant 0.000000e+00 : f32
    %max3A_52 = vector.broadcast %max3A : f32 to vector<256x3072xf32>
    %max3A_53 = arith.maximumf %add3A_51, %max3A_52 : vector<256x3072xf32>
    %get3A_54 = arith.constant 0 : index
    %get3A_55 = arith.constant 0 : index
    %get3A_56 = vector.load %arg9[%get3A_54, %get3A_55] : memref<3072x8xf32, #tpu.memory_space<vmem>>, vector<3072x8xf32>
    %dot_general3A_57 = arith.constant dense<0.000000e+00> : vector<256x8xf32>
    %dot_general3A_58 = tpu.matmul %max3A_53, %get3A_56, %dot_general3A_57 {dimension_numbers = #tpu.dot_dimension_numbers<[1], [0], [0], [1], [0, 0, 1, 1], [], []>, transpose_lhs_hint = false} : vector<256x3072xf32>, vector<3072x8xf32>, vector<256x8xf32> -> vector<256x8xf32>
    %get3A_59 = arith.constant 0 : index
    %get3A_60 = arith.constant 0 : index
    %get3A_61 = vector.load %arg10[%get3A_59, %get3A_60] : memref<1x8xf32, #tpu.memory_space<vmem>>, vector<1x8xf32>
    %add3A_62 = vector.broadcast %get3A_61 : vector<1x8xf32> to vector<256x8xf32>
    %add3A_63 = arith.addf %dot_general3A_58, %add3A_62 : vector<256x8xf32>
    %swap3A_64 = arith.constant 0 : index
    %swap3A_65 = arith.constant 0 : index
    %swap3A_66 = vector.load %arg12[%swap3A_64, %swap3A_65] : memref<256x8xf32, #tpu.memory_space<vmem>>, vector<256x8xf32>
    tpu.vector_store %arg12[%swap3A_64, %swap3A_65], %add3A_63 {strides = array<i32>} : memref<256x8xf32, #tpu.memory_space<vmem>>, vector<256x8xf32>,
    return
  }
  func.func @transform_0(%arg0: i32) -> (i32, i32) {
    %c0_i32 = arith.constant 0 : i32
    %c0_i32_0 = arith.constant 0 : i32
    return %arg0, %c0_i32 : i32, i32
  }
  func.func @transform_1(%arg0: i32) -> (i32, i32) {
    %c0_i32 = arith.constant 0 : i32
    %c0_i32_0 = arith.constant 0 : i32
    return %arg0, %c0_i32 : i32, i32
  }
  func.func @transform_2(%arg0: i32) -> (i32, i32) {
    %c0_i32 = arith.constant 0 : i32
    %c0_i32_0 = arith.constant 0 : i32
    %c0_i32_1 = arith.constant 0 : i32
    return %c0_i32, %c0_i32_0 : i32, i32
  }
  func.func @transform_3(%arg0: i32) -> (i32, i32) {
    %c0_i32 = arith.constant 0 : i32
    %c0_i32_0 = arith.constant 0 : i32
    %c0_i32_1 = arith.constant 0 : i32
    return %c0_i32, %c0_i32_0 : i32, i32
  }
  func.func @transform_4(%arg0: i32) -> (i32, i32) {
    %c0_i32 = arith.constant 0 : i32
    %c0_i32_0 = arith.constant 0 : i32
    %c0_i32_1 = arith.constant 0 : i32
    return %c0_i32, %c0_i32_0 : i32, i32
  }
  func.func @transform_5(%arg0: i32) -> (i32, i32) {
    %c0_i32 = arith.constant 0 : i32
    %c0_i32_0 = arith.constant 0 : i32
    %c0_i32_1 = arith.constant 0 : i32
    return %c0_i32, %c0_i32_0 : i32, i32
  }
  func.func @transform_6(%arg0: i32) -> (i32, i32) {
    %c0_i32 = arith.constant 0 : i32
    %c0_i32_0 = arith.constant 0 : i32
    %c0_i32_1 = arith.constant 0 : i32
    return %c0_i32, %c0_i32_0 : i32, i32
  }
  func.func @transform_7(%arg0: i32) -> (i32, i32) {
    %c0_i32 = arith.constant 0 : i32
    %c0_i32_0 = arith.constant 0 : i32
    %c0_i32_1 = arith.constant 0 : i32
    return %c0_i32, %c0_i32_0 : i32, i32
  }
  func.func @transform_8(%arg0: i32) -> (i32, i32) {
    %c0_i32 = arith.constant 0 : i32
    %c0_i32_0 = arith.constant 0 : i32
    %c0_i32_1 = arith.constant 0 : i32
    return %c0_i32, %c0_i32_0 : i32, i32
  }
  func.func @transform_9(%arg0: i32) -> (i32, i32) {
    %c0_i32 = arith.constant 0 : i32
    %c0_i32_0 = arith.constant 0 : i32
    %c0_i32_1 = arith.constant 0 : i32
    return %c0_i32, %c0_i32_0 : i32, i32
  }
  func.func @transform_10(%arg0: i32) -> (i32, i32) {
    %c0_i32 = arith.constant 0 : i32
    %c0_i32_0 = arith.constant 0 : i32
    return %arg0, %c0_i32 : i32, i32
  }
  func.func @transform_11(%arg0: i32) -> (i32, i32) {
    %c0_i32 = arith.constant 0 : i32
    %c0_i32_0 = arith.constant 0 : i32
    return %arg0, %c0_i32 : i32, i32
  }
}

module attributes {stable_mosaic.version = 14 : i64} {
  func.func @_t4_body(%arg0: memref<2048x8xf32, #tpu.memory_space<vmem>>, %arg1: memref<2048x2xf32, #tpu.memory_space<vmem>>, %arg2: memref<2048x2xi32, #tpu.memory_space<vmem>>, %arg3: memref<1x16xi32, #tpu.memory_space<vmem>>, %arg4: memref<1x1xi32, #tpu.memory_space<smem>>) attributes {dimension_semantics = [], scalar_prefetch = 0 : i64, scratch_operands = 0 : i64, tpu.core_type = #tpu.core_type<tc>} {
    %get3A = arith.constant 0 : index
    %get3A_0 = arith.constant 0 : index
    %get3A_1 = vector.load %arg0[%get3A, %get3A_0] : memref<2048x8xf32, #tpu.memory_space<vmem>>, vector<2048x8xf32>
    %iota3A = tpu.iota {dimensions = array<i32: 1>} : vector<2048x8xi32>
    %reduce_max3A = arith.constant dense<0xFF800000> : vector<2048xf32>
    %reduce_max3A_2 = vector.multi_reduction <maximumf>, %get3A_1, %reduce_max3A [1] : vector<2048x8xf32> to vector<2048xf32>
    %broadcast_in_dim3A = vector.shape_cast %reduce_max3A_2 : vector<2048xf32> to vector<2048x1xf32>
    %eq3A = vector.broadcast %broadcast_in_dim3A : vector<2048x1xf32> to vector<2048x8xf32>
    %eq3A_3 = arith.cmpf oeq, %get3A_1, %eq3A : vector<2048x8xf32>
    %jit3A = arith.constant 8 : i32
    %broadcast_in_dim3A_4 = vector.broadcast %jit3A : i32 to vector<2048x8xi32>
    %select_n3A = arith.select %eq3A_3, %iota3A, %broadcast_in_dim3A_4 : vector<2048x8xi1>, vector<2048x8xi32>
    %reduce_min3A = arith.constant dense<2147483647> : vector<2048xi32>
    %reduce_min3A_5 = vector.multi_reduction <minsi>, %select_n3A, %reduce_min3A [1] : vector<2048x8xi32> to vector<2048xi32>
    %broadcast_in_dim3A_6 = vector.shape_cast %reduce_min3A_5 : vector<2048xi32> to vector<2048x1xi32>
    %eq3A_7 = vector.broadcast %broadcast_in_dim3A_6 : vector<2048x1xi32> to vector<2048x8xi32>
    %eq3A_8 = arith.cmpi eq, %iota3A, %eq3A_7 : vector<2048x8xi32>
    %neg3A = arith.constant 0.000000e+00 : f32
    %neg3A_9 = arith.constant 1.000000e+30 : f32
    %neg3A_10 = arith.subf %neg3A, %neg3A_9 : f32
    %broadcast_in_dim3A_11 = vector.broadcast %neg3A_10 : f32 to vector<2048x8xf32>
    %select_n3A_12 = arith.select %eq3A_8, %broadcast_in_dim3A_11, %get3A_1 : vector<2048x8xi1>, vector<2048x8xf32>
    %reduce_max3A_13 = arith.constant dense<0xFF800000> : vector<2048xf32>
    %reduce_max3A_14 = vector.multi_reduction <maximumf>, %select_n3A_12, %reduce_max3A_13 [1] : vector<2048x8xf32> to vector<2048xf32>
    %broadcast_in_dim3A_15 = vector.shape_cast %reduce_max3A_14 : vector<2048xf32> to vector<2048x1xf32>
    %eq3A_16 = vector.broadcast %broadcast_in_dim3A_15 : vector<2048x1xf32> to vector<2048x8xf32>
    %eq3A_17 = arith.cmpf oeq, %select_n3A_12, %eq3A_16 : vector<2048x8xf32>
    %jit3A_18 = arith.constant 8 : i32
    %broadcast_in_dim3A_19 = vector.broadcast %jit3A_18 : i32 to vector<2048x8xi32>
    %select_n3A_20 = arith.select %eq3A_17, %iota3A, %broadcast_in_dim3A_19 : vector<2048x8xi1>, vector<2048x8xi32>
    %reduce_min3A_21 = arith.constant dense<2147483647> : vector<2048xi32>
    %reduce_min3A_22 = vector.multi_reduction <minsi>, %select_n3A_20, %reduce_min3A_21 [1] : vector<2048x8xi32> to vector<2048xi32>
    %broadcast_in_dim3A_23 = vector.shape_cast %reduce_min3A_22 : vector<2048xi32> to vector<2048x1xi32>
    %sub3A = arith.subf %broadcast_in_dim3A_15, %broadcast_in_dim3A : vector<2048x1xf32>
    %exp3A = math.exp %sub3A : vector<2048x1xf32>
    %add3A = arith.constant 1.000000e+00 : f32
    %add3A_24 = vector.broadcast %add3A : f32 to vector<2048x1xf32>
    %add3A_25 = arith.addf %add3A_24, %exp3A : vector<2048x1xf32>
    %div3A = arith.constant 1.000000e+00 : f32
    %div3A_26 = vector.broadcast %div3A : f32 to vector<2048x1xf32>
    %div3A_27 = arith.divf %div3A_26, %add3A_25 : vector<2048x1xf32>
    %add3A_28 = arith.constant 1.000000e+00 : f32
    %add3A_29 = vector.broadcast %add3A_28 : f32 to vector<2048x1xf32>
    %add3A_30 = arith.addf %add3A_29, %exp3A : vector<2048x1xf32>
    %div3A_31 = arith.divf %exp3A, %add3A_30 : vector<2048x1xf32>
    %concatenate3A = tpu.concatenate %div3A_27, %div3A_31 in 1 : vector<2048x1xf32>, vector<2048x1xf32> -> vector<2048x2xf32>
    %swap3A = arith.constant 0 : index
    %swap3A_32 = arith.constant 0 : index
    %swap3A_33 = vector.load %arg1[%swap3A, %swap3A_32] : memref<2048x2xf32, #tpu.memory_space<vmem>>, vector<2048x2xf32>
    tpu.vector_store %arg1[%swap3A, %swap3A_32], %concatenate3A {strides = array<i32>} : memref<2048x2xf32, #tpu.memory_space<vmem>>, vector<2048x2xf32>,
    %eq3A_34 = vector.broadcast %broadcast_in_dim3A_6 : vector<2048x1xi32> to vector<2048x8xi32>
    %eq3A_35 = arith.cmpi eq, %iota3A, %eq3A_34 : vector<2048x8xi32>
    %convert_element_type3A = arith.extui %eq3A_35 : vector<2048x8xi1> to vector<2048x8xi32>
    %convert_element_type3A_36 = arith.sitofp %convert_element_type3A : vector<2048x8xi32> to vector<2048x8xf32>
    %eq3A_37 = vector.broadcast %broadcast_in_dim3A_23 : vector<2048x1xi32> to vector<2048x8xi32>
    %eq3A_38 = arith.cmpi eq, %iota3A, %eq3A_37 : vector<2048x8xi32>
    %convert_element_type3A_39 = arith.extui %eq3A_38 : vector<2048x8xi1> to vector<2048x8xi32>
    %convert_element_type3A_40 = arith.sitofp %convert_element_type3A_39 : vector<2048x8xi32> to vector<2048x8xf32>
    %add3A_41 = arith.addf %convert_element_type3A_36, %convert_element_type3A_40 : vector<2048x8xf32>
    %iota3A_42 = tpu.iota {dimensions = array<i32: 0>} : vector<2048x2048xi32>
    %iota3A_43 = tpu.iota {dimensions = array<i32: 1>} : vector<2048x2048xi32>
    %gt3A = arith.cmpi sgt, %iota3A_42, %iota3A_43 : vector<2048x2048xi32>
    %convert_element_type3A_44 = arith.extui %gt3A : vector<2048x2048xi1> to vector<2048x2048xi32>
    %convert_element_type3A_45 = arith.sitofp %convert_element_type3A_44 : vector<2048x2048xi32> to vector<2048x2048xf32>
    %dot_general3A = arith.constant dense<0.000000e+00> : vector<2048x8xf32>
    %dot_general3A_46 = tpu.matmul %convert_element_type3A_45, %add3A_41, %dot_general3A {dimension_numbers = #tpu.dot_dimension_numbers<[1], [0], [0], [1], [0, 0, 1, 1], [], []>, transpose_lhs_hint = false} : vector<2048x2048xf32>, vector<2048x8xf32>, vector<2048x8xf32> -> vector<2048x8xf32>
    %mul3A = arith.mulf %dot_general3A_46, %convert_element_type3A_36 : vector<2048x8xf32>
    %reduce_sum3A = arith.constant dense<0.000000e+00> : vector<2048xf32>
    %reduce_sum3A_47 = vector.multi_reduction <add>, %mul3A, %reduce_sum3A [1] : vector<2048x8xf32> to vector<2048xf32>
    %broadcast_in_dim3A_48 = vector.shape_cast %reduce_sum3A_47 : vector<2048xf32> to vector<2048x1xf32>
    %mul3A_49 = arith.mulf %dot_general3A_46, %convert_element_type3A_40 : vector<2048x8xf32>
    %reduce_sum3A_50 = arith.constant dense<0.000000e+00> : vector<2048xf32>
    %reduce_sum3A_51 = vector.multi_reduction <add>, %mul3A_49, %reduce_sum3A_50 [1] : vector<2048x8xf32> to vector<2048xf32>
    %broadcast_in_dim3A_52 = vector.shape_cast %reduce_sum3A_51 : vector<2048xf32> to vector<2048x1xf32>
    %reduce_sum3A_53 = arith.constant dense<0.000000e+00> : vector<8xf32>
    %reduce_sum3A_54 = vector.multi_reduction <add>, %add3A_41, %reduce_sum3A_53 [0] : vector<2048x8xf32> to vector<8xf32>
    %broadcast_in_dim3A_55 = vector.shape_cast %reduce_sum3A_54 : vector<8xf32> to vector<1x8xf32>
    %convert_element_type3A_56 = arith.fptosi %broadcast_in_dim3A_55 : vector<1x8xf32> to vector<1x8xi32>
    %add3A_57 = arith.constant 511 : i32
    %add3A_58 = vector.broadcast %add3A_57 : i32 to vector<1x8xi32>
    %add3A_59 = arith.addi %convert_element_type3A_56, %add3A_58 : vector<1x8xi32>
    %jit3A_60 = arith.constant 512 : i32
    %div3A_61 = vector.broadcast %jit3A_60 : i32 to vector<1x8xi32>
    %div3A_62 = arith.divsi %add3A_59, %div3A_61 : vector<1x8xi32>
    %sign3A = arith.constant 0 : i32
    %sign3A_63 = vector.broadcast %sign3A : i32 to vector<1x8xi32>
    %sign3A_64 = arith.cmpi sgt, %add3A_59, %sign3A_63 : vector<1x8xi32>
    %sign3A_65 = arith.extui %sign3A_64 : vector<1x8xi1> to vector<1x8xi32>
    %sign3A_66 = arith.constant 0 : i32
    %sign3A_67 = vector.broadcast %sign3A_66 : i32 to vector<1x8xi32>
    %sign3A_68 = arith.cmpi slt, %add3A_59, %sign3A_67 : vector<1x8xi32>
    %sign3A_69 = arith.extui %sign3A_68 : vector<1x8xi1> to vector<1x8xi32>
    %sign3A_70 = arith.subi %sign3A_65, %sign3A_69 : vector<1x8xi32>
    %sign3A_71 = arith.constant 0 : i32
    %sign3A_72 = arith.cmpi sgt, %jit3A_60, %sign3A_71 : i32
    %sign3A_73 = arith.extui %sign3A_72 : i1 to i32
    %sign3A_74 = arith.constant 0 : i32
    %sign3A_75 = arith.cmpi slt, %jit3A_60, %sign3A_74 : i32
    %sign3A_76 = arith.extui %sign3A_75 : i1 to i32
    %sign3A_77 = arith.subi %sign3A_73, %sign3A_76 : i32
    %ne3A = vector.broadcast %sign3A_77 : i32 to vector<1x8xi32>
    %ne3A_78 = arith.cmpi ne, %sign3A_70, %ne3A : vector<1x8xi32>
    %rem3A = vector.broadcast %jit3A_60 : i32 to vector<1x8xi32>
    %rem3A_79 = arith.remsi %add3A_59, %rem3A : vector<1x8xi32>
    %ne3A_80 = arith.constant 0 : i32
    %ne3A_81 = vector.broadcast %ne3A_80 : i32 to vector<1x8xi32>
    %ne3A_82 = arith.cmpi ne, %rem3A_79, %ne3A_81 : vector<1x8xi32>
    %and3A = arith.andi %ne3A_78, %ne3A_82 : vector<1x8xi1>
    %sub3A_83 = arith.constant 1 : i32
    %sub3A_84 = vector.broadcast %sub3A_83 : i32 to vector<1x8xi32>
    %sub3A_85 = arith.subi %div3A_62, %sub3A_84 : vector<1x8xi32>
    %select_n3A_86 = arith.select %and3A, %sub3A_85, %div3A_62 : vector<1x8xi1>, vector<1x8xi32>
    %mul3A_87 = arith.constant 512 : i32
    %mul3A_88 = vector.broadcast %mul3A_87 : i32 to vector<1x8xi32>
    %mul3A_89 = arith.muli %select_n3A_86, %mul3A_88 : vector<1x8xi32>
    %convert_element_type3A_90 = arith.sitofp %mul3A_89 : vector<1x8xi32> to vector<1x8xf32>
    %iota3A_91 = tpu.iota {dimensions = array<i32: 0>} : vector<8x8xi32>
    %iota3A_92 = tpu.iota {dimensions = array<i32: 1>} : vector<8x8xi32>
    %lt3A = arith.cmpi slt, %iota3A_91, %iota3A_92 : vector<8x8xi32>
    %convert_element_type3A_93 = arith.extui %lt3A : vector<8x8xi1> to vector<8x8xi32>
    %convert_element_type3A_94 = arith.sitofp %convert_element_type3A_93 : vector<8x8xi32> to vector<8x8xf32>
    %dot_general3A_95 = arith.constant dense<0.000000e+00> : vector<1x8xf32>
    %dot_general3A_96 = tpu.matmul %convert_element_type3A_90, %convert_element_type3A_94, %dot_general3A_95 {dimension_numbers = #tpu.dot_dimension_numbers<[1], [0], [0], [1], [0, 0, 1, 1], [], []>, transpose_lhs_hint = false} : vector<1x8xf32>, vector<8x8xf32>, vector<1x8xf32> -> vector<1x8xf32>
    %mul3A_97 = vector.broadcast %dot_general3A_96 : vector<1x8xf32> to vector<2048x8xf32>
    %mul3A_98 = arith.mulf %mul3A_97, %convert_element_type3A_36 : vector<2048x8xf32>
    %reduce_sum3A_99 = arith.constant dense<0.000000e+00> : vector<2048xf32>
    %reduce_sum3A_100 = vector.multi_reduction <add>, %mul3A_98, %reduce_sum3A_99 [1] : vector<2048x8xf32> to vector<2048xf32>
    %broadcast_in_dim3A_101 = vector.shape_cast %reduce_sum3A_100 : vector<2048xf32> to vector<2048x1xf32>
    %add3A_102 = arith.addf %broadcast_in_dim3A_101, %broadcast_in_dim3A_48 : vector<2048x1xf32>
    %mul3A_103 = vector.broadcast %dot_general3A_96 : vector<1x8xf32> to vector<2048x8xf32>
    %mul3A_104 = arith.mulf %mul3A_103, %convert_element_type3A_40 : vector<2048x8xf32>
    %reduce_sum3A_105 = arith.constant dense<0.000000e+00> : vector<2048xf32>
    %reduce_sum3A_106 = vector.multi_reduction <add>, %mul3A_104, %reduce_sum3A_105 [1] : vector<2048x8xf32> to vector<2048xf32>
    %broadcast_in_dim3A_107 = vector.shape_cast %reduce_sum3A_106 : vector<2048xf32> to vector<2048x1xf32>
    %add3A_108 = arith.addf %broadcast_in_dim3A_107, %broadcast_in_dim3A_52 : vector<2048x1xf32>
    %concatenate3A_109 = tpu.concatenate %add3A_102, %add3A_108 in 1 : vector<2048x1xf32>, vector<2048x1xf32> -> vector<2048x2xf32>
    %convert_element_type3A_110 = arith.fptosi %concatenate3A_109 : vector<2048x2xf32> to vector<2048x2xi32>
    %swap3A_111 = arith.constant 0 : index
    %swap3A_112 = arith.constant 0 : index
    %swap3A_113 = vector.load %arg2[%swap3A_111, %swap3A_112] : memref<2048x2xi32, #tpu.memory_space<vmem>>, vector<2048x2xi32>
    tpu.vector_store %arg2[%swap3A_111, %swap3A_112], %convert_element_type3A_110 {strides = array<i32>} : memref<2048x2xi32, #tpu.memory_space<vmem>>, vector<2048x2xi32>,
    %convert_element_type3A_114 = arith.fptosi %dot_general3A_96 : vector<1x8xf32> to vector<1x8xi32>
    %jit3A_115 = arith.constant 512 : i32
    %div3A_116 = vector.broadcast %jit3A_115 : i32 to vector<1x8xi32>
    %div3A_117 = arith.divsi %convert_element_type3A_114, %div3A_116 : vector<1x8xi32>
    %sign3A_118 = arith.constant 0 : i32
    %sign3A_119 = vector.broadcast %sign3A_118 : i32 to vector<1x8xi32>
    %sign3A_120 = arith.cmpi sgt, %convert_element_type3A_114, %sign3A_119 : vector<1x8xi32>
    %sign3A_121 = arith.extui %sign3A_120 : vector<1x8xi1> to vector<1x8xi32>
    %sign3A_122 = arith.constant 0 : i32
    %sign3A_123 = vector.broadcast %sign3A_122 : i32 to vector<1x8xi32>
    %sign3A_124 = arith.cmpi slt, %convert_element_type3A_114, %sign3A_123 : vector<1x8xi32>
    %sign3A_125 = arith.extui %sign3A_124 : vector<1x8xi1> to vector<1x8xi32>
    %sign3A_126 = arith.subi %sign3A_121, %sign3A_125 : vector<1x8xi32>
    %sign3A_127 = arith.constant 0 : i32
    %sign3A_128 = arith.cmpi sgt, %jit3A_115, %sign3A_127 : i32
    %sign3A_129 = arith.extui %sign3A_128 : i1 to i32
    %sign3A_130 = arith.constant 0 : i32
    %sign3A_131 = arith.cmpi slt, %jit3A_115, %sign3A_130 : i32
    %sign3A_132 = arith.extui %sign3A_131 : i1 to i32
    %sign3A_133 = arith.subi %sign3A_129, %sign3A_132 : i32
    %ne3A_134 = vector.broadcast %sign3A_133 : i32 to vector<1x8xi32>
    %ne3A_135 = arith.cmpi ne, %sign3A_126, %ne3A_134 : vector<1x8xi32>
    %rem3A_136 = vector.broadcast %jit3A_115 : i32 to vector<1x8xi32>
    %rem3A_137 = arith.remsi %convert_element_type3A_114, %rem3A_136 : vector<1x8xi32>
    %ne3A_138 = arith.constant 0 : i32
    %ne3A_139 = vector.broadcast %ne3A_138 : i32 to vector<1x8xi32>
    %ne3A_140 = arith.cmpi ne, %rem3A_137, %ne3A_139 : vector<1x8xi32>
    %and3A_141 = arith.andi %ne3A_135, %ne3A_140 : vector<1x8xi1>
    %sub3A_142 = arith.constant 1 : i32
    %sub3A_143 = vector.broadcast %sub3A_142 : i32 to vector<1x8xi32>
    %sub3A_144 = arith.subi %div3A_117, %sub3A_143 : vector<1x8xi32>
    %select_n3A_145 = arith.select %and3A_141, %sub3A_144, %div3A_117 : vector<1x8xi1>, vector<1x8xi32>
    %reduce_sum3A_146 = vector.shape_cast %select_n3A_86 : vector<1x8xi32> to vector<1x1x8xi32>
    %reduce_sum3A_147 = arith.constant dense<0> : vector<1xi32>
    %reduce_sum3A_148 = vector.multi_reduction <add>, %reduce_sum3A_146, %reduce_sum3A_147 [1, 2] : vector<1x1x8xi32> to vector<1xi32>
    %reduce_sum3A_149 = vector.shape_cast %reduce_sum3A_148 : vector<1xi32> to vector<1x1x1xi32>
    %reduce_sum3A_150 = vector.extract %reduce_sum3A_149[0, 0, 0] : i32 from vector<1x1x1xi32>
    %swap3A_151 = arith.constant 0 : index
    %swap3A_152 = arith.constant 0 : index
    %swap3A_153 = memref.load %arg4[%swap3A_151, %swap3A_152] : memref<1x1xi32, #tpu.memory_space<smem>>
    memref.store %reduce_sum3A_150, %arg4[%swap3A_151, %swap3A_152] : memref<1x1xi32, #tpu.memory_space<smem>>
    %iota3A_154 = tpu.iota {dimensions = array<i32: 0>} : vector<16x8xi32>
    %iota3A_155 = tpu.iota {dimensions = array<i32: 1>} : vector<16x8xi32>
    %ge3A = vector.broadcast %select_n3A_145 : vector<1x8xi32> to vector<16x8xi32>
    %ge3A_156 = arith.cmpi sge, %iota3A_154, %ge3A : vector<16x8xi32>
    %add3A_157 = arith.addi %select_n3A_145, %select_n3A_86 : vector<1x8xi32>
    %lt3A_158 = vector.broadcast %add3A_157 : vector<1x8xi32> to vector<16x8xi32>
    %lt3A_159 = arith.cmpi slt, %iota3A_154, %lt3A_158 : vector<16x8xi32>
    %and3A_160 = arith.andi %ge3A_156, %lt3A_159 : vector<16x8xi1>
    %jit3A_161 = arith.constant 0 : i32
    %broadcast_in_dim3A_162 = vector.broadcast %jit3A_161 : i32 to vector<16x8xi32>
    %select_n3A_163 = arith.select %and3A_160, %iota3A_155, %broadcast_in_dim3A_162 : vector<16x8xi1>, vector<16x8xi32>
    %reduce_sum3A_164 = arith.constant dense<0> : vector<16xi32>
    %reduce_sum3A_165 = vector.multi_reduction <add>, %select_n3A_163, %reduce_sum3A_164 [1] : vector<16x8xi32> to vector<16xi32>
    %gt3A_166 = arith.constant 0 : i32
    %gt3A_167 = vector.broadcast %gt3A_166 : i32 to vector<1x8xi32>
    %gt3A_168 = arith.cmpi sgt, %select_n3A_86, %gt3A_167 : vector<1x8xi32>
    %iota3A_169 = tpu.iota {dimensions = array<i32: 1>} : vector<1x8xi32>
    %jit3A_170 = arith.constant -1 : i32
    %broadcast_in_dim3A_171 = vector.broadcast %jit3A_170 : i32 to vector<1x8xi32>
    %select_n3A_172 = arith.select %gt3A_168, %iota3A_169, %broadcast_in_dim3A_171 : vector<1x8xi1>, vector<1x8xi32>
    %reduce_max3A_173 = vector.shape_cast %select_n3A_172 : vector<1x8xi32> to vector<1x1x8xi32>
    %reduce_max3A_174 = arith.constant dense<-2147483648> : vector<1xi32>
    %reduce_max3A_175 = vector.multi_reduction <maxsi>, %reduce_max3A_173, %reduce_max3A_174 [1, 2] : vector<1x1x8xi32> to vector<1xi32>
    %reduce_max3A_176 = vector.shape_cast %reduce_max3A_175 : vector<1xi32> to vector<1x1x1xi32>
    %reduce_max3A_177 = vector.extract %reduce_max3A_176[0, 0, 0] : i32 from vector<1x1x1xi32>
    %iota3A_178 = tpu.iota {dimensions = array<i32: 1>} : vector<1x16xi32>
    %iota3A_179 = vector.shape_cast %iota3A_178 : vector<1x16xi32> to vector<16xi32>
    %lt3A_180 = vector.broadcast %reduce_sum3A_150 : i32 to vector<16xi32>
    %lt3A_181 = arith.cmpi slt, %iota3A_179, %lt3A_180 : vector<16xi32>
    %broadcast_in_dim3A_182 = vector.broadcast %reduce_max3A_177 : i32 to vector<16xi32>
    %select_n3A_183 = arith.select %lt3A_181, %reduce_sum3A_165, %broadcast_in_dim3A_182 : vector<16xi1>, vector<16xi32>
    %broadcast_in_dim3A_184 = vector.shape_cast %select_n3A_183 : vector<16xi32> to vector<1x16xi32>
    %swap3A_185 = arith.constant 0 : index
    %swap3A_186 = arith.constant 0 : index
    %swap3A_187 = vector.load %arg3[%swap3A_185, %swap3A_186] : memref<1x16xi32, #tpu.memory_space<vmem>>, vector<1x16xi32>
    tpu.vector_store %arg3[%swap3A_185, %swap3A_186], %broadcast_in_dim3A_184 {strides = array<i32>} : memref<1x16xi32, #tpu.memory_space<vmem>>, vector<1x16xi32>,
    return
  }
}

module attributes {stable_mosaic.version = 14 : i64} {
  func.func @_t5_body(%arg0: i32, %arg1: i32, %arg2: memref<16xi32, #tpu.memory_space<smem>>, %arg3: memref<1xi32, #tpu.memory_space<smem>>, %arg4: memref<512x768xf32, #tpu.memory_space<vmem>>, %arg5: memref<1x768x1536xf32, #tpu.memory_space<vmem>>, %arg6: memref<1x1x1536xf32, #tpu.memory_space<vmem>>, %arg7: memref<1x1536x768xf32, #tpu.memory_space<vmem>>, %arg8: memref<1x1x768xf32, #tpu.memory_space<vmem>>, %arg9: memref<512x768xf32, #tpu.memory_space<vmem>>) attributes {dimension_semantics = [#tpu.dimension_semantics<arbitrary>, #tpu.dimension_semantics<arbitrary>], iteration_bounds = array<i64: 16, 2>, scalar_prefetch = 2 : i64, scratch_operands = 0 : i64, tpu.core_type = #tpu.core_type<tc>, window_params = [{transform_indices = @transform_0, window_bounds = array<i64: 512, 768>}, {transform_indices = @transform_1, window_bounds = array<i64: 1, 768, 1536>}, {transform_indices = @transform_2, window_bounds = array<i64: 1, 1, 1536>}, {transform_indices = @transform_3, window_bounds = array<i64: 1, 1536, 768>}, {transform_indices = @transform_4, window_bounds = array<i64: 1, 1, 768>}, {transform_indices = @transform_5, window_bounds = array<i64: 512, 768>}]} {
    %get3A = arith.constant 0 : index
    %get3A_0 = memref.load %arg3[%get3A] : memref<1xi32, #tpu.memory_space<smem>>
    %lt3A = arith.cmpi slt, %arg0, %get3A_0 : i32
    %convert_element_type3A = arith.extui %lt3A : i1 to i32
    %cond3A = arith.constant 0 : i32
    %cond3A_1 = arith.cmpi ne, %convert_element_type3A, %cond3A : i32
    scf.if %cond3A_1 {
      %get3A_2 = arith.constant 0 : index
      %get3A_3 = arith.constant 0 : index
      %get3A_4 = vector.load %arg4[%get3A_2, %get3A_3] : memref<512x768xf32, #tpu.memory_space<vmem>>, vector<512x768xf32>
      %get3A_5 = arith.constant 0 : index
      %get3A_6 = arith.constant 0 : index
      %get3A_7 = arith.constant 0 : index
      %get3A_8 = vector.load %arg5[%get3A_5, %get3A_6, %get3A_7] : memref<1x768x1536xf32, #tpu.memory_space<vmem>>, vector<1x768x1536xf32>
      %get3A_9 = vector.shape_cast %get3A_8 : vector<1x768x1536xf32> to vector<768x1536xf32>
      %dot_general3A = arith.constant dense<0.000000e+00> : vector<512x1536xf32>
      %dot_general3A_10 = tpu.matmul %get3A_4, %get3A_9, %dot_general3A {dimension_numbers = #tpu.dot_dimension_numbers<[1], [0], [0], [1], [0, 0, 1, 1], [], []>, transpose_lhs_hint = false} : vector<512x768xf32>, vector<768x1536xf32>, vector<512x1536xf32> -> vector<512x1536xf32>
      %get3A_11 = arith.constant 0 : index
      %get3A_12 = arith.constant 0 : index
      %get3A_13 = arith.constant 0 : index
      %get3A_14 = vector.load %arg6[%get3A_11, %get3A_12, %get3A_13] : memref<1x1x1536xf32, #tpu.memory_space<vmem>>, vector<1x1x1536xf32>
      %get3A_15 = vector.shape_cast %get3A_14 : vector<1x1x1536xf32> to vector<1x1536xf32>
      %add3A = vector.broadcast %get3A_15 : vector<1x1536xf32> to vector<512x1536xf32>
      %add3A_16 = arith.addf %dot_general3A_10, %add3A : vector<512x1536xf32>
      %max3A = arith.constant 0.000000e+00 : f32
      %max3A_17 = vector.broadcast %max3A : f32 to vector<512x1536xf32>
      %max3A_18 = arith.maximumf %add3A_16, %max3A_17 : vector<512x1536xf32>
      %get3A_19 = arith.constant 0 : index
      %get3A_20 = arith.constant 0 : index
      %get3A_21 = arith.constant 0 : index
      %get3A_22 = vector.load %arg7[%get3A_19, %get3A_20, %get3A_21] : memref<1x1536x768xf32, #tpu.memory_space<vmem>>, vector<1x1536x768xf32>
      %get3A_23 = vector.shape_cast %get3A_22 : vector<1x1536x768xf32> to vector<1536x768xf32>
      %dot_general3A_24 = arith.constant dense<0.000000e+00> : vector<512x768xf32>
      %dot_general3A_25 = tpu.matmul %max3A_18, %get3A_23, %dot_general3A_24 {dimension_numbers = #tpu.dot_dimension_numbers<[1], [0], [0], [1], [0, 0, 1, 1], [], []>, transpose_lhs_hint = false} : vector<512x1536xf32>, vector<1536x768xf32>, vector<512x768xf32> -> vector<512x768xf32>
      %eq3A = arith.constant 0 : i32
      %eq3A_26 = arith.cmpi eq, %arg1, %eq3A : i32
      %convert_element_type3A_27 = arith.extui %eq3A_26 : i1 to i32
      %cond3A_28 = arith.constant 0 : i32
      %cond3A_29 = arith.cmpi ne, %convert_element_type3A_27, %cond3A_28 : i32
      scf.if %cond3A_29 {
        %get3A_34 = arith.constant 0 : index
        %get3A_35 = arith.constant 0 : index
        %get3A_36 = arith.constant 0 : index
        %get3A_37 = vector.load %arg8[%get3A_34, %get3A_35, %get3A_36] : memref<1x1x768xf32, #tpu.memory_space<vmem>>, vector<1x1x768xf32>
        %get3A_38 = vector.shape_cast %get3A_37 : vector<1x1x768xf32> to vector<1x768xf32>
        %add3A_39 = vector.broadcast %get3A_38 : vector<1x768xf32> to vector<512x768xf32>
        %add3A_40 = arith.addf %dot_general3A_25, %add3A_39 : vector<512x768xf32>
        %swap3A = arith.constant 0 : index
        %swap3A_41 = arith.constant 0 : index
        %swap3A_42 = vector.load %arg9[%swap3A, %swap3A_41] : memref<512x768xf32, #tpu.memory_space<vmem>>, vector<512x768xf32>
        tpu.vector_store %arg9[%swap3A, %swap3A_41], %add3A_40 {strides = array<i32>} : memref<512x768xf32, #tpu.memory_space<vmem>>, vector<512x768xf32>,
      } else {
      }
      %gt3A = arith.constant 0 : i32
      %gt3A_30 = arith.cmpi sgt, %arg1, %gt3A : i32
      %convert_element_type3A_31 = arith.extui %gt3A_30 : i1 to i32
      %cond3A_32 = arith.constant 0 : i32
      %cond3A_33 = arith.cmpi ne, %convert_element_type3A_31, %cond3A_32 : i32
      scf.if %cond3A_33 {
        %get3A_34 = arith.constant 0 : index
        %get3A_35 = arith.constant 0 : index
        %get3A_36 = vector.load %arg9[%get3A_34, %get3A_35] : memref<512x768xf32, #tpu.memory_space<vmem>>, vector<512x768xf32>
        %add3A_37 = arith.addf %get3A_36, %dot_general3A_25 : vector<512x768xf32>
        %swap3A = arith.constant 0 : index
        %swap3A_38 = arith.constant 0 : index
        %swap3A_39 = vector.load %arg9[%swap3A, %swap3A_38] : memref<512x768xf32, #tpu.memory_space<vmem>>, vector<512x768xf32>
        tpu.vector_store %arg9[%swap3A, %swap3A_38], %add3A_37 {strides = array<i32>} : memref<512x768xf32, #tpu.memory_space<vmem>>, vector<512x768xf32>,
      } else {
      }
    } else {
    }
    return
  }
  func.func @transform_0(%arg0: i32, %arg1: i32, %arg2: memref<16xi32, #tpu.memory_space<smem>>, %arg3: memref<1xi32, #tpu.memory_space<smem>>) -> (i32, i32) {
    %c0_i32 = arith.constant 0 : i32
    %c0_i32_0 = arith.constant 0 : i32
    return %arg0, %c0_i32 : i32, i32
  }
  func.func @transform_1(%arg0: i32, %arg1: i32, %arg2: memref<16xi32, #tpu.memory_space<smem>>, %arg3: memref<1xi32, #tpu.memory_space<smem>>) -> (i32, i32, i32) {
    %get3A = arith.index_cast %arg0 : i32 to index
    %get3A_0 = memref.load %arg2[%get3A] : memref<16xi32, #tpu.memory_space<smem>>
    %c0_i32 = arith.constant 0 : i32
    %c0_i32_1 = arith.constant 0 : i32
    return %get3A_0, %c0_i32, %arg1 : i32, i32, i32
  }
  func.func @transform_2(%arg0: i32, %arg1: i32, %arg2: memref<16xi32, #tpu.memory_space<smem>>, %arg3: memref<1xi32, #tpu.memory_space<smem>>) -> (i32, i32, i32) {
    %get3A = arith.index_cast %arg0 : i32 to index
    %get3A_0 = memref.load %arg2[%get3A] : memref<16xi32, #tpu.memory_space<smem>>
    %c0_i32 = arith.constant 0 : i32
    %c0_i32_1 = arith.constant 0 : i32
    return %get3A_0, %c0_i32, %arg1 : i32, i32, i32
  }
  func.func @transform_3(%arg0: i32, %arg1: i32, %arg2: memref<16xi32, #tpu.memory_space<smem>>, %arg3: memref<1xi32, #tpu.memory_space<smem>>) -> (i32, i32, i32) {
    %get3A = arith.index_cast %arg0 : i32 to index
    %get3A_0 = memref.load %arg2[%get3A] : memref<16xi32, #tpu.memory_space<smem>>
    %c0_i32 = arith.constant 0 : i32
    %c0_i32_1 = arith.constant 0 : i32
    return %get3A_0, %arg1, %c0_i32 : i32, i32, i32
  }
  func.func @transform_4(%arg0: i32, %arg1: i32, %arg2: memref<16xi32, #tpu.memory_space<smem>>, %arg3: memref<1xi32, #tpu.memory_space<smem>>) -> (i32, i32, i32) {
    %get3A = arith.index_cast %arg0 : i32 to index
    %get3A_0 = memref.load %arg2[%get3A] : memref<16xi32, #tpu.memory_space<smem>>
    %c0_i32 = arith.constant 0 : i32
    %c0_i32_1 = arith.constant 0 : i32
    %c0_i32_2 = arith.constant 0 : i32
    return %get3A_0, %c0_i32, %c0_i32_1 : i32, i32, i32
  }
  func.func @transform_5(%arg0: i32, %arg1: i32, %arg2: memref<16xi32, #tpu.memory_space<smem>>, %arg3: memref<1xi32, #tpu.memory_space<smem>>) -> (i32, i32) {
    %c0_i32 = arith.constant 0 : i32
    %c0_i32_0 = arith.constant 0 : i32
    return %arg0, %c0_i32 : i32, i32
  }
}

module attributes {stable_mosaic.version = 14 : i64} {
  func.func @_t6_body(%arg0: i32, %arg1: i32, %arg2: memref<256x768xf32, #tpu.memory_space<vmem>>, %arg3: memref<256x768xf32, #tpu.memory_space<vmem>>, %arg4: memref<256x768xf32, #tpu.memory_space<vmem>>, %arg5: memref<256x2xf32, #tpu.memory_space<vmem>>, %arg6: memref<1x768xf32, #tpu.memory_space<vmem>>, %arg7: memref<1x768xf32, #tpu.memory_space<vmem>>, %arg8: memref<768x1024xf32, #tpu.memory_space<vmem>>, %arg9: memref<1x1024xf32, #tpu.memory_space<vmem>>, %arg10: memref<256x1024xf32, #tpu.memory_space<vmem>>) attributes {dimension_semantics = [#tpu.dimension_semantics<arbitrary>, #tpu.dimension_semantics<arbitrary>], iteration_bounds = array<i64: 8, 8>, scalar_prefetch = 0 : i64, scratch_operands = 0 : i64, tpu.core_type = #tpu.core_type<tc>, window_params = [{transform_indices = @transform_0, window_bounds = array<i64: 256, 768>}, {transform_indices = @transform_1, window_bounds = array<i64: 256, 768>}, {transform_indices = @transform_2, window_bounds = array<i64: 256, 768>}, {transform_indices = @transform_3, window_bounds = array<i64: 256, 2>}, {pipeline_mode = #tpu.pipeline_mode<synchronous>, transform_indices = @transform_4, window_bounds = array<i64: 1, 768>}, {pipeline_mode = #tpu.pipeline_mode<synchronous>, transform_indices = @transform_5, window_bounds = array<i64: 1, 768>}, {transform_indices = @transform_6, window_bounds = array<i64: 768, 1024>}, {transform_indices = @transform_7, window_bounds = array<i64: 1, 1024>}, {transform_indices = @transform_8, window_bounds = array<i64: 256, 1024>}]} {
    %get3A = arith.constant 0 : index
    %get3A_0 = arith.constant 0 : index
    %get3A_1 = vector.load %arg5[%get3A, %get3A_0] : memref<256x2xf32, #tpu.memory_space<vmem>>, vector<256x2xf32>
    %slice3A = vector.extract_strided_slice %get3A_1 {offsets = [0, 0], sizes = [256, 1], strides = [1, 1]} : vector<256x2xf32> to vector<256x1xf32>
    %get3A_2 = arith.constant 0 : index
    %get3A_3 = arith.constant 0 : index
    %get3A_4 = vector.load %arg3[%get3A_2, %get3A_3] : memref<256x768xf32, #tpu.memory_space<vmem>>, vector<256x768xf32>
    %mul3A = vector.broadcast %slice3A : vector<256x1xf32> to vector<256x768xf32>
    %mul3A_5 = arith.mulf %mul3A, %get3A_4 : vector<256x768xf32>
    %slice3A_6 = vector.extract_strided_slice %get3A_1 {offsets = [0, 1], sizes = [256, 1], strides = [1, 1]} : vector<256x2xf32> to vector<256x1xf32>
    %get3A_7 = arith.constant 0 : index
    %get3A_8 = arith.constant 0 : index
    %get3A_9 = vector.load %arg4[%get3A_7, %get3A_8] : memref<256x768xf32, #tpu.memory_space<vmem>>, vector<256x768xf32>
    %mul3A_10 = vector.broadcast %slice3A_6 : vector<256x1xf32> to vector<256x768xf32>
    %mul3A_11 = arith.mulf %mul3A_10, %get3A_9 : vector<256x768xf32>
    %add3A = arith.addf %mul3A_5, %mul3A_11 : vector<256x768xf32>
    %get3A_12 = arith.constant 0 : index
    %get3A_13 = arith.constant 0 : index
    %get3A_14 = vector.load %arg2[%get3A_12, %get3A_13] : memref<256x768xf32, #tpu.memory_space<vmem>>, vector<256x768xf32>
    %add3A_15 = arith.addf %add3A, %get3A_14 : vector<256x768xf32>
    %get3A_16 = arith.constant 0 : index
    %get3A_17 = arith.constant 0 : index
    %get3A_18 = vector.load %arg6[%get3A_16, %get3A_17] : memref<1x768xf32, #tpu.memory_space<vmem>>, vector<1x768xf32>
    %get3A_19 = arith.constant 0 : index
    %get3A_20 = arith.constant 0 : index
    %get3A_21 = vector.load %arg7[%get3A_19, %get3A_20] : memref<1x768xf32, #tpu.memory_space<vmem>>, vector<1x768xf32>
    %reduce_sum3A = arith.constant dense<0.000000e+00> : vector<256xf32>
    %reduce_sum3A_22 = vector.multi_reduction <add>, %add3A_15, %reduce_sum3A [1] : vector<256x768xf32> to vector<256xf32>
    %broadcast_in_dim3A = vector.shape_cast %reduce_sum3A_22 : vector<256xf32> to vector<256x1xf32>
    %div3A = arith.constant 7.680000e+02 : f32
    %div3A_23 = vector.broadcast %div3A : f32 to vector<256x1xf32>
    %div3A_24 = arith.divf %broadcast_in_dim3A, %div3A_23 : vector<256x1xf32>
    %sub3A = vector.broadcast %div3A_24 : vector<256x1xf32> to vector<256x768xf32>
    %sub3A_25 = arith.subf %add3A_15, %sub3A : vector<256x768xf32>
    %integer_pow3A = arith.mulf %sub3A_25, %sub3A_25 : vector<256x768xf32>
    %reduce_sum3A_26 = arith.constant dense<0.000000e+00> : vector<256xf32>
    %reduce_sum3A_27 = vector.multi_reduction <add>, %integer_pow3A, %reduce_sum3A_26 [1] : vector<256x768xf32> to vector<256xf32>
    %broadcast_in_dim3A_28 = vector.shape_cast %reduce_sum3A_27 : vector<256xf32> to vector<256x1xf32>
    %div3A_29 = arith.constant 7.680000e+02 : f32
    %div3A_30 = vector.broadcast %div3A_29 : f32 to vector<256x1xf32>
    %div3A_31 = arith.divf %broadcast_in_dim3A_28, %div3A_30 : vector<256x1xf32>
    %sub3A_32 = vector.broadcast %div3A_24 : vector<256x1xf32> to vector<256x768xf32>
    %sub3A_33 = arith.subf %add3A_15, %sub3A_32 : vector<256x768xf32>
    %add3A_34 = arith.constant 9.99999974E-6 : f32
    %add3A_35 = vector.broadcast %add3A_34 : f32 to vector<256x1xf32>
    %add3A_36 = arith.addf %div3A_31, %add3A_35 : vector<256x1xf32>
    %sqrt3A = math.sqrt %add3A_36 : vector<256x1xf32>
    %div3A_37 = vector.broadcast %sqrt3A : vector<256x1xf32> to vector<256x768xf32>
    %div3A_38 = arith.divf %sub3A_33, %div3A_37 : vector<256x768xf32>
    %mul3A_39 = vector.broadcast %get3A_18 : vector<1x768xf32> to vector<256x768xf32>
    %mul3A_40 = arith.mulf %div3A_38, %mul3A_39 : vector<256x768xf32>
    %add3A_41 = vector.broadcast %get3A_21 : vector<1x768xf32> to vector<256x768xf32>
    %add3A_42 = arith.addf %mul3A_40, %add3A_41 : vector<256x768xf32>
    %get3A_43 = arith.constant 0 : index
    %get3A_44 = arith.constant 0 : index
    %get3A_45 = vector.load %arg8[%get3A_43, %get3A_44] : memref<768x1024xf32, #tpu.memory_space<vmem>>, vector<768x1024xf32>
    %dot_general3A = arith.constant dense<0.000000e+00> : vector<256x1024xf32>
    %dot_general3A_46 = tpu.matmul %add3A_42, %get3A_45, %dot_general3A {dimension_numbers = #tpu.dot_dimension_numbers<[1], [0], [0], [1], [0, 0, 1, 1], [], []>, transpose_lhs_hint = false} : vector<256x768xf32>, vector<768x1024xf32>, vector<256x1024xf32> -> vector<256x1024xf32>
    %get3A_47 = arith.constant 0 : index
    %get3A_48 = arith.constant 0 : index
    %get3A_49 = vector.load %arg9[%get3A_47, %get3A_48] : memref<1x1024xf32, #tpu.memory_space<vmem>>, vector<1x1024xf32>
    %add3A_50 = vector.broadcast %get3A_49 : vector<1x1024xf32> to vector<256x1024xf32>
    %add3A_51 = arith.addf %dot_general3A_46, %add3A_50 : vector<256x1024xf32>
    %swap3A = arith.constant 0 : index
    %swap3A_52 = arith.constant 0 : index
    %swap3A_53 = vector.load %arg10[%swap3A, %swap3A_52] : memref<256x1024xf32, #tpu.memory_space<vmem>>, vector<256x1024xf32>
    tpu.vector_store %arg10[%swap3A, %swap3A_52], %add3A_51 {strides = array<i32>} : memref<256x1024xf32, #tpu.memory_space<vmem>>, vector<256x1024xf32>,
    return
  }
  func.func @transform_0(%arg0: i32, %arg1: i32) -> (i32, i32) {
    %c0_i32 = arith.constant 0 : i32
    %c0_i32_0 = arith.constant 0 : i32
    return %arg1, %c0_i32 : i32, i32
  }
  func.func @transform_1(%arg0: i32, %arg1: i32) -> (i32, i32) {
    %c0_i32 = arith.constant 0 : i32
    %c0_i32_0 = arith.constant 0 : i32
    return %arg1, %c0_i32 : i32, i32
  }
  func.func @transform_2(%arg0: i32, %arg1: i32) -> (i32, i32) {
    %c0_i32 = arith.constant 0 : i32
    %c0_i32_0 = arith.constant 0 : i32
    return %arg1, %c0_i32 : i32, i32
  }
  func.func @transform_3(%arg0: i32, %arg1: i32) -> (i32, i32) {
    %c0_i32 = arith.constant 0 : i32
    %c0_i32_0 = arith.constant 0 : i32
    return %arg1, %c0_i32 : i32, i32
  }
  func.func @transform_4(%arg0: i32, %arg1: i32) -> (i32, i32) {
    %c0_i32 = arith.constant 0 : i32
    %c0_i32_0 = arith.constant 0 : i32
    %c0_i32_1 = arith.constant 0 : i32
    return %c0_i32, %c0_i32_0 : i32, i32
  }
  func.func @transform_5(%arg0: i32, %arg1: i32) -> (i32, i32) {
    %c0_i32 = arith.constant 0 : i32
    %c0_i32_0 = arith.constant 0 : i32
    %c0_i32_1 = arith.constant 0 : i32
    return %c0_i32, %c0_i32_0 : i32, i32
  }
  func.func @transform_6(%arg0: i32, %arg1: i32) -> (i32, i32) {
    %c0_i32 = arith.constant 0 : i32
    %c0_i32_0 = arith.constant 0 : i32
    return %c0_i32, %arg0 : i32, i32
  }
  func.func @transform_7(%arg0: i32, %arg1: i32) -> (i32, i32) {
    %c0_i32 = arith.constant 0 : i32
    %c0_i32_0 = arith.constant 0 : i32
    return %c0_i32, %arg0 : i32, i32
  }
  func.func @transform_8(%arg0: i32, %arg1: i32) -> (i32, i32) {
    %c0_i32 = arith.constant 0 : i32
    return %arg1, %arg0 : i32, i32
  }
}

</mosaic_0001>

<sc_bundles>
// kernel: kernel.13.cloned.1.call-start
scs
__scs_entry_jumppad:
0x0: {  	(pc) =	sbr.rel $0x88, $3  }
0x1: {  	(tag) =	ssettag $0x0;
	lr =	simm.s32 $0x1  }
0x2: {  	[smem:$0x3F86] =	sst lr;
	_ =	strace $0xD0000000  }
0x3: {  	_ = 	snop  }
0x4: {  	_ = 	snop  }
0x5: {  	_ = 	snop  }
0x6: {  	_ = 	snop  }
0x7: {  	_ = 	snop  }
__scs_overlays_trampoline_lowered:
0x8: {  	[smem:$0x3F95] =	sst s0  }
0x9: {  	[smem:$0x3F96] =	sst s1  }
0xa: {  	[smem:$0x3F97] =	sst s2  }
0xb: {  	[smem:$0x3F98] =	sst s3  }
0xc: {  	[smem:$0x3F99] =	sst s4  }
0xd: {  	[smem:$0x3F9A] =	sst s5  }
0xe: {  	[smem:$0x3F9B] =	sst s6  }
0xf: {  	[smem:$0x3F9C] =	sst s7  }
0x10: {  	[smem:$0x3F9D] =	sst s8  }
0x11: {  	[smem:$0x3F9E] =	sst s9;
	s0 =	simm.s32 @!p0 $0x0  }
0x12: {  	s1 =	sld [smem:$0x3F84];
	s0 =	simm.s32 @p0 $0x1  }
0x13: {  	[smem:$0x3F9F] =	sst s0;
	s0 =	simm.s32 @!p1 $0x0  }
0x14: {  	s2 =	sld [smem:$0x3F83];
	s0 =	simm.s32 @p1 $0x1  }
0x15: {  	[smem:$0x3FA0] =	sst s0;
	s0 =	simm.s32 @!p2 $0x0  }
0x16: {  	s3 =	sld [smem:$0x3FDB];
	s0 =	simm.s32 @p2 $0x1  }
0x17: {  	s4 =	simm.s32 $0x1BF5;
	[smem:$0x3FA2] =	sst s0  }
0x18: {  	s0 =	sld [smem:$0x3F85];
	_ =	swait.ge [sflag:s4], $0x0  }
0x19: {  	s7 =	sld [smem:$0x3F86]  }
0x1a: {  	s8 =	sadd.s32 $0xFFFFE003, lr  }
0x1b: {  	s9 =	sadd.s32 $0xFFFFFEF7, lr;
	s5 =	simm.s32 $0xFFFFFFFF;
	p2 =	slt.u32 s8, $0xFFFFF086  }
0x1c: {  	p1 =	slt.u32 s9, $0xF7A;
	s5 =	simm.s32 @!p2 $0x0  }
0x1d: {  	s5 =	simm.s32 @p1 $0x1;
	p0 =	seq.s32 s7, s2  }
0x1e: {  	s7 =	smul.u32 @!p0 $0xF7A, s2;
	p2 =	seq.s32 @!p0 s5, $0x0  }
0x1f: {  	s9 =	smul.u32 $0xF7A, s1;
	s8 =	simm.s32 @!p0 $0x1BF5;
	p2 =	por !p2, p0  }
0x20: {  	[sflag:s8] =	ssyncset.s32 @!p0 $0xFFFFF086;
	s6 =	sadd.s32 @!p0 s3, s7;
	s7 =	simm.s32 @!p0 $0x108  }
0x21: {  	s3 =	sadd.s32 s3, s9;
	s6 =	sadd.s32 @!p0 $0x88, s6;
	s7 =	simm.s32 @p2 $0x1082  }
0x22: {  	[simem:s7], [sflag:s8] =	dma.local @!p0 [hbm:s6], $0xF7A  }
0x23: {  	s9 =	sor.u32 $0xD0000000, s2;
	s6 =	simm.s32 $0x108;
	_ =	swait.ge @!p0 [sflag:s8], $0x0  }
0x24: {  	s3 =	sadd.s32 $0x88, s3;
	s6 =	simm.s32 @!p1 $0x1082;
	[sflag:s4] =	ssyncset.s32 $0xFFFFF086  }
0x25: {  	[simem:s6], [sflag:s4] =	dma.local [hbm:s3], $0xF7A  }
0x26: {  	[smem:$0x3F86] =	sst s1;
	(tag) =	ssettag s2;
	_ =	strace s9  }
0x27: {  	s1 =	sld [smem:$0x3F96]  }
0x28: {  	s2 =	sld [smem:$0x3F97]  }
0x29: {  	s4 =	sld [smem:$0x3F99]  }
0x2a: {  	p0 =	seq.s32 s5, $0x0;
	s5 =	sld [smem:$0x3F9A]  }
0x2b: {  	s6 =	sld [smem:$0x3F9B]  }
0x2c: {  	s7 =	sld [smem:$0x3F9C]  }
0x2d: {  	s3 =	simm.s32 $0x108;
	s8 =	sld [smem:$0x3F9D]  }
0x2e: {  	s3 =	simm.s32 @!p0 $0x1082;
	s9 =	sld [smem:$0x3F9E]  }
0x2f: {  	lr =	sadd.s32 s0, s3;
	s0 =	sld [smem:$0x3F95]  }
0x30: {  	s3 =	sld [smem:$0x3F98]  }
0x31: {  	[smem:$0x3FA1] =	sst s10  }
0x32: {  	s10 =	sld [smem:$0x3F9F];
	_ =	sdelay $0x3  }
0x33: {  	p0 =	seq.s32 s10, $0x1;
	s10 =	sld [smem:$0x3FA1];
	_ =	sdelay $0x3  }
0x34: {  	[smem:$0x3FA1] =	sst s10  }
0x35: {  	s10 =	sld [smem:$0x3FA0];
	_ =	sdelay $0x3  }
0x36: {  	p1 =	seq.s32 s10, $0x1;
	s10 =	sld [smem:$0x3FA1];
	_ =	sdelay $0x3  }
0x37: {  	[smem:$0x3FA1] =	sst s10  }
0x38: {  	s10 =	sld [smem:$0x3FA2]  }
0x39: {  	_ = 	snop;
	(pc) =	sbr.ind lr, $3  }
0x3a: {  	_ = 	snop  }
0x3b: {  	_ = 	snop  }
0x3c: {  	p2 =	seq.s32 s10, $0x1;
	s10 =	sld [smem:$0x3FA1]  }
0x3d: {  	_ =	shalt  }
0x3e: {  	_ =	shalt  }
0x3f: {  	_ =	shalt  }
0x40: {  	_ =	shalt  }
0x41: {  	_ =	shalt  }
0x42: {  	_ =	shalt  }
0x43: {  	_ =	shalt  }
0x44: {  	_ =	shalt  }
0x45: {  	_ =	shalt  }
0x46: {  	_ =	shalt  }
0x47: {  	_ =	shalt  }
0x48: {  	_ =	shalt  }
0x49: {  	_ =	shalt  }
0x4a: {  	_ =	shalt  }
0x4b: {  	_ =	shalt  }
0x4c: {  	_ =	shalt  }
0x4d: {  	_ =	shalt  }
0x4e: {  	_ =	shalt  }
0x4f: {  	_ =	shalt  }
0x50: {  	_ =	shalt  }
0x51: {  	_ =	shalt  }
0x52: {  	_ =	shalt  }
0x53: {  	_ =	shalt  }
0x54: {  	_ =	shalt  }
0x55: {  	_ =	shalt  }
0x56: {  	_ =	shalt  }
0x57: {  	_ =	shalt  }
0x58: {  	_ =	shalt  }
0x59: {  	_ =	shalt  }
0x5a: {  	_ =	shalt  }
0x5b: {  	_ =	shalt  }
0x5c: {  	_ =	shalt  }
0x5d: {  	_ =	shalt  }
0x5e: {  	_ =	shalt  }
0x5f: {  	_ =	shalt  }
0x60: {  	_ =	shalt  }
0x61: {  	_ =	shalt  }
0x62: {  	_ =	shalt  }
0x63: {  	_ =	shalt  }
0x64: {  	_ =	shalt  }
0x65: {  	_ =	shalt  }
0x66: {  	_ =	shalt  }
0x67: {  	_ =	shalt  }
0x68: {  	_ =	shalt  }
0x69: {  	_ =	shalt  }
0x6a: {  	_ =	shalt  }
0x6b: {  	_ =	shalt  }
0x6c: {  	_ =	shalt  }
0x6d: {  	_ =	shalt  }
0x6e: {  	_ =	shalt  }
0x6f: {  	_ =	shalt  }
0x70: {  	_ =	shalt  }
0x71: {  	_ =	shalt  }
0x72: {  	_ =	shalt  }
0x73: {  	_ =	shalt  }
0x74: {  	_ =	shalt  }
0x75: {  	_ =	shalt  }
0x76: {  	_ =	shalt  }
0x77: {  	_ =	shalt  }
0x78: {  	_ =	shalt  }
0x79: {  	_ =	shalt  }
0x7a: {  	_ =	shalt  }
0x7b: {  	_ =	shalt  }
0x7c: {  	_ =	shalt  }
0x7d: {  	_ =	shalt  }
0x7e: {  	_ =	shalt  }
0x7f: {  	_ =	shalt  }
0x80: {  	_ =	shalt  }
0x81: {  	_ =	shalt  }
0x82: {  	_ =	shalt  }
0x83: {  	_ =	shalt  }
0x84: {  	_ =	shalt  }
0x85: {  	_ =	shalt  }
0x86: {  	_ =	shalt  }
0x87: {  	_ =	shalt  }
.Lfunc_end0:
.L_simem_size_0:
called_computation_lowered:
.L_overlay_start_0:
0x88: {  	s2 =	sld [smem:$0x3FD9]  }
0x89: {  	s3 =	sld [smem:$0x3FFE];
	_ =	sdelay $0x1  }
0x8a: {  	s1 =	srdreg.scid  }
0x8b: {  	s0 =	sand.u32 $0x1, s1  }
0x8c: {  	s18 =	sshll.u32 s0, $0xA;
	s2 =	sadd.s32 s3, s2  }
0x8d: {  	s2 =	sadd.s32 s2, s18  }
0x8e: {  	[smem:$0x3FAD] =	sst s2  }
0x8f: {  	_ = 	snop  }
0x90: {  	s2 =	sld [smem:$0x3FC9]  }
0x91: {  	s19 =	sld [smem:$0x3FC8]  }
0x92: {  	s4 =	sld [smem:$0x3FD0];
	(tm) =	ssettm $0x1  }
0x93: {  	s5 =	sld [smem:$0x3FFB];
	_ =	sdelay $0x3  }
0x94: {  	_ =	strace s5  }
0x95: {  	s5 =	sld [smem:$0x3FFC];
	_ =	sdelay $0x3  }
0x96: {  	_ =	strace s5  }
0x97: {  	s5 =	sld [smem:$0x3FFD];
	_ =	sdelay $0x3  }
0x98: {  	_ =	strace s5  }
0x99: {  	_ =	strace $0x8FFFFFFF  }
0x9a: {  	s20 =	sld [smem:$0x3FDB];
	_ =	sdelay $0x1  }
0x9b: {  	s6 =	simm.s32 $_scs_section_size  }
0x9c: {  	s7 =	simm.s32 $_size__tile_overlayer_lowered;
	s8 =	simm.s32 $_tile_overlayer_lowered  }
0x9d: {  	s23 =	simm.s32 $0x1BFF;
	s22 =	sshll.u32 s8, $0x1;
	s5 =	sadd.s32 s6, s20  }
0x9e: {  	s9 =	simm.s32 $0x0;
	s21 =	sshll.u32 s7, $0x1;
	s7 =	sadd.s32 s22, s5  }
0x9f: {  	[timem:s9], [sflag:s23] =	dma.local [hbm:s7], s21  }
0xa0: {  	_ =	swait.ge [sflag:s23], s21  }
0xa1: {  	s6 =	ssub.s32 $0x0, s21;
	[sflag:s23] =	ssyncset.done $0x0  }
0xa2: {  	[sflag:s23] =	ssyncadd.s32 s6;
	_ =	sdelay $0x1  }
0xa3: {  	s24 =	simm.s32 $0x1B8B  }
0xa4: {  	_ =	swait.ge [sflag:s24], $0x1  }
0xa5: {  	[sflag:s24] =	ssyncset.done $0x0  }
0xa6: {  	s25 =	simm.s32 $0x1B8E;
	[sflag:s24] =	ssyncadd.s32 $0xFFFFFFFF  }
0xa7: {  	s26 =	simm.s32 $execute0_lowered;
	[smem:$0x3FD2] =	sst s25  }
0xa8: {  	s6 =	sshll.u32 s26, $0x1;
	_ =	strace $0x80000046;
	[dreg:$0x1] =	wrdreg $0xFFFFFFFF  }
0xa9: {  	s28 =	simm.s32 $_size_execute0_lowered;
	s5 =	sadd.s32 s5, s6;
	[dreg:$0x0] =	wrdreg $0x0  }
0xaa: {  	s6 =	sshll.u32 s28, $0x1;
	[dreg:$0x2] =	wrdreg s5  }
0xab: {  	[dreg:$0x3] =	wrdreg s6  }
0xac: {  	[dreg:$0x4] =	wrdreg $0xC0  }
0xad: {  	_ =	task [dreg:s9], $0x5FFFF  }
0xae: {  	[dreg:$0x1] =	wrdreg $0xFFFFFFFF  }
0xaf: {  	[dreg:$0x0] =	wrdreg $0x60  }
0xb0: {  	[dreg:$0x2] =	wrdreg s19  }
0xb1: {  	[dreg:$0x3] =	wrdreg s2  }
0xb2: {  	[dreg:$0x4] =	wrdreg s4  }
0xb3: {  	[dreg:$0x5] =	wrdreg $0x9  }
0xb4: {  	_ =	task.clear_ibuf [dreg:s9], $0x6FFFF;
	_ =	strace $0x90000046  }
0xb5: {  	s29 =	simm.s32 $0x9;
	_ =	strace $0x80000048  }
0xb6: {  	_ =	swait.ge [sflag:s29], $0x1  }
0xb7: {  	[sflag:s29] =	ssyncadd.s32 $0xFFFFFFFF  }
0xb8: {  	_ =	strace $0x90000048  }
0xb9: {  	_ =	sfence  }
0xba: {  	s30 =	sld [smem:$0x0];
	_ =	sdelay $0x2  }
0xbb: {  	s31 =	sshll.u32 s1, $0xD;
	s1 =	sshrl.u32 s1, $0x2  }
0xbc: {  	s3 =	sand.u32 $0x4000, s31;
	s1 =	sadd.s32 s1, s30  }
0xbd: {  	s0 =	sor.u32 s3, s0;
	s1 =	sshll.u32 s1, $0x11  }
0xbe: {  	s0 =	sor.u32 s1, s0  }
0xbf: {  	s0 =	sadd.s32 $0x8F2B, s0  }
0xc0: {  	[sflag:s0] =	ssyncadd.remote.s32 $0x1  }
0xc1: {  	_ =	sfence.sel $0xFFFF  }
0xc2: {  	[dreg:$0x0] =	wrdreg $0xFFFFFFFF;
	(pc) =	sbr.abs _section_cstart, $3  }
0xc3: {  	[dreg:$0x1] =	wrdreg $0xFFFFFFFF  }
0xc4: {  	_ =	task.clear_ibuf [dreg:s9], $0x2FFFF;
	_ =	strace $0x9FFFFFFF  }
0xc5: {  	(tm) =	ssettm $0x7FFFFFFF  }
tec
execute0_lowered:
.L_overlay_start_1:
0x0: {  	(tag) =	ssettag $0x1  }
0x1: {  	s2 =	rddreg [dreg:$0x0]  }
0x2: {  	s0 =	rddreg [dreg:$0x1];
	s3 =	srdreg.scid  }
0x3: {  	s5 =	rddreg [dreg:$0x2];
	s1 =	stileid.u32  }
0x4: {  	s26 =	simm.s32 $0x880;
	s9 =	simm.s32 $0x1080;
	s10 =	simm.s32 $0x1880  }
0x5: {  	s11 =	simm.s32 $0x2080;
	s12 =	simm.s32 $0x2880;
	s13 =	simm.s32 $0x3080  }
0x6: {  	s14 =	simm.s32 $0x3880;
	s15 =	simm.s32 $0x4080;
	s16 =	simm.s32 $0x4880  }
0x7: {  	s17 =	simm.s32 $0x5080;
	s18 =	simm.s32 $0x5880;
	s19 =	simm.s32 $0x6080  }
0x8: {  	s20 =	simm.s32 $0x6880;
	s21 =	simm.s32 $0x7080;
	s22 =	simm.s32 $0x7880  }
0x9: {  	s23 =	simm.s32 $0x8080;
	s28 =	simm.s32 $0xA080;
	s29 =	simm.s32 $0xA880  }
0xa: {  	s30 =	simm.s32 $0xB080;
	s31 =	simm.s32 $0xB880;
	s4 =	sand.u32 $0x1, s3  }
0xb: {  	s6 =	sshll.u32 s1, $0x4;
	s3 =	simm.s32 $0x0;
	s7 =	sshll.u32 s4, $0x3  }
0xc: {  	s4 =	ssub.s32 $0x2, s4;
	[smem:$0x7FF] =	sst s3;
	s6 =	sor.u32 s7, s6  }
0xd: {  	s24 =	sshrl.u32 s4, $0x1;
	_ =	strace $0x80000047;
	[dreg:$0x6] =	wrdreg s26  }
0xe: {  	s26 =	simm.s32 $0x9880;
	s8 =	smul.u32 $0x300, s6;
	s7 =	ssub.s32 s4, s24  }
0xf: {  	s0 =	sadd.s32 s0, s6;
	s4 =	sadd.s32 $0x100, s2;
	s24 =	simm.s32 $0x8880  }
0x10: {  	v2 =	vlaneseq.u32;
	[dreg:$0x4] =	wrdreg s0;
	s6 =	smax.u32 s7, $0x1;
	s7 =	simm.s32 $0x2  }
0x11: {  	vm0 =	vmmov $0xffff;
	v1 =	vshrl.u32 v2, $0x3;
	s0 =	simm.s32 $0x1;
	s25 =	sadd.s32 s5, s8;
	s5 =	sadd.s32 $0x200, s2  }
0x12: {  	v0 =	vand.u32 $0x7, v2;
	v2 =	vor.u32 $0x8, v2;
	v1 =	vmul.u32 $0x8, v1;
	s8 =	simm.s32 $0x80;
	[dreg:$0x5] =	wrdreg s25;
	s25 =	simm.s32 $0x9080  }
.LBB2_1:
0x13: {  	s1 =	rddreg [dreg:$0x4]  }
0x14: {  	[tilespmem:s3], [sflag:$0x2] =	stream.linear.gather [hbm4b:s1+s3], $0x40, $0x38;
	[tilespmem:$0xC080] =	vst v63  }
0x15: {  	_ =	swait.ge [sflag:s7], $0x40  }
0x16: {  	[sflag:s7] =	ssyncset.done $0x0  }
0x17: {  	[sflag:s7] =	ssyncadd.s32 $0xFFFFFFC0  }
0x18: {  	v3 =	vld [tilespmem:$0x0];
	_ =	sdelay $0x4  }
0x19: {  	v4 =	vshrl.u32 v3, $0x3  }
0x1a: {  	v4 =	vmul.u32 $0x30, v4  }
0x1b: {  	v3 =	vand.u32 $0x7, v3  }
0x1c: {  	v3 =	vor.u32 v3, v4  }
0x1d: {  	v4 =	vperm.xlane v3, v0;
	_ =	sdelay $0x1  }
0x1e: {  	v4 =	vadd.s32 v1, v4;
	_ =	sdelay $0x3  }
0x1f: {  	v3 =	vperm.xlane v3, v2  }
0x20: {  	[tilespmem:s8], [sflag:$0x1] =	stream.indirect_vreg.gather [hbm4b:s2+s3], $0x80, v4, vm0, $0xb8;
	[tilespmem:$0xC080] =	vst v63  }
0x21: {  	s1 =	rddreg [dreg:$0x6];
	v3 =	vadd.s32 v1, v3  }
0x22: {  	[tilespmem:s1], [sflag:$0x1] =	stream.indirect_vreg.gather [hbm4b:s4+s3], $0x80, v4, vm0, $0xb8;
	[tilespmem:$0xC080] =	vst v63  }
0x23: {  	_ = 	snop  }
0x24: {  	[tilespmem:s9], [sflag:$0x1] =	stream.indirect_vreg.gather [hbm4b:s5+s3], $0x80, v4, vm0, $0xb8;
	[tilespmem:$0xC080] =	vst v63  }
0x25: {  	_ = 	snop  }
0x26: {  	[tilespmem:s10], [sflag:$0x1] =	stream.indirect_vreg.gather [hbm4b:s2+s3], $0x80, v3, vm0, $0xb8;
	[tilespmem:$0xC080] =	vst v63  }
0x27: {  	_ = 	snop  }
0x28: {  	[tilespmem:s11], [sflag:$0x1] =	stream.indirect_vreg.gather [hbm4b:s4+s3], $0x80, v3, vm0, $0xb8;
	[tilespmem:$0xC080] =	vst v63  }
0x29: {  	_ = 	snop  }
0x2a: {  	[tilespmem:s12], [sflag:$0x1] =	stream.indirect_vreg.gather [hbm4b:s5+s3], $0x80, v3, vm0, $0xb8;
	[tilespmem:$0xC080] =	vst v63  }
0x2b: {  	v3 =	vld [tilespmem:$0x10];
	_ =	sdelay $0x4  }
0x2c: {  	v61 =	vshrl.u32 v3, $0x3  }
0x2d: {  	v4 =	vmul.u32 $0x30, v61  }
0x2e: {  	v3 =	vand.u32 $0x7, v3  }
0x2f: {  	v3 =	vor.u32 v3, v4  }
0x30: {  	v4 =	vperm.xlane v3, v0;
	_ =	sdelay $0x1  }
0x31: {  	v4 =	vadd.s32 v1, v4;
	_ =	sdelay $0x3  }
0x32: {  	v3 =	vperm.xlane v3, v2  }
0x33: {  	[tilespmem:s13], [sflag:$0x1] =	stream.indirect_vreg.gather [hbm4b:s2+s3], $0x80, v4, vm0, $0xb8;
	[tilespmem:$0xC080] =	vst v63  }
0x34: {  	v3 =	vadd.s32 v1, v3  }
0x35: {  	[tilespmem:s14], [sflag:$0x1] =	stream.indirect_vreg.gather [hbm4b:s4+s3], $0x80, v4, vm0, $0xb8;
	[tilespmem:$0xC080] =	vst v63  }
0x36: {  	_ = 	snop  }
0x37: {  	[tilespmem:s15], [sflag:$0x1] =	stream.indirect_vreg.gather [hbm4b:s5+s3], $0x80, v4, vm0, $0xb8;
	[tilespmem:$0xC080] =	vst v63  }
0x38: {  	_ = 	snop  }
0x39: {  	[tilespmem:s16], [sflag:$0x1] =	stream.indirect_vreg.gather [hbm4b:s2+s3], $0x80, v3, vm0, $0xb8;
	[tilespmem:$0xC080] =	vst v63  }
0x3a: {  	_ = 	snop  }
0x3b: {  	[tilespmem:s17], [sflag:$0x1] =	stream.indirect_vreg.gather [hbm4b:s4+s3], $0x80, v3, vm0, $0xb8;
	[tilespmem:$0xC080] =	vst v63  }
0x3c: {  	_ = 	snop  }
0x3d: {  	[tilespmem:s18], [sflag:$0x1] =	stream.indirect_vreg.gather [hbm4b:s5+s3], $0x80, v3, vm0, $0xb8;
	[tilespmem:$0xC080] =	vst v63  }
0x3e: {  	v3 =	vld [tilespmem:$0x20];
	_ =	sdelay $0x4  }
0x3f: {  	v62 =	vshrl.u32 v3, $0x3  }
0x40: {  	v4 =	vmul.u32 $0x30, v62  }
0x41: {  	v3 =	vand.u32 $0x7, v3  }
0x42: {  	v3 =	vor.u32 v3, v4  }
0x43: {  	v4 =	vperm.xlane v3, v0;
	_ =	sdelay $0x1  }
0x44: {  	v4 =	vadd.s32 v1, v4;
	_ =	sdelay $0x3  }
0x45: {  	v3 =	vperm.xlane v3, v2  }
0x46: {  	[tilespmem:s19], [sflag:$0x1] =	stream.indirect_vreg.gather [hbm4b:s2+s3], $0x80, v4, vm0, $0xb8;
	[tilespmem:$0xC080] =	vst v63  }
0x47: {  	v3 =	vadd.s32 v1, v3  }
0x48: {  	[tilespmem:s20], [sflag:$0x1] =	stream.indirect_vreg.gather [hbm4b:s4+s3], $0x80, v4, vm0, $0xb8;
	[tilespmem:$0xC080] =	vst v63  }
0x49: {  	_ = 	snop  }
0x4a: {  	[tilespmem:s21], [sflag:$0x1] =	stream.indirect_vreg.gather [hbm4b:s5+s3], $0x80, v4, vm0, $0xb8;
	[tilespmem:$0xC080] =	vst v63  }
0x4b: {  	_ = 	snop  }
0x4c: {  	[tilespmem:s22], [sflag:$0x1] =	stream.indirect_vreg.gather [hbm4b:s2+s3], $0x80, v3, vm0, $0xb8;
	[tilespmem:$0xC080] =	vst v63  }
0x4d: {  	_ = 	snop  }
0x4e: {  	[tilespmem:s23], [sflag:$0x1] =	stream.indirect_vreg.gather [hbm4b:s4+s3], $0x80, v3, vm0, $0xb8;
	[tilespmem:$0xC080] =	vst v63  }
0x4f: {  	_ = 	snop  }
0x50: {  	[tilespmem:s24], [sflag:$0x1] =	stream.indirect_vreg.gather [hbm4b:s5+s3], $0x80, v3, vm0, $0xb8;
	[tilespmem:$0xC080] =	vst v63  }
0x51: {  	v3 =	vld [tilespmem:$0x30];
	_ =	sdelay $0x4  }
0x52: {  	v63 =	vshrl.u32 v3, $0x3  }
0x53: {  	v4 =	vmul.u32 $0x30, v63  }
0x54: {  	v3 =	vand.u32 $0x7, v3  }
0x55: {  	v3 =	vor.u32 v3, v4  }
0x56: {  	v4 =	vperm.xlane v3, v0;
	_ =	sdelay $0x1  }
0x57: {  	v4 =	vadd.s32 v1, v4;
	_ =	sdelay $0x3  }
0x58: {  	v3 =	vperm.xlane v3, v2  }
0x59: {  	[tilespmem:s25], [sflag:$0x1] =	stream.indirect_vreg.gather [hbm4b:s2+s3], $0x80, v4, vm0, $0xb8;
	[tilespmem:$0xC080] =	vst v63  }
0x5a: {  	v3 =	vadd.s32 v1, v3  }
0x5b: {  	[tilespmem:s26], [sflag:$0x1] =	stream.indirect_vreg.gather [hbm4b:s4+s3], $0x80, v4, vm0, $0xb8;
	[tilespmem:$0xC080] =	vst v63  }
0x5c: {  	_ = 	snop  }
0x5d: {  	[tilespmem:s28], [sflag:$0x1] =	stream.indirect_vreg.gather [hbm4b:s5+s3], $0x80, v4, vm0, $0xb8;
	[tilespmem:$0xC080] =	vst v63  }
0x5e: {  	_ = 	snop  }
0x5f: {  	[tilespmem:s29], [sflag:$0x1] =	stream.indirect_vreg.gather [hbm4b:s2+s3], $0x80, v3, vm0, $0xb8;
	[tilespmem:$0xC080] =	vst v63  }
0x60: {  	_ = 	snop  }
0x61: {  	[tilespmem:s30], [sflag:$0x1] =	stream.indirect_vreg.gather [hbm4b:s4+s3], $0x80, v3, vm0, $0xb8;
	[tilespmem:$0xC080] =	vst v63  }
0x62: {  	_ = 	snop  }
0x63: {  	[tilespmem:s31], [sflag:$0x1] =	stream.indirect_vreg.gather [hbm4b:s5+s3], $0x80, v3, vm0, $0xb8;
	[tilespmem:$0xC080] =	vst v63  }
0x64: {  	_ =	swait.ge [sflag:s0], $0xC000  }
0x65: {  	p0 =	sne.s32 s6, $0x1;
	[sflag:s0] =	ssyncset.done $0x0  }
.Ltmp0:
0x66: {  	s1 =	rddreg [dreg:$0x5];
	[sflag:s0] =	ssyncadd.s32 $0xFFFF4000;
	(pc) =	sbr.rel @p0 .LBB2_1-.Ltmp0, $4  }
0x67: {  	[hbm4b:s1+s3] =	stream.linear.scatter [tilespmem:s8], [sflag:$0x2], $0xC000, $0x38;
	[tilespmem:$0xC080] =	vst v63  }
0x68: {  	_ =	swait.ge [sflag:s7], $0xC000  }
0x69: {  	[sflag:s7] =	ssyncset.done $0x0  }
0x6a: {  	s6 =	sadd.s32 $0xFFFFFFFF, s6;
	[sflag:s7] =	ssyncadd.s32 $0xFFFF4000  }
0x6b: {  	_ =	sfence.sel $0x180000  }
0x6c: {  	[bflag:$0x0] =	sbarrier.arrive $0xFFFF  }
0x6d: {  	_ =	strace $0x90000047  }
0x6e: {  	s0 =	stileid.u32;
	[bflag:$0x2] =	sbarrier.arrive $0xFFFF  }
0x6f: {  	p0 =	sne.s32 s0, $0x0;
	s0 =	rddreg [dreg:$0x3]  }
0x70: {  	s0 =	sadd.s32 @!p0 $0x100000, s0  }
0x71: {  	[sflag:s0] =	ssyncadd.tile.s32 @!p0 $0x1;
	_ =	shalt  }
.Lfunc_end2:
_tile_overlayer_lowered:
.L_overlay_start_2:
0x72: {  	(tag) =	ssettag $0x2  }
0x73: {  	s0 =	rddreg [dreg:$0x0];
	s2 =	stileid.u32  }
0x74: {  	s1 =	rddreg [dreg:$0x1];
	p0 =	sne.s32 s2, $0x0  }
0x75: {  	s3 =	rddreg [dreg:$0x2];
	[bflag:$0x3] =	sbarrier.arrive $0xFFFF;
	s2 =	simm.s32 @!p0 $0x1C02  }
0x76: {  	[timem:s3], [sflag:s2] =	dma.local @!p0 [hbm:s0], s1  }
0x77: {  	s0 =	simm.s32 @!p0 $0x2  }
0x78: {  	_ =	swait.ge @!p0 [sflag:s0], s1  }
0x79: {  	s1 =	ssub.s32 @!p0 $0x0, s1;
	[sflag:s0] =	ssyncset.done @!p0 $0x0  }
0x7a: {  	[sflag:s0] =	ssyncadd.s32 @!p0 s1  }
0x7b: {  	[bflag:$0x3] =	sbarrier.arrive $0xFFFF  }
0x7c: {  	_ =	shalt  }

// kernel: kernel.16.cloned.1.call-start
scs
__scs_entry_jumppad:
0x0: {  	(pc) =	sbr.rel $0x88, $3  }
0x1: {  	(tag) =	ssettag $0x0;
	lr =	simm.s32 $0x1  }
0x2: {  	[smem:$0x3F86] =	sst lr;
	_ =	strace $0xD0000000  }
0x3: {  	_ = 	snop  }
0x4: {  	_ = 	snop  }
0x5: {  	_ = 	snop  }
0x6: {  	_ = 	snop  }
0x7: {  	_ = 	snop  }
__scs_overlays_trampoline_lowered:
0x8: {  	[smem:$0x3F95] =	sst s0  }
0x9: {  	[smem:$0x3F96] =	sst s1  }
0xa: {  	[smem:$0x3F97] =	sst s2  }
0xb: {  	[smem:$0x3F98] =	sst s3  }
0xc: {  	[smem:$0x3F99] =	sst s4  }
0xd: {  	[smem:$0x3F9A] =	sst s5  }
0xe: {  	[smem:$0x3F9B] =	sst s6  }
0xf: {  	[smem:$0x3F9C] =	sst s7  }
0x10: {  	[smem:$0x3F9D] =	sst s8  }
0x11: {  	[smem:$0x3F9E] =	sst s9;
	s0 =	simm.s32 @!p0 $0x0  }
0x12: {  	s1 =	sld [smem:$0x3F84];
	s0 =	simm.s32 @p0 $0x1  }
0x13: {  	[smem:$0x3F9F] =	sst s0;
	s0 =	simm.s32 @!p1 $0x0  }
0x14: {  	s2 =	sld [smem:$0x3F83];
	s0 =	simm.s32 @p1 $0x1  }
0x15: {  	[smem:$0x3FA0] =	sst s0;
	s0 =	simm.s32 @!p2 $0x0  }
0x16: {  	s3 =	sld [smem:$0x3FDB];
	s0 =	simm.s32 @p2 $0x1  }
0x17: {  	s4 =	simm.s32 $0x1BF5;
	[smem:$0x3FA2] =	sst s0  }
0x18: {  	s0 =	sld [smem:$0x3F85];
	_ =	swait.ge [sflag:s4], $0x0  }
0x19: {  	s7 =	sld [smem:$0x3F86]  }
0x1a: {  	s8 =	sadd.s32 $0xFFFFE003, lr  }
0x1b: {  	s9 =	sadd.s32 $0xFFFFFEF7, lr;
	s5 =	simm.s32 $0xFFFFFFFF;
	p2 =	slt.u32 s8, $0xFFFFF086  }
0x1c: {  	p1 =	slt.u32 s9, $0xF7A;
	s5 =	simm.s32 @!p2 $0x0  }
0x1d: {  	s5 =	simm.s32 @p1 $0x1;
	p0 =	seq.s32 s7, s2  }
0x1e: {  	s7 =	smul.u32 @!p0 $0xF7A, s2;
	p2 =	seq.s32 @!p0 s5, $0x0  }
0x1f: {  	s9 =	smul.u32 $0xF7A, s1;
	s8 =	simm.s32 @!p0 $0x1BF5;
	p2 =	por !p2, p0  }
0x20: {  	[sflag:s8] =	ssyncset.s32 @!p0 $0xFFFFF086;
	s6 =	sadd.s32 @!p0 s3, s7;
	s7 =	simm.s32 @!p0 $0x108  }
0x21: {  	s3 =	sadd.s32 s3, s9;
	s6 =	sadd.s32 @!p0 $0x88, s6;
	s7 =	simm.s32 @p2 $0x1082  }
0x22: {  	[simem:s7], [sflag:s8] =	dma.local @!p0 [hbm:s6], $0xF7A  }
0x23: {  	s9 =	sor.u32 $0xD0000000, s2;
	s6 =	simm.s32 $0x108;
	_ =	swait.ge @!p0 [sflag:s8], $0x0  }
0x24: {  	s3 =	sadd.s32 $0x88, s3;
	s6 =	simm.s32 @!p1 $0x1082;
	[sflag:s4] =	ssyncset.s32 $0xFFFFF086  }
0x25: {  	[simem:s6], [sflag:s4] =	dma.local [hbm:s3], $0xF7A  }
0x26: {  	[smem:$0x3F86] =	sst s1;
	(tag) =	ssettag s2;
	_ =	strace s9  }
0x27: {  	s1 =	sld [smem:$0x3F96]  }
0x28: {  	s2 =	sld [smem:$0x3F97]  }
0x29: {  	s4 =	sld [smem:$0x3F99]  }
0x2a: {  	p0 =	seq.s32 s5, $0x0;
	s5 =	sld [smem:$0x3F9A]  }
0x2b: {  	s6 =	sld [smem:$0x3F9B]  }
0x2c: {  	s7 =	sld [smem:$0x3F9C]  }
0x2d: {  	s3 =	simm.s32 $0x108;
	s8 =	sld [smem:$0x3F9D]  }
0x2e: {  	s3 =	simm.s32 @!p0 $0x1082;
	s9 =	sld [smem:$0x3F9E]  }
0x2f: {  	lr =	sadd.s32 s0, s3;
	s0 =	sld [smem:$0x3F95]  }
0x30: {  	s3 =	sld [smem:$0x3F98]  }
0x31: {  	[smem:$0x3FA1] =	sst s10  }
0x32: {  	s10 =	sld [smem:$0x3F9F];
	_ =	sdelay $0x3  }
0x33: {  	p0 =	seq.s32 s10, $0x1;
	s10 =	sld [smem:$0x3FA1];
	_ =	sdelay $0x3  }
0x34: {  	[smem:$0x3FA1] =	sst s10  }
0x35: {  	s10 =	sld [smem:$0x3FA0];
	_ =	sdelay $0x3  }
0x36: {  	p1 =	seq.s32 s10, $0x1;
	s10 =	sld [smem:$0x3FA1];
	_ =	sdelay $0x3  }
0x37: {  	[smem:$0x3FA1] =	sst s10  }
0x38: {  	s10 =	sld [smem:$0x3FA2]  }
0x39: {  	_ = 	snop;
	(pc) =	sbr.ind lr, $3  }
0x3a: {  	_ = 	snop  }
0x3b: {  	_ = 	snop  }
0x3c: {  	p2 =	seq.s32 s10, $0x1;
	s10 =	sld [smem:$0x3FA1]  }
0x3d: {  	_ =	shalt  }
0x3e: {  	_ =	shalt  }
0x3f: {  	_ =	shalt  }
0x40: {  	_ =	shalt  }
0x41: {  	_ =	shalt  }
0x42: {  	_ =	shalt  }
0x43: {  	_ =	shalt  }
0x44: {  	_ =	shalt  }
0x45: {  	_ =	shalt  }
0x46: {  	_ =	shalt  }
0x47: {  	_ =	shalt  }
0x48: {  	_ =	shalt  }
0x49: {  	_ =	shalt  }
0x4a: {  	_ =	shalt  }
0x4b: {  	_ =	shalt  }
0x4c: {  	_ =	shalt  }
0x4d: {  	_ =	shalt  }
0x4e: {  	_ =	shalt  }
0x4f: {  	_ =	shalt  }
0x50: {  	_ =	shalt  }
0x51: {  	_ =	shalt  }
0x52: {  	_ =	shalt  }
0x53: {  	_ =	shalt  }
0x54: {  	_ =	shalt  }
0x55: {  	_ =	shalt  }
0x56: {  	_ =	shalt  }
0x57: {  	_ =	shalt  }
0x58: {  	_ =	shalt  }
0x59: {  	_ =	shalt  }
0x5a: {  	_ =	shalt  }
0x5b: {  	_ =	shalt  }
0x5c: {  	_ =	shalt  }
0x5d: {  	_ =	shalt  }
0x5e: {  	_ =	shalt  }
0x5f: {  	_ =	shalt  }
0x60: {  	_ =	shalt  }
0x61: {  	_ =	shalt  }
0x62: {  	_ =	shalt  }
0x63: {  	_ =	shalt  }
0x64: {  	_ =	shalt  }
0x65: {  	_ =	shalt  }
0x66: {  	_ =	shalt  }
0x67: {  	_ =	shalt  }
0x68: {  	_ =	shalt  }
0x69: {  	_ =	shalt  }
0x6a: {  	_ =	shalt  }
0x6b: {  	_ =	shalt  }
0x6c: {  	_ =	shalt  }
0x6d: {  	_ =	shalt  }
0x6e: {  	_ =	shalt  }
0x6f: {  	_ =	shalt  }
0x70: {  	_ =	shalt  }
0x71: {  	_ =	shalt  }
0x72: {  	_ =	shalt  }
0x73: {  	_ =	shalt  }
0x74: {  	_ =	shalt  }
0x75: {  	_ =	shalt  }
0x76: {  	_ =	shalt  }
0x77: {  	_ =	shalt  }
0x78: {  	_ =	shalt  }
0x79: {  	_ =	shalt  }
0x7a: {  	_ =	shalt  }
0x7b: {  	_ =	shalt  }
0x7c: {  	_ =	shalt  }
0x7d: {  	_ =	shalt  }
0x7e: {  	_ =	shalt  }
0x7f: {  	_ =	shalt  }
0x80: {  	_ =	shalt  }
0x81: {  	_ =	shalt  }
0x82: {  	_ =	shalt  }
0x83: {  	_ =	shalt  }
0x84: {  	_ =	shalt  }
0x85: {  	_ =	shalt  }
0x86: {  	_ =	shalt  }
0x87: {  	_ =	shalt  }
.Lfunc_end0:
.L_simem_size_0:
called_computation.1_lowered:
.L_overlay_start_0:
0x88: {  	s2 =	sld [smem:$0x3FD9]  }
0x89: {  	s3 =	sld [smem:$0x3FFE];
	_ =	sdelay $0x1  }
0x8a: {  	s1 =	srdreg.scid  }
0x8b: {  	s0 =	sand.u32 $0x1, s1  }
0x8c: {  	s17 =	sshll.u32 s0, $0xA;
	s2 =	sadd.s32 s3, s2  }
0x8d: {  	s2 =	sadd.s32 s2, s17  }
0x8e: {  	[smem:$0x3FAD] =	sst s2  }
0x8f: {  	_ = 	snop  }
0x90: {  	s2 =	sld [smem:$0x3FD0];
	(tm) =	ssettm $0x1  }
0x91: {  	s18 =	sld [smem:$0x3FFB];
	_ =	sdelay $0x3  }
0x92: {  	_ =	strace s18  }
0x93: {  	s3 =	sld [smem:$0x3FFC];
	_ =	sdelay $0x3  }
0x94: {  	_ =	strace s3  }
0x95: {  	s3 =	sld [smem:$0x3FFD];
	_ =	sdelay $0x3  }
0x96: {  	_ =	strace s3  }
0x97: {  	_ =	strace $0x8FFFFFFF  }
0x98: {  	s19 =	sld [smem:$0x3FDB];
	_ =	sdelay $0x1  }
0x99: {  	s4 =	simm.s32 $_scs_section_size  }
0x9a: {  	s5 =	simm.s32 $_size__tile_overlayer_lowered;
	s6 =	simm.s32 $_tile_overlayer_lowered  }
0x9b: {  	s22 =	simm.s32 $0x1BFF;
	s21 =	sshll.u32 s6, $0x1;
	s3 =	sadd.s32 s4, s19  }
0x9c: {  	s7 =	simm.s32 $0x0;
	s20 =	sshll.u32 s5, $0x1;
	s5 =	sadd.s32 s21, s3  }
0x9d: {  	[timem:s7], [sflag:s22] =	dma.local [hbm:s5], s20  }
0x9e: {  	_ =	swait.ge [sflag:s22], s20  }
0x9f: {  	s4 =	ssub.s32 $0x0, s20;
	[sflag:s22] =	ssyncset.done $0x0  }
0xa0: {  	[sflag:s22] =	ssyncadd.s32 s4;
	_ =	sdelay $0x1  }
0xa1: {  	s23 =	simm.s32 $0x1B8B  }
0xa2: {  	_ =	swait.ge [sflag:s23], $0x1  }
0xa3: {  	[sflag:s23] =	ssyncset.done $0x0  }
0xa4: {  	s25 =	simm.s32 $0x1B8E;
	s24 =	sld [smem:$0x3FFE];
	[sflag:s23] =	ssyncadd.s32 $0xFFFFFFFF  }
0xa5: {  	s26 =	simm.s32 $execute0_lowered;
	[smem:$0x3FD2] =	sst s25  }
0xa6: {  	s5 =	sshll.u32 s26, $0x1;
	_ =	strace $0x80000049;
	[dreg:$0x1] =	wrdreg $0xFFFFFFFF  }
0xa7: {  	s28 =	simm.s32 $_size_execute0_lowered;
	s3 =	sadd.s32 s3, s5;
	[dreg:$0x0] =	wrdreg $0x0  }
0xa8: {  	s5 =	sshll.u32 s28, $0x1;
	[dreg:$0x2] =	wrdreg s3  }
0xa9: {  	[dreg:$0x3] =	wrdreg s5  }
0xaa: {  	[dreg:$0x4] =	wrdreg $0xC0  }
0xab: {  	_ =	task [dreg:s7], $0x5FFFF  }
0xac: {  	[dreg:$0x1] =	wrdreg $0xFFFFFFFF  }
0xad: {  	[dreg:$0x0] =	wrdreg $0x60  }
0xae: {  	[dreg:$0x2] =	wrdreg s24  }
0xaf: {  	[dreg:$0x3] =	wrdreg s2  }
0xb0: {  	[dreg:$0x4] =	wrdreg $0x9  }
0xb1: {  	_ =	task.clear_ibuf [dreg:s7], $0x5FFFF;
	_ =	strace $0x90000049  }
0xb2: {  	s29 =	simm.s32 $0x9;
	_ =	strace $0x8000004B  }
0xb3: {  	_ =	swait.ge [sflag:s29], $0x1  }
0xb4: {  	[sflag:s29] =	ssyncadd.s32 $0xFFFFFFFF  }
0xb5: {  	_ =	strace $0x9000004B  }
0xb6: {  	_ =	sfence  }
0xb7: {  	s30 =	sld [smem:$0x0];
	_ =	sdelay $0x2  }
0xb8: {  	s31 =	sshll.u32 s1, $0xD;
	s1 =	sshrl.u32 s1, $0x2  }
0xb9: {  	s3 =	sand.u32 $0x4000, s31;
	s1 =	sadd.s32 s1, s30  }
0xba: {  	s0 =	sor.u32 s3, s0;
	s1 =	sshll.u32 s1, $0x11  }
0xbb: {  	s0 =	sor.u32 s1, s0  }
0xbc: {  	s0 =	sadd.s32 $0x8F2B, s0  }
0xbd: {  	[sflag:s0] =	ssyncadd.remote.s32 $0x1  }
0xbe: {  	_ =	sfence.sel $0xFFFF  }
0xbf: {  	[dreg:$0x0] =	wrdreg $0xFFFFFFFF;
	(pc) =	sbr.abs _section_cstart, $3  }
0xc0: {  	[dreg:$0x1] =	wrdreg $0xFFFFFFFF  }
0xc1: {  	_ =	task.clear_ibuf [dreg:s7], $0x2FFFF;
	_ =	strace $0x9FFFFFFF  }
0xc2: {  	(tm) =	ssettm $0x7FFFFFFF  }
0xc3: {  	_ =	shalt  }
tec
execute0_lowered:
.L_overlay_start_1:
0x0: {  	(tag) =	ssettag $0x1  }
0x1: {  	s0 =	srdreg.scid  }
0x2: {  	s3 =	sand.u32 $0x1, s0;
	s0 =	stileid.u32  }
0x3: {  	s5 =	sshll.u32 s0, $0x1;
	s6 =	ssub.s32 $0x0, s3  }
0x4: {  	p0 =	sne.s32 s5, s6  }
.Ltmp0:
0x5: {  	_ = 	snop;
	(pc) =	sbr.rel @p0 .LBB2_7-.Ltmp0, $4  }
0x6: {  	_ = 	snop  }
0x7: {  	s4 =	rddreg [dreg:$0x0]  }
0x8: {  	s2 =	rddreg [dreg:$0x1]  }
0x9: {  	s1 =	rddreg [dreg:$0x2];
	_ =	strace $0x8000004A  }
0xa: {  	s3 =	ssub.s32 $0x2, s3  }
0xb: {  	s6 =	simm.s32 $0x0;
	s5 =	sshrl.u32 s3, $0x1  }
0xc: {  	s7 =	simm.s32 $0x1;
	s8 =	simm.s32 $0x0;
	s5 =	ssub.s32 s3, s5  }
0xd: {  	v0 =	vimm.s32 $0x0;
	v1 =	vlaneseq.u32;
	s3 =	sadd.s32 $0x35800, s4;
	s4 =	sadd.s32 $0x35600, s4;
	s5 =	smax.u32 s5, $0x1  }
.LBB2_2:
0xe: {  	s9 =	simm.s32 $0x40;
	s10 =	simm.s32 $0x0  }
.LBB2_3:
0xf: {  	p0 =	sne.s32 s9, $0x7FC0;
	[tilespmem:s10+$0x0] =	vst v0;
	s10 =	smov.u32 s9;
	s9 =	sadd.s32 $0x40, s9  }
.Ltmp1:
0x10: {  	(pc) =	sbr.rel @p0 .LBB2_3-.Ltmp1, $2  }
0x11: {  	_ =	sdelay $0x2  }
0x12: {  	s10 =	sshra.s32 s10, $0x2  }
0x13: {  	[tilespmem:s10+$0x0] =	vst v0;
	s9 =	simm.s32 $0x0;
	s10 =	simm.s32 $0x2000  }
0x14: {  	[tilespmem:s10], [sflag:$0x1] =	stream.linear.gather [hbm4b:s3+s9], $0x800, $0x38;
	[tilespmem:$0x3000] =	vst v63  }
0x15: {  	_ =	swait.ge [sflag:s7], $0x800  }
0x16: {  	[sflag:s7] =	ssyncset.done $0x0  }
0x17: {  	s11 =	simm.s32 $0x2800;
	[sflag:s7] =	ssyncadd.s32 $0xFFFFF800  }
0x18: {  	[tilespmem:s11], [sflag:$0x1] =	stream.linear.gather [hbm4b:s4+s9], $0x800, $0x38;
	[tilespmem:$0x3000] =	vst v63  }
0x19: {  	_ =	swait.ge [sflag:s7], $0x800  }
0x1a: {  	[sflag:s7] =	ssyncset.done $0x0  }
0x1b: {  	[sflag:s7] =	ssyncadd.s32 $0xFFFFF800  }
.LBB2_5:
0x1c: {  	v2 =	vld [tilespmem:s10+$0x0];
	_ =	sdelay $0x6  }
0x1d: {  	v3 =	vor.u32 s9, v1  }
0x1e: {  	[tilespmem:v2+s6+$0x0] =	vst.idx.msk $0xffff, v3  }
0x1f: {  	v2 =	vld [tilespmem:s11+$0x0];
	_ =	sdelay $0x2  }
0x20: {  	p0 =	sne.s32 s9, $0x7F0  }
.Ltmp2:
0x21: {  	_ = 	snop;
	(pc) =	sbr.rel @p0 .LBB2_5-.Ltmp2, $2  }
0x22: {  	_ =	sdelay $0x2  }
0x23: {  	s10 =	sadd.s32 $0x10, s10;
	s9 =	sadd.s32 $0x10, s9;
	s11 =	sadd.s32 $0x10, s11;
	[tilespmem:v2+s6+$0x0] =	vst.idx.msk $0xffff, v3  }
0x24: {  	s8 =	sadd.s32 $0x1, s8  }
0x25: {  	p0 =	sne.s32 s8, s5  }
.Ltmp3:
0x26: {  	_ = 	snop;
	(pc) =	sbr.rel @p0 .LBB2_2-.Ltmp3, $4  }
0x27: {  	[hbm4b:s2+s6] =	stream.linear.scatter [tilespmem:s6], [sflag:$0x1], $0x2000, $0x38;
	[tilespmem:$0x3000] =	vst v63  }
0x28: {  	_ =	swait.ge [sflag:s7], $0x2000  }
0x29: {  	[sflag:s7] =	ssyncset.done $0x0  }
0x2a: {  	[sflag:s7] =	ssyncadd.s32 $0xFFFFE000  }
.LBB2_7:
0x2b: {  	_ =	sfence.sel $0x180000  }
0x2c: {  	[bflag:$0x0] =	sbarrier.arrive $0xFFFF  }
0x2d: {  	p0 =	sne.s32 s0, $0x0;
	_ =	strace $0x9000004A  }
0x2e: {  	s0 =	sadd.s32 @!p0 $0x100000, s1;
	[bflag:$0x2] =	sbarrier.arrive $0xFFFF  }
0x2f: {  	[sflag:s0] =	ssyncadd.tile.s32 @!p0 $0x1;
	_ =	shalt  }
.Lfunc_end2:
_tile_overlayer_lowered:
.L_overlay_start_2:
0x30: {  	(tag) =	ssettag $0x2  }
0x31: {  	s0 =	rddreg [dreg:$0x0];
	s2 =	stileid.u32  }
0x32: {  	s1 =	rddreg [dreg:$0x1];
	p0 =	sne.s32 s2, $0x0  }
0x33: {  	s3 =	rddreg [dreg:$0x2];
	[bflag:$0x3] =	sbarrier.arrive $0xFFFF;
	s2 =	simm.s32 @!p0 $0x1C01  }
0x34: {  	[timem:s3], [sflag:s2] =	dma.local @!p0 [hbm:s0], s1  }
0x35: {  	s0 =	simm.s32 @!p0 $0x1  }
0x36: {  	_ =	swait.ge @!p0 [sflag:s0], s1  }
0x37: {  	s1 =	ssub.s32 @!p0 $0x0, s1;
	[sflag:s0] =	ssyncset.done @!p0 $0x0  }
0x38: {  	[sflag:s0] =	ssyncadd.s32 @!p0 s1  }
0x39: {  	[bflag:$0x3] =	sbarrier.arrive $0xFFFF  }
0x3a: {  	_ =	shalt  }

// kernel: kernel.19.cloned.1.call-start
scs
__scs_entry_jumppad:
0x0: {  	(pc) =	sbr.rel $0x88, $3  }
0x1: {  	(tag) =	ssettag $0x0;
	lr =	simm.s32 $0x1  }
0x2: {  	[smem:$0x3F86] =	sst lr;
	_ =	strace $0xD0000000  }
0x3: {  	_ = 	snop  }
0x4: {  	_ = 	snop  }
0x5: {  	_ = 	snop  }
0x6: {  	_ = 	snop  }
0x7: {  	_ = 	snop  }
__scs_overlays_trampoline_lowered:
0x8: {  	[smem:$0x3F95] =	sst s0  }
0x9: {  	[smem:$0x3F96] =	sst s1  }
0xa: {  	[smem:$0x3F97] =	sst s2  }
0xb: {  	[smem:$0x3F98] =	sst s3  }
0xc: {  	[smem:$0x3F99] =	sst s4  }
0xd: {  	[smem:$0x3F9A] =	sst s5  }
0xe: {  	[smem:$0x3F9B] =	sst s6  }
0xf: {  	[smem:$0x3F9C] =	sst s7  }
0x10: {  	[smem:$0x3F9D] =	sst s8  }
0x11: {  	[smem:$0x3F9E] =	sst s9;
	s0 =	simm.s32 @!p0 $0x0  }
0x12: {  	s1 =	sld [smem:$0x3F84];
	s0 =	simm.s32 @p0 $0x1  }
0x13: {  	[smem:$0x3F9F] =	sst s0;
	s0 =	simm.s32 @!p1 $0x0  }
0x14: {  	s2 =	sld [smem:$0x3F83];
	s0 =	simm.s32 @p1 $0x1  }
0x15: {  	[smem:$0x3FA0] =	sst s0;
	s0 =	simm.s32 @!p2 $0x0  }
0x16: {  	s3 =	sld [smem:$0x3FDB];
	s0 =	simm.s32 @p2 $0x1  }
0x17: {  	s4 =	simm.s32 $0x1BF5;
	[smem:$0x3FA2] =	sst s0  }
0x18: {  	s0 =	sld [smem:$0x3F85];
	_ =	swait.ge [sflag:s4], $0x0  }
0x19: {  	s7 =	sld [smem:$0x3F86]  }
0x1a: {  	s8 =	sadd.s32 $0xFFFFE003, lr  }
0x1b: {  	s9 =	sadd.s32 $0xFFFFFEF7, lr;
	s5 =	simm.s32 $0xFFFFFFFF;
	p2 =	slt.u32 s8, $0xFFFFF086  }
0x1c: {  	p1 =	slt.u32 s9, $0xF7A;
	s5 =	simm.s32 @!p2 $0x0  }
0x1d: {  	s5 =	simm.s32 @p1 $0x1;
	p0 =	seq.s32 s7, s2  }
0x1e: {  	s7 =	smul.u32 @!p0 $0xF7A, s2;
	p2 =	seq.s32 @!p0 s5, $0x0  }
0x1f: {  	s9 =	smul.u32 $0xF7A, s1;
	s8 =	simm.s32 @!p0 $0x1BF5;
	p2 =	por !p2, p0  }
0x20: {  	[sflag:s8] =	ssyncset.s32 @!p0 $0xFFFFF086;
	s6 =	sadd.s32 @!p0 s3, s7;
	s7 =	simm.s32 @!p0 $0x108  }
0x21: {  	s3 =	sadd.s32 s3, s9;
	s6 =	sadd.s32 @!p0 $0x88, s6;
	s7 =	simm.s32 @p2 $0x1082  }
0x22: {  	[simem:s7], [sflag:s8] =	dma.local @!p0 [hbm:s6], $0xF7A  }
0x23: {  	s9 =	sor.u32 $0xD0000000, s2;
	s6 =	simm.s32 $0x108;
	_ =	swait.ge @!p0 [sflag:s8], $0x0  }
0x24: {  	s3 =	sadd.s32 $0x88, s3;
	s6 =	simm.s32 @!p1 $0x1082;
	[sflag:s4] =	ssyncset.s32 $0xFFFFF086  }
0x25: {  	[simem:s6], [sflag:s4] =	dma.local [hbm:s3], $0xF7A  }
0x26: {  	[smem:$0x3F86] =	sst s1;
	(tag) =	ssettag s2;
	_ =	strace s9  }
0x27: {  	s1 =	sld [smem:$0x3F96]  }
0x28: {  	s2 =	sld [smem:$0x3F97]  }
0x29: {  	s4 =	sld [smem:$0x3F99]  }
0x2a: {  	p0 =	seq.s32 s5, $0x0;
	s5 =	sld [smem:$0x3F9A]  }
0x2b: {  	s6 =	sld [smem:$0x3F9B]  }
0x2c: {  	s7 =	sld [smem:$0x3F9C]  }
0x2d: {  	s3 =	simm.s32 $0x108;
	s8 =	sld [smem:$0x3F9D]  }
0x2e: {  	s3 =	simm.s32 @!p0 $0x1082;
	s9 =	sld [smem:$0x3F9E]  }
0x2f: {  	lr =	sadd.s32 s0, s3;
	s0 =	sld [smem:$0x3F95]  }
0x30: {  	s3 =	sld [smem:$0x3F98]  }
0x31: {  	[smem:$0x3FA1] =	sst s10  }
0x32: {  	s10 =	sld [smem:$0x3F9F];
	_ =	sdelay $0x3  }
0x33: {  	p0 =	seq.s32 s10, $0x1;
	s10 =	sld [smem:$0x3FA1];
	_ =	sdelay $0x3  }
0x34: {  	[smem:$0x3FA1] =	sst s10  }
0x35: {  	s10 =	sld [smem:$0x3FA0];
	_ =	sdelay $0x3  }
0x36: {  	p1 =	seq.s32 s10, $0x1;
	s10 =	sld [smem:$0x3FA1];
	_ =	sdelay $0x3  }
0x37: {  	[smem:$0x3FA1] =	sst s10  }
0x38: {  	s10 =	sld [smem:$0x3FA2]  }
0x39: {  	_ = 	snop;
	(pc) =	sbr.ind lr, $3  }
0x3a: {  	_ = 	snop  }
0x3b: {  	_ = 	snop  }
0x3c: {  	p2 =	seq.s32 s10, $0x1;
	s10 =	sld [smem:$0x3FA1]  }
0x3d: {  	_ =	shalt  }
0x3e: {  	_ =	shalt  }
0x3f: {  	_ =	shalt  }
0x40: {  	_ =	shalt  }
0x41: {  	_ =	shalt  }
0x42: {  	_ =	shalt  }
0x43: {  	_ =	shalt  }
0x44: {  	_ =	shalt  }
0x45: {  	_ =	shalt  }
0x46: {  	_ =	shalt  }
0x47: {  	_ =	shalt  }
0x48: {  	_ =	shalt  }
0x49: {  	_ =	shalt  }
0x4a: {  	_ =	shalt  }
0x4b: {  	_ =	shalt  }
0x4c: {  	_ =	shalt  }
0x4d: {  	_ =	shalt  }
0x4e: {  	_ =	shalt  }
0x4f: {  	_ =	shalt  }
0x50: {  	_ =	shalt  }
0x51: {  	_ =	shalt  }
0x52: {  	_ =	shalt  }
0x53: {  	_ =	shalt  }
0x54: {  	_ =	shalt  }
0x55: {  	_ =	shalt  }
0x56: {  	_ =	shalt  }
0x57: {  	_ =	shalt  }
0x58: {  	_ =	shalt  }
0x59: {  	_ =	shalt  }
0x5a: {  	_ =	shalt  }
0x5b: {  	_ =	shalt  }
0x5c: {  	_ =	shalt  }
0x5d: {  	_ =	shalt  }
0x5e: {  	_ =	shalt  }
0x5f: {  	_ =	shalt  }
0x60: {  	_ =	shalt  }
0x61: {  	_ =	shalt  }
0x62: {  	_ =	shalt  }
0x63: {  	_ =	shalt  }
0x64: {  	_ =	shalt  }
0x65: {  	_ =	shalt  }
0x66: {  	_ =	shalt  }
0x67: {  	_ =	shalt  }
0x68: {  	_ =	shalt  }
0x69: {  	_ =	shalt  }
0x6a: {  	_ =	shalt  }
0x6b: {  	_ =	shalt  }
0x6c: {  	_ =	shalt  }
0x6d: {  	_ =	shalt  }
0x6e: {  	_ =	shalt  }
0x6f: {  	_ =	shalt  }
0x70: {  	_ =	shalt  }
0x71: {  	_ =	shalt  }
0x72: {  	_ =	shalt  }
0x73: {  	_ =	shalt  }
0x74: {  	_ =	shalt  }
0x75: {  	_ =	shalt  }
0x76: {  	_ =	shalt  }
0x77: {  	_ =	shalt  }
0x78: {  	_ =	shalt  }
0x79: {  	_ =	shalt  }
0x7a: {  	_ =	shalt  }
0x7b: {  	_ =	shalt  }
0x7c: {  	_ =	shalt  }
0x7d: {  	_ =	shalt  }
0x7e: {  	_ =	shalt  }
0x7f: {  	_ =	shalt  }
0x80: {  	_ =	shalt  }
0x81: {  	_ =	shalt  }
0x82: {  	_ =	shalt  }
0x83: {  	_ =	shalt  }
0x84: {  	_ =	shalt  }
0x85: {  	_ =	shalt  }
0x86: {  	_ =	shalt  }
0x87: {  	_ =	shalt  }
.Lfunc_end0:
.L_simem_size_0:
called_computation.2_lowered:
.L_overlay_start_0:
0x88: {  	s2 =	sld [smem:$0x3FD9]  }
0x89: {  	s3 =	sld [smem:$0x3FFE];
	_ =	sdelay $0x1  }
0x8a: {  	s1 =	srdreg.scid  }
0x8b: {  	s0 =	sand.u32 $0x1, s1  }
0x8c: {  	s17 =	sshll.u32 s0, $0xA;
	s2 =	sadd.s32 s3, s2  }
0x8d: {  	s2 =	sadd.s32 s2, s17  }
0x8e: {  	[smem:$0x3FAD] =	sst s2  }
0x8f: {  	_ = 	snop  }
0x90: {  	s2 =	sld [smem:$0x3FD0];
	(tm) =	ssettm $0x1  }
0x91: {  	s18 =	sld [smem:$0x3FFB];
	_ =	sdelay $0x3  }
0x92: {  	_ =	strace s18  }
0x93: {  	s3 =	sld [smem:$0x3FFC];
	_ =	sdelay $0x3  }
0x94: {  	_ =	strace s3  }
0x95: {  	s3 =	sld [smem:$0x3FFD];
	_ =	sdelay $0x3  }
0x96: {  	_ =	strace s3  }
0x97: {  	_ =	strace $0x8FFFFFFF  }
0x98: {  	s19 =	sld [smem:$0x3FDB];
	_ =	sdelay $0x1  }
0x99: {  	s4 =	simm.s32 $_scs_section_size  }
0x9a: {  	s5 =	simm.s32 $_size__tile_overlayer_lowered;
	s6 =	simm.s32 $_tile_overlayer_lowered  }
0x9b: {  	s22 =	simm.s32 $0x1BFF;
	s21 =	sshll.u32 s6, $0x1;
	s3 =	sadd.s32 s4, s19  }
0x9c: {  	s7 =	simm.s32 $0x0;
	s20 =	sshll.u32 s5, $0x1;
	s5 =	sadd.s32 s21, s3  }
0x9d: {  	[timem:s7], [sflag:s22] =	dma.local [hbm:s5], s20  }
0x9e: {  	_ =	swait.ge [sflag:s22], s20  }
0x9f: {  	s4 =	ssub.s32 $0x0, s20;
	[sflag:s22] =	ssyncset.done $0x0  }
0xa0: {  	[sflag:s22] =	ssyncadd.s32 s4;
	_ =	sdelay $0x1  }
0xa1: {  	s23 =	simm.s32 $0x1B8B  }
0xa2: {  	_ =	swait.ge [sflag:s23], $0x1  }
0xa3: {  	[sflag:s23] =	ssyncset.done $0x0  }
0xa4: {  	s25 =	simm.s32 $0x1B8E;
	s24 =	sld [smem:$0x3FFE];
	[sflag:s23] =	ssyncadd.s32 $0xFFFFFFFF  }
0xa5: {  	s26 =	simm.s32 $execute0_lowered;
	[smem:$0x3FD2] =	sst s25  }
0xa6: {  	s5 =	sshll.u32 s26, $0x1;
	_ =	strace $0x8000004C;
	[dreg:$0x1] =	wrdreg $0xFFFFFFFF  }
0xa7: {  	s28 =	simm.s32 $_size_execute0_lowered;
	s3 =	sadd.s32 s3, s5;
	[dreg:$0x0] =	wrdreg $0x0  }
0xa8: {  	s5 =	sshll.u32 s28, $0x1;
	[dreg:$0x2] =	wrdreg s3  }
0xa9: {  	[dreg:$0x3] =	wrdreg s5  }
0xaa: {  	[dreg:$0x4] =	wrdreg $0xC0  }
0xab: {  	_ =	task [dreg:s7], $0x5FFFF  }
0xac: {  	[dreg:$0x1] =	wrdreg $0xFFFFFFFF  }
0xad: {  	[dreg:$0x0] =	wrdreg $0x60  }
0xae: {  	[dreg:$0x2] =	wrdreg s24  }
0xaf: {  	[dreg:$0x3] =	wrdreg s2  }
0xb0: {  	[dreg:$0x4] =	wrdreg $0x9  }
0xb1: {  	_ =	task.clear_ibuf [dreg:s7], $0x5FFFF;
	_ =	strace $0x9000004C  }
0xb2: {  	s29 =	simm.s32 $0x9;
	_ =	strace $0x8000004E  }
0xb3: {  	_ =	swait.ge [sflag:s29], $0x1  }
0xb4: {  	[sflag:s29] =	ssyncadd.s32 $0xFFFFFFFF  }
0xb5: {  	_ =	strace $0x9000004E  }
0xb6: {  	_ =	sfence  }
0xb7: {  	s30 =	sld [smem:$0x0];
	_ =	sdelay $0x2  }
0xb8: {  	s31 =	sshll.u32 s1, $0xD;
	s1 =	sshrl.u32 s1, $0x2  }
0xb9: {  	s3 =	sand.u32 $0x4000, s31;
	s1 =	sadd.s32 s1, s30  }
0xba: {  	s0 =	sor.u32 s3, s0;
	s1 =	sshll.u32 s1, $0x11  }
0xbb: {  	s0 =	sor.u32 s1, s0  }
0xbc: {  	s0 =	sadd.s32 $0x8F2B, s0  }
0xbd: {  	[sflag:s0] =	ssyncadd.remote.s32 $0x1  }
0xbe: {  	_ =	sfence.sel $0xFFFF  }
0xbf: {  	[dreg:$0x0] =	wrdreg $0xFFFFFFFF;
	(pc) =	sbr.abs _section_cstart, $3  }
0xc0: {  	[dreg:$0x1] =	wrdreg $0xFFFFFFFF  }
0xc1: {  	_ =	task.clear_ibuf [dreg:s7], $0x2FFFF;
	_ =	strace $0x9FFFFFFF  }
0xc2: {  	(tm) =	ssettm $0x7FFFFFFF  }
0xc3: {  	_ =	shalt  }
tec
execute0_lowered:
.L_overlay_start_1:
0x0: {  	(tag) =	ssettag $0x1  }
0x1: {  	s0 =	srdreg.scid  }
0x2: {  	s1 =	rddreg [dreg:$0x0];
	s2 =	stileid.u32  }
0x3: {  	s4 =	rddreg [dreg:$0x1];
	s9 =	simm.s32 $0x100;
	s11 =	simm.s32 $0x900  }
0x4: {  	s12 =	simm.s32 $0x1100;
	s13 =	simm.s32 $0x1900;
	s14 =	simm.s32 $0x2100  }
0x5: {  	s15 =	simm.s32 $0x2900;
	s16 =	simm.s32 $0x3100;
	s17 =	simm.s32 $0x3900  }
0x6: {  	s18 =	simm.s32 $0x4100;
	s19 =	simm.s32 $0x4900;
	s20 =	simm.s32 $0x5100  }
0x7: {  	s21 =	simm.s32 $0x5900;
	s28 =	simm.s32 $0x8900;
	s29 =	simm.s32 $0x9100  }
0x8: {  	s30 =	simm.s32 $0x9900;
	s31 =	simm.s32 $0xA100;
	s0 =	sand.u32 $0x1, s0  }
0x9: {  	s3 =	sshll.u32 s2, $0x6;
	s2 =	simm.s32 $0x0;
	s5 =	sshll.u32 s0, $0x5  }
0xa: {  	s8 =	sadd.s32 $0x35A00, s1;
	[smem:$0x7FF] =	sst s2;
	s5 =	sor.u32 s5, s3  }
0xb: {  	s0 =	ssub.s32 $0x2, s0;
	_ =	strace $0x8000004D;
	s6 =	smul.u32 $0x300, s5  }
0xc: {  	s3 =	sadd.s32 $0x5400, s1;
	s24 =	sshrl.u32 s0, $0x1;
	s7 =	smul.u32 $0x1800, s5  }
0xd: {  	s4 =	sadd.s32 s4, s5;
	s0 =	ssub.s32 s0, s24;
	s24 =	simm.s32 $0x7100  }
0xe: {  	[dreg:$0x3] =	wrdreg s4;
	s4 =	simm.s32 $0x1;
	s6 =	sadd.s32 s8, s6  }
0xf: {  	s22 =	sshrl.u32 s7, $0x3;
	s7 =	smax.u32 s0, $0x1;
	[dreg:$0x7] =	wrdreg s6  }
0x10: {  	s23 =	sadd.s32 $0x1800, s6;
	s5 =	sadd.s32 s8, s22;
	s6 =	sadd.s32 $0x5600, s1  }
0x11: {  	s8 =	simm.s32 $0x2;
	s22 =	simm.s32 $0x6100;
	[dreg:$0x4] =	wrdreg s23  }
0x12: {  	v2 =	vlaneseq.u32;
	s25 =	sadd.s32 $0x3000, s5;
	s26 =	sadd.s32 $0x4800, s5;
	s5 =	sadd.s32 $0x5500, s1  }
0x13: {  	vm0 =	vmmov $0xffff;
	v1 =	vshrl.u32 v2, $0x3;
	s23 =	simm.s32 $0x6900;
	s1 =	simm.s32 $0xA900;
	[dreg:$0x5] =	wrdreg s25  }
0x14: {  	v0 =	vand.u32 $0x7, v2;
	v2 =	vor.u32 $0x8, v2;
	v1 =	vmul.u32 $0x8, v1;
	[dreg:$0x6] =	wrdreg s26;
	s25 =	simm.s32 $0x7900;
	s26 =	simm.s32 $0x8100  }
.LBB2_1:
0x15: {  	s10 =	rddreg [dreg:$0x3]  }
0x16: {  	[tilespmem:s2], [sflag:$0x2] =	stream.linear.gather [hbm4b:s10+s2], $0x100, $0x38;
	[tilespmem:$0xC100] =	vst v63  }
0x17: {  	_ =	swait.ge [sflag:s8], $0x100  }
0x18: {  	[sflag:s8] =	ssyncset.done $0x0  }
0x19: {  	[sflag:s8] =	ssyncadd.s32 $0xFFFFFF00  }
0x1a: {  	v3 =	vld [tilespmem:$0x0];
	_ =	sdelay $0x4  }
0x1b: {  	v4 =	vshrl.u32 v3, $0x3  }
0x1c: {  	v4 =	vmul.u32 $0x30, v4  }
0x1d: {  	v3 =	vand.u32 $0x7, v3  }
0x1e: {  	v3 =	vor.u32 v3, v4  }
0x1f: {  	v4 =	vperm.xlane v3, v0;
	_ =	sdelay $0x1  }
0x20: {  	v4 =	vadd.s32 v1, v4;
	_ =	sdelay $0x3  }
0x21: {  	v3 =	vperm.xlane v3, v2  }
0x22: {  	[tilespmem:s9], [sflag:$0x1] =	stream.indirect_vreg.gather [hbm4b:s3+s2], $0x80, v4, vm0, $0xb8;
	[tilespmem:$0xC100] =	vst v63  }
0x23: {  	v3 =	vadd.s32 v1, v3  }
0x24: {  	[tilespmem:s11], [sflag:$0x1] =	stream.indirect_vreg.gather [hbm4b:s5+s2], $0x80, v4, vm0, $0xb8;
	[tilespmem:$0xC100] =	vst v63  }
0x25: {  	_ = 	snop  }
0x26: {  	[tilespmem:s12], [sflag:$0x1] =	stream.indirect_vreg.gather [hbm4b:s6+s2], $0x80, v4, vm0, $0xb8;
	[tilespmem:$0xC100] =	vst v63  }
0x27: {  	_ = 	snop  }
0x28: {  	[tilespmem:s13], [sflag:$0x1] =	stream.indirect_vreg.gather [hbm4b:s3+s2], $0x80, v3, vm0, $0xb8;
	[tilespmem:$0xC100] =	vst v63  }
0x29: {  	_ = 	snop  }
0x2a: {  	[tilespmem:s14], [sflag:$0x1] =	stream.indirect_vreg.gather [hbm4b:s5+s2], $0x80, v3, vm0, $0xb8;
	[tilespmem:$0xC100] =	vst v63  }
0x2b: {  	_ = 	snop  }
0x2c: {  	[tilespmem:s15], [sflag:$0x1] =	stream.indirect_vreg.gather [hbm4b:s6+s2], $0x80, v3, vm0, $0xb8;
	[tilespmem:$0xC100] =	vst v63  }
0x2d: {  	v3 =	vld [tilespmem:$0x10];
	_ =	sdelay $0x4  }
0x2e: {  	v49 =	vshrl.u32 v3, $0x3  }
0x2f: {  	v4 =	vmul.u32 $0x30, v49  }
0x30: {  	v3 =	vand.u32 $0x7, v3  }
0x31: {  	v3 =	vor.u32 v3, v4  }
0x32: {  	v4 =	vperm.xlane v3, v0;
	_ =	sdelay $0x1  }
0x33: {  	v4 =	vadd.s32 v1, v4;
	_ =	sdelay $0x3  }
0x34: {  	v3 =	vperm.xlane v3, v2  }
0x35: {  	[tilespmem:s16], [sflag:$0x1] =	stream.indirect_vreg.gather [hbm4b:s3+s2], $0x80, v4, vm0, $0xb8;
	[tilespmem:$0xC100] =	vst v63  }
0x36: {  	v3 =	vadd.s32 v1, v3  }
0x37: {  	[tilespmem:s17], [sflag:$0x1] =	stream.indirect_vreg.gather [hbm4b:s5+s2], $0x80, v4, vm0, $0xb8;
	[tilespmem:$0xC100] =	vst v63  }
0x38: {  	_ = 	snop  }
0x39: {  	[tilespmem:s18], [sflag:$0x1] =	stream.indirect_vreg.gather [hbm4b:s6+s2], $0x80, v4, vm0, $0xb8;
	[tilespmem:$0xC100] =	vst v63  }
0x3a: {  	_ = 	snop  }
0x3b: {  	[tilespmem:s19], [sflag:$0x1] =	stream.indirect_vreg.gather [hbm4b:s3+s2], $0x80, v3, vm0, $0xb8;
	[tilespmem:$0xC100] =	vst v63  }
0x3c: {  	_ = 	snop  }
0x3d: {  	[tilespmem:s20], [sflag:$0x1] =	stream.indirect_vreg.gather [hbm4b:s5+s2], $0x80, v3, vm0, $0xb8;
	[tilespmem:$0xC100] =	vst v63  }
0x3e: {  	_ = 	snop  }
0x3f: {  	[tilespmem:s21], [sflag:$0x1] =	stream.indirect_vreg.gather [hbm4b:s6+s2], $0x80, v3, vm0, $0xb8;
	[tilespmem:$0xC100] =	vst v63  }
0x40: {  	v3 =	vld [tilespmem:$0x20];
	_ =	sdelay $0x4  }
0x41: {  	v50 =	vshrl.u32 v3, $0x3  }
0x42: {  	v4 =	vmul.u32 $0x30, v50  }
0x43: {  	v3 =	vand.u32 $0x7, v3  }
0x44: {  	v3 =	vor.u32 v3, v4  }
0x45: {  	v4 =	vperm.xlane v3, v0;
	_ =	sdelay $0x1  }
0x46: {  	v4 =	vadd.s32 v1, v4;
	_ =	sdelay $0x3  }
0x47: {  	v3 =	vperm.xlane v3, v2  }
0x48: {  	[tilespmem:s22], [sflag:$0x1] =	stream.indirect_vreg.gather [hbm4b:s3+s2], $0x80, v4, vm0, $0xb8;
	[tilespmem:$0xC100] =	vst v63  }
0x49: {  	v3 =	vadd.s32 v1, v3  }
0x4a: {  	[tilespmem:s23], [sflag:$0x1] =	stream.indirect_vreg.gather [hbm4b:s5+s2], $0x80, v4, vm0, $0xb8;
	[tilespmem:$0xC100] =	vst v63  }
0x4b: {  	_ = 	snop  }
0x4c: {  	[tilespmem:s24], [sflag:$0x1] =	stream.indirect_vreg.gather [hbm4b:s6+s2], $0x80, v4, vm0, $0xb8;
	[tilespmem:$0xC100] =	vst v63  }
0x4d: {  	_ = 	snop  }
0x4e: {  	[tilespmem:s25], [sflag:$0x1] =	stream.indirect_vreg.gather [hbm4b:s3+s2], $0x80, v3, vm0, $0xb8;
	[tilespmem:$0xC100] =	vst v63  }
0x4f: {  	_ = 	snop  }
0x50: {  	[tilespmem:s26], [sflag:$0x1] =	stream.indirect_vreg.gather [hbm4b:s5+s2], $0x80, v3, vm0, $0xb8;
	[tilespmem:$0xC100] =	vst v63  }
0x51: {  	_ = 	snop  }
0x52: {  	[tilespmem:s28], [sflag:$0x1] =	stream.indirect_vreg.gather [hbm4b:s6+s2], $0x80, v3, vm0, $0xb8;
	[tilespmem:$0xC100] =	vst v63  }
0x53: {  	v3 =	vld [tilespmem:$0x30];
	_ =	sdelay $0x4  }
0x54: {  	v51 =	vshrl.u32 v3, $0x3  }
0x55: {  	v4 =	vmul.u32 $0x30, v51  }
0x56: {  	v3 =	vand.u32 $0x7, v3  }
0x57: {  	v3 =	vor.u32 v3, v4  }
0x58: {  	v4 =	vperm.xlane v3, v0;
	_ =	sdelay $0x1  }
0x59: {  	v4 =	vadd.s32 v1, v4;
	_ =	sdelay $0x3  }
0x5a: {  	v3 =	vperm.xlane v3, v2  }
0x5b: {  	[tilespmem:s29], [sflag:$0x1] =	stream.indirect_vreg.gather [hbm4b:s3+s2], $0x80, v4, vm0, $0xb8;
	[tilespmem:$0xC100] =	vst v63  }
0x5c: {  	v3 =	vadd.s32 v1, v3  }
0x5d: {  	[tilespmem:s30], [sflag:$0x1] =	stream.indirect_vreg.gather [hbm4b:s5+s2], $0x80, v4, vm0, $0xb8;
	[tilespmem:$0xC100] =	vst v63  }
0x5e: {  	_ = 	snop  }
0x5f: {  	[tilespmem:s31], [sflag:$0x1] =	stream.indirect_vreg.gather [hbm4b:s6+s2], $0x80, v4, vm0, $0xb8;
	[tilespmem:$0xC100] =	vst v63  }
0x60: {  	_ = 	snop  }
0x61: {  	[tilespmem:s1], [sflag:$0x1] =	stream.indirect_vreg.gather [hbm4b:s3+s2], $0x80, v3, vm0, $0xb8;
	[tilespmem:$0xC100] =	vst v63  }
0x62: {  	s0 =	simm.s32 $0xB100  }
0x63: {  	[tilespmem:s0], [sflag:$0x1] =	stream.indirect_vreg.gather [hbm4b:s5+s2], $0x80, v3, vm0, $0xb8;
	[tilespmem:$0xC100] =	vst v63  }
0x64: {  	s10 =	simm.s32 $0xB900  }
0x65: {  	[tilespmem:s10], [sflag:$0x1] =	stream.indirect_vreg.gather [hbm4b:s6+s2], $0x80, v3, vm0, $0xb8;
	[tilespmem:$0xC100] =	vst v63  }
0x66: {  	_ =	swait.ge [sflag:s4], $0xC000  }
0x67: {  	[sflag:s4] =	ssyncset.done $0x0  }
0x68: {  	s10 =	rddreg [dreg:$0x7];
	[sflag:s4] =	ssyncadd.s32 $0xFFFF4000  }
0x69: {  	[hbm4b:s10+s2] =	stream.linear.scatter [tilespmem:s9], [sflag:$0x2], $0xC000, $0x38;
	[tilespmem:$0xC100] =	vst v63  }
0x6a: {  	_ =	swait.ge [sflag:s8], $0xC000  }
0x6b: {  	[sflag:s8] =	ssyncset.done $0x0  }
0x6c: {  	[sflag:s8] =	ssyncadd.s32 $0xFFFF4000  }
0x6d: {  	v3 =	vld [tilespmem:$0x40];
	_ =	sdelay $0x4  }
0x6e: {  	v52 =	vshrl.u32 v3, $0x3  }
0x6f: {  	v4 =	vmul.u32 $0x30, v52  }
0x70: {  	v3 =	vand.u32 $0x7, v3  }
0x71: {  	v3 =	vor.u32 v3, v4  }
0x72: {  	v4 =	vperm.xlane v3, v0;
	_ =	sdelay $0x1  }
0x73: {  	v4 =	vadd.s32 v1, v4;
	_ =	sdelay $0x3  }
0x74: {  	v3 =	vperm.xlane v3, v2  }
0x75: {  	[tilespmem:s9], [sflag:$0x1] =	stream.indirect_vreg.gather [hbm4b:s3+s2], $0x80, v4, vm0, $0xb8;
	[tilespmem:$0xC100] =	vst v63  }
0x76: {  	v3 =	vadd.s32 v1, v3  }
0x77: {  	[tilespmem:s11], [sflag:$0x1] =	stream.indirect_vreg.gather [hbm4b:s5+s2], $0x80, v4, vm0, $0xb8;
	[tilespmem:$0xC100] =	vst v63  }
0x78: {  	_ = 	snop  }
0x79: {  	[tilespmem:s12], [sflag:$0x1] =	stream.indirect_vreg.gather [hbm4b:s6+s2], $0x80, v4, vm0, $0xb8;
	[tilespmem:$0xC100] =	vst v63  }
0x7a: {  	_ = 	snop  }
0x7b: {  	[tilespmem:s13], [sflag:$0x1] =	stream.indirect_vreg.gather [hbm4b:s3+s2], $0x80, v3, vm0, $0xb8;
	[tilespmem:$0xC100] =	vst v63  }
0x7c: {  	_ = 	snop  }
0x7d: {  	[tilespmem:s14], [sflag:$0x1] =	stream.indirect_vreg.gather [hbm4b:s5+s2], $0x80, v3, vm0, $0xb8;
	[tilespmem:$0xC100] =	vst v63  }
0x7e: {  	_ = 	snop  }
0x7f: {  	[tilespmem:s15], [sflag:$0x1] =	stream.indirect_vreg.gather [hbm4b:s6+s2], $0x80, v3, vm0, $0xb8;
	[tilespmem:$0xC100] =	vst v63  }
0x80: {  	v3 =	vld [tilespmem:$0x50];
	_ =	sdelay $0x4  }
0x81: {  	v53 =	vshrl.u32 v3, $0x3  }
0x82: {  	v4 =	vmul.u32 $0x30, v53  }
0x83: {  	v3 =	vand.u32 $0x7, v3  }
0x84: {  	v3 =	vor.u32 v3, v4  }
0x85: {  	v4 =	vperm.xlane v3, v0;
	_ =	sdelay $0x1  }
0x86: {  	v4 =	vadd.s32 v1, v4;
	_ =	sdelay $0x3  }
0x87: {  	v3 =	vperm.xlane v3, v2  }
0x88: {  	[tilespmem:s16], [sflag:$0x1] =	stream.indirect_vreg.gather [hbm4b:s3+s2], $0x80, v4, vm0, $0xb8;
	[tilespmem:$0xC100] =	vst v63  }
0x89: {  	v3 =	vadd.s32 v1, v3  }
0x8a: {  	[tilespmem:s17], [sflag:$0x1] =	stream.indirect_vreg.gather [hbm4b:s5+s2], $0x80, v4, vm0, $0xb8;
	[tilespmem:$0xC100] =	vst v63  }
0x8b: {  	_ = 	snop  }
0x8c: {  	[tilespmem:s18], [sflag:$0x1] =	stream.indirect_vreg.gather [hbm4b:s6+s2], $0x80, v4, vm0, $0xb8;
	[tilespmem:$0xC100] =	vst v63  }
0x8d: {  	_ = 	snop  }
0x8e: {  	[tilespmem:s19], [sflag:$0x1] =	stream.indirect_vreg.gather [hbm4b:s3+s2], $0x80, v3, vm0, $0xb8;
	[tilespmem:$0xC100] =	vst v63  }
0x8f: {  	_ = 	snop  }
0x90: {  	[tilespmem:s20], [sflag:$0x1] =	stream.indirect_vreg.gather [hbm4b:s5+s2], $0x80, v3, vm0, $0xb8;
	[tilespmem:$0xC100] =	vst v63  }
0x91: {  	_ = 	snop  }
0x92: {  	[tilespmem:s21], [sflag:$0x1] =	stream.indirect_vreg.gather [hbm4b:s6+s2], $0x80, v3, vm0, $0xb8;
	[tilespmem:$0xC100] =	vst v63  }
0x93: {  	v3 =	vld [tilespmem:$0x60];
	_ =	sdelay $0x4  }
0x94: {  	v54 =	vshrl.u32 v3, $0x3  }
0x95: {  	v4 =	vmul.u32 $0x30, v54  }
0x96: {  	v3 =	vand.u32 $0x7, v3  }
0x97: {  	v3 =	vor.u32 v3, v4  }
0x98: {  	v4 =	vperm.xlane v3, v0;
	_ =	sdelay $0x1  }
0x99: {  	v4 =	vadd.s32 v1, v4;
	_ =	sdelay $0x3  }
0x9a: {  	v3 =	vperm.xlane v3, v2  }
0x9b: {  	[tilespmem:s22], [sflag:$0x1] =	stream.indirect_vreg.gather [hbm4b:s3+s2], $0x80, v4, vm0, $0xb8;
	[tilespmem:$0xC100] =	vst v63  }
0x9c: {  	v3 =	vadd.s32 v1, v3  }
0x9d: {  	[tilespmem:s23], [sflag:$0x1] =	stream.indirect_vreg.gather [hbm4b:s5+s2], $0x80, v4, vm0, $0xb8;
	[tilespmem:$0xC100] =	vst v63  }
0x9e: {  	_ = 	snop  }
0x9f: {  	[tilespmem:s24], [sflag:$0x1] =	stream.indirect_vreg.gather [hbm4b:s6+s2], $0x80, v4, vm0, $0xb8;
	[tilespmem:$0xC100] =	vst v63  }
0xa0: {  	_ = 	snop  }
0xa1: {  	[tilespmem:s25], [sflag:$0x1] =	stream.indirect_vreg.gather [hbm4b:s3+s2], $0x80, v3, vm0, $0xb8;
	[tilespmem:$0xC100] =	vst v63  }
0xa2: {  	_ = 	snop  }
0xa3: {  	[tilespmem:s26], [sflag:$0x1] =	stream.indirect_vreg.gather [hbm4b:s5+s2], $0x80, v3, vm0, $0xb8;
	[tilespmem:$0xC100] =	vst v63  }
0xa4: {  	_ = 	snop  }
0xa5: {  	[tilespmem:s28], [sflag:$0x1] =	stream.indirect_vreg.gather [hbm4b:s6+s2], $0x80, v3, vm0, $0xb8;
	[tilespmem:$0xC100] =	vst v63  }
0xa6: {  	v3 =	vld [tilespmem:$0x70];
	_ =	sdelay $0x4  }
0xa7: {  	v55 =	vshrl.u32 v3, $0x3  }
0xa8: {  	v4 =	vmul.u32 $0x30, v55  }
0xa9: {  	v3 =	vand.u32 $0x7, v3  }
0xaa: {  	v3 =	vor.u32 v3, v4  }
0xab: {  	v4 =	vperm.xlane v3, v0;
	_ =	sdelay $0x1  }
0xac: {  	v4 =	vadd.s32 v1, v4;
	_ =	sdelay $0x3  }
0xad: {  	v3 =	vperm.xlane v3, v2  }
0xae: {  	[tilespmem:s29], [sflag:$0x1] =	stream.indirect_vreg.gather [hbm4b:s3+s2], $0x80, v4, vm0, $0xb8;
	[tilespmem:$0xC100] =	vst v63  }
0xaf: {  	v3 =	vadd.s32 v1, v3  }
0xb0: {  	[tilespmem:s30], [sflag:$0x1] =	stream.indirect_vreg.gather [hbm4b:s5+s2], $0x80, v4, vm0, $0xb8;
	[tilespmem:$0xC100] =	vst v63  }
0xb1: {  	_ = 	snop  }
0xb2: {  	[tilespmem:s31], [sflag:$0x1] =	stream.indirect_vreg.gather [hbm4b:s6+s2], $0x80, v4, vm0, $0xb8;
	[tilespmem:$0xC100] =	vst v63  }
0xb3: {  	_ = 	snop  }
0xb4: {  	[tilespmem:s1], [sflag:$0x1] =	stream.indirect_vreg.gather [hbm4b:s3+s2], $0x80, v3, vm0, $0xb8;
	[tilespmem:$0xC100] =	vst v63  }
0xb5: {  	_ = 	snop  }
0xb6: {  	[tilespmem:s0], [sflag:$0x1] =	stream.indirect_vreg.gather [hbm4b:s5+s2], $0x80, v3, vm0, $0xb8;
	[tilespmem:$0xC100] =	vst v63  }
0xb7: {  	s10 =	simm.s32 $0xB900  }
0xb8: {  	[tilespmem:s10], [sflag:$0x1] =	stream.indirect_vreg.gather [hbm4b:s6+s2], $0x80, v3, vm0, $0xb8;
	[tilespmem:$0xC100] =	vst v63  }
0xb9: {  	_ =	swait.ge [sflag:s4], $0xC000  }
0xba: {  	[sflag:s4] =	ssyncset.done $0x0  }
0xbb: {  	s10 =	rddreg [dreg:$0x4];
	[sflag:s4] =	ssyncadd.s32 $0xFFFF4000  }
0xbc: {  	[hbm4b:s10+s2] =	stream.linear.scatter [tilespmem:s9], [sflag:$0x2], $0xC000, $0x38;
	[tilespmem:$0xC100] =	vst v63  }
0xbd: {  	_ =	swait.ge [sflag:s8], $0xC000  }
0xbe: {  	[sflag:s8] =	ssyncset.done $0x0  }
0xbf: {  	[sflag:s8] =	ssyncadd.s32 $0xFFFF4000  }
0xc0: {  	v3 =	vld [tilespmem:$0x80];
	_ =	sdelay $0x4  }
0xc1: {  	v56 =	vshrl.u32 v3, $0x3  }
0xc2: {  	v4 =	vmul.u32 $0x30, v56  }
0xc3: {  	v3 =	vand.u32 $0x7, v3  }
0xc4: {  	v3 =	vor.u32 v3, v4  }
0xc5: {  	v4 =	vperm.xlane v3, v0;
	_ =	sdelay $0x1  }
0xc6: {  	v4 =	vadd.s32 v1, v4;
	_ =	sdelay $0x3  }
0xc7: {  	v3 =	vperm.xlane v3, v2  }
0xc8: {  	[tilespmem:s9], [sflag:$0x1] =	stream.indirect_vreg.gather [hbm4b:s3+s2], $0x80, v4, vm0, $0xb8;
	[tilespmem:$0xC100] =	vst v63  }
0xc9: {  	v3 =	vadd.s32 v1, v3  }
0xca: {  	[tilespmem:s11], [sflag:$0x1] =	stream.indirect_vreg.gather [hbm4b:s5+s2], $0x80, v4, vm0, $0xb8;
	[tilespmem:$0xC100] =	vst v63  }
0xcb: {  	_ = 	snop  }
0xcc: {  	[tilespmem:s12], [sflag:$0x1] =	stream.indirect_vreg.gather [hbm4b:s6+s2], $0x80, v4, vm0, $0xb8;
	[tilespmem:$0xC100] =	vst v63  }
0xcd: {  	_ = 	snop  }
0xce: {  	[tilespmem:s13], [sflag:$0x1] =	stream.indirect_vreg.gather [hbm4b:s3+s2], $0x80, v3, vm0, $0xb8;
	[tilespmem:$0xC100] =	vst v63  }
0xcf: {  	_ = 	snop  }
0xd0: {  	[tilespmem:s14], [sflag:$0x1] =	stream.indirect_vreg.gather [hbm4b:s5+s2], $0x80, v3, vm0, $0xb8;
	[tilespmem:$0xC100] =	vst v63  }
0xd1: {  	_ = 	snop  }
0xd2: {  	[tilespmem:s15], [sflag:$0x1] =	stream.indirect_vreg.gather [hbm4b:s6+s2], $0x80, v3, vm0, $0xb8;
	[tilespmem:$0xC100] =	vst v63  }
0xd3: {  	v3 =	vld [tilespmem:$0x90];
	_ =	sdelay $0x4  }
0xd4: {  	v57 =	vshrl.u32 v3, $0x3  }
0xd5: {  	v4 =	vmul.u32 $0x30, v57  }
0xd6: {  	v3 =	vand.u32 $0x7, v3  }
0xd7: {  	v3 =	vor.u32 v3, v4  }
0xd8: {  	v4 =	vperm.xlane v3, v0;
	_ =	sdelay $0x1  }
0xd9: {  	v4 =	vadd.s32 v1, v4;
	_ =	sdelay $0x3  }
0xda: {  	v3 =	vperm.xlane v3, v2  }
0xdb: {  	[tilespmem:s16], [sflag:$0x1] =	stream.indirect_vreg.gather [hbm4b:s3+s2], $0x80, v4, vm0, $0xb8;
	[tilespmem:$0xC100] =	vst v63  }
0xdc: {  	v3 =	vadd.s32 v1, v3  }
0xdd: {  	[tilespmem:s17], [sflag:$0x1] =	stream.indirect_vreg.gather [hbm4b:s5+s2], $0x80, v4, vm0, $0xb8;
	[tilespmem:$0xC100] =	vst v63  }
0xde: {  	_ = 	snop  }
0xdf: {  	[tilespmem:s18], [sflag:$0x1] =	stream.indirect_vreg.gather [hbm4b:s6+s2], $0x80, v4, vm0, $0xb8;
	[tilespmem:$0xC100] =	vst v63  }
0xe0: {  	_ = 	snop  }
0xe1: {  	[tilespmem:s19], [sflag:$0x1] =	stream.indirect_vreg.gather [hbm4b:s3+s2], $0x80, v3, vm0, $0xb8;
	[tilespmem:$0xC100] =	vst v63  }
0xe2: {  	_ = 	snop  }
0xe3: {  	[tilespmem:s20], [sflag:$0x1] =	stream.indirect_vreg.gather [hbm4b:s5+s2], $0x80, v3, vm0, $0xb8;
	[tilespmem:$0xC100] =	vst v63  }
0xe4: {  	_ = 	snop  }
0xe5: {  	[tilespmem:s21], [sflag:$0x1] =	stream.indirect_vreg.gather [hbm4b:s6+s2], $0x80, v3, vm0, $0xb8;
	[tilespmem:$0xC100] =	vst v63  }
0xe6: {  	v3 =	vld [tilespmem:$0xA0];
	_ =	sdelay $0x4  }
0xe7: {  	v58 =	vshrl.u32 v3, $0x3  }
0xe8: {  	v4 =	vmul.u32 $0x30, v58  }
0xe9: {  	v3 =	vand.u32 $0x7, v3  }
0xea: {  	v3 =	vor.u32 v3, v4  }
0xeb: {  	v4 =	vperm.xlane v3, v0;
	_ =	sdelay $0x1  }
0xec: {  	v4 =	vadd.s32 v1, v4;
	_ =	sdelay $0x3  }
0xed: {  	v3 =	vperm.xlane v3, v2  }
0xee: {  	[tilespmem:s22], [sflag:$0x1] =	stream.indirect_vreg.gather [hbm4b:s3+s2], $0x80, v4, vm0, $0xb8;
	[tilespmem:$0xC100] =	vst v63  }
0xef: {  	v3 =	vadd.s32 v1, v3  }
0xf0: {  	[tilespmem:s23], [sflag:$0x1] =	stream.indirect_vreg.gather [hbm4b:s5+s2], $0x80, v4, vm0, $0xb8;
	[tilespmem:$0xC100] =	vst v63  }
0xf1: {  	_ = 	snop  }
0xf2: {  	[tilespmem:s24], [sflag:$0x1] =	stream.indirect_vreg.gather [hbm4b:s6+s2], $0x80, v4, vm0, $0xb8;
	[tilespmem:$0xC100] =	vst v63  }
0xf3: {  	_ = 	snop  }
0xf4: {  	[tilespmem:s25], [sflag:$0x1] =	stream.indirect_vreg.gather [hbm4b:s3+s2], $0x80, v3, vm0, $0xb8;
	[tilespmem:$0xC100] =	vst v63  }
0xf5: {  	_ = 	snop  }
0xf6: {  	[tilespmem:s26], [sflag:$0x1] =	stream.indirect_vreg.gather [hbm4b:s5+s2], $0x80, v3, vm0, $0xb8;
	[tilespmem:$0xC100] =	vst v63  }
0xf7: {  	_ = 	snop  }
0xf8: {  	[tilespmem:s28], [sflag:$0x1] =	stream.indirect_vreg.gather [hbm4b:s6+s2], $0x80, v3, vm0, $0xb8;
	[tilespmem:$0xC100] =	vst v63  }
0xf9: {  	v3 =	vld [tilespmem:$0xB0];
	_ =	sdelay $0x4  }
0xfa: {  	v59 =	vshrl.u32 v3, $0x3  }
0xfb: {  	v4 =	vmul.u32 $0x30, v59  }
0xfc: {  	v3 =	vand.u32 $0x7, v3  }
0xfd: {  	v3 =	vor.u32 v3, v4  }
0xfe: {  	v4 =	vperm.xlane v3, v0;
	_ =	sdelay $0x1  }
0xff: {  	v4 =	vadd.s32 v1, v4;
	_ =	sdelay $0x3  }
0x100: {  	v3 =	vperm.xlane v3, v2  }
0x101: {  	[tilespmem:s29], [sflag:$0x1] =	stream.indirect_vreg.gather [hbm4b:s3+s2], $0x80, v4, vm0, $0xb8;
	[tilespmem:$0xC100] =	vst v63  }
0x102: {  	v3 =	vadd.s32 v1, v3  }
0x103: {  	[tilespmem:s30], [sflag:$0x1] =	stream.indirect_vreg.gather [hbm4b:s5+s2], $0x80, v4, vm0, $0xb8;
	[tilespmem:$0xC100] =	vst v63  }
0x104: {  	_ = 	snop  }
0x105: {  	[tilespmem:s31], [sflag:$0x1] =	stream.indirect_vreg.gather [hbm4b:s6+s2], $0x80, v4, vm0, $0xb8;
	[tilespmem:$0xC100] =	vst v63  }
0x106: {  	_ = 	snop  }
0x107: {  	[tilespmem:s1], [sflag:$0x1] =	stream.indirect_vreg.gather [hbm4b:s3+s2], $0x80, v3, vm0, $0xb8;
	[tilespmem:$0xC100] =	vst v63  }
0x108: {  	_ = 	snop  }
0x109: {  	[tilespmem:s0], [sflag:$0x1] =	stream.indirect_vreg.gather [hbm4b:s5+s2], $0x80, v3, vm0, $0xb8;
	[tilespmem:$0xC100] =	vst v63  }
0x10a: {  	s10 =	simm.s32 $0xB900  }
0x10b: {  	[tilespmem:s10], [sflag:$0x1] =	stream.indirect_vreg.gather [hbm4b:s6+s2], $0x80, v3, vm0, $0xb8;
	[tilespmem:$0xC100] =	vst v63  }
0x10c: {  	_ =	swait.ge [sflag:s4], $0xC000  }
0x10d: {  	[sflag:s4] =	ssyncset.done $0x0  }
0x10e: {  	s10 =	rddreg [dreg:$0x5];
	[sflag:s4] =	ssyncadd.s32 $0xFFFF4000  }
0x10f: {  	[hbm4b:s10+s2] =	stream.linear.scatter [tilespmem:s9], [sflag:$0x2], $0xC000, $0x38;
	[tilespmem:$0xC100] =	vst v63  }
0x110: {  	_ =	swait.ge [sflag:s8], $0xC000  }
0x111: {  	[sflag:s8] =	ssyncset.done $0x0  }
0x112: {  	[sflag:s8] =	ssyncadd.s32 $0xFFFF4000  }
0x113: {  	v3 =	vld [tilespmem:$0xC0];
	_ =	sdelay $0x4  }
0x114: {  	v60 =	vshrl.u32 v3, $0x3  }
0x115: {  	v4 =	vmul.u32 $0x30, v60  }
0x116: {  	v3 =	vand.u32 $0x7, v3  }
0x117: {  	v3 =	vor.u32 v3, v4  }
0x118: {  	v4 =	vperm.xlane v3, v0;
	_ =	sdelay $0x1  }
0x119: {  	v4 =	vadd.s32 v1, v4;
	_ =	sdelay $0x3  }
0x11a: {  	v3 =	vperm.xlane v3, v2  }
0x11b: {  	[tilespmem:s9], [sflag:$0x1] =	stream.indirect_vreg.gather [hbm4b:s3+s2], $0x80, v4, vm0, $0xb8;
	[tilespmem:$0xC100] =	vst v63  }
0x11c: {  	v3 =	vadd.s32 v1, v3  }
0x11d: {  	[tilespmem:s11], [sflag:$0x1] =	stream.indirect_vreg.gather [hbm4b:s5+s2], $0x80, v4, vm0, $0xb8;
	[tilespmem:$0xC100] =	vst v63  }
0x11e: {  	_ = 	snop  }
0x11f: {  	[tilespmem:s12], [sflag:$0x1] =	stream.indirect_vreg.gather [hbm4b:s6+s2], $0x80, v4, vm0, $0xb8;
	[tilespmem:$0xC100] =	vst v63  }
0x120: {  	_ = 	snop  }
0x121: {  	[tilespmem:s13], [sflag:$0x1] =	stream.indirect_vreg.gather [hbm4b:s3+s2], $0x80, v3, vm0, $0xb8;
	[tilespmem:$0xC100] =	vst v63  }
0x122: {  	_ = 	snop  }
0x123: {  	[tilespmem:s14], [sflag:$0x1] =	stream.indirect_vreg.gather [hbm4b:s5+s2], $0x80, v3, vm0, $0xb8;
	[tilespmem:$0xC100] =	vst v63  }
0x124: {  	_ = 	snop  }
0x125: {  	[tilespmem:s15], [sflag:$0x1] =	stream.indirect_vreg.gather [hbm4b:s6+s2], $0x80, v3, vm0, $0xb8;
	[tilespmem:$0xC100] =	vst v63  }
0x126: {  	v3 =	vld [tilespmem:$0xD0];
	_ =	sdelay $0x4  }
0x127: {  	v61 =	vshrl.u32 v3, $0x3  }
0x128: {  	v4 =	vmul.u32 $0x30, v61  }
0x129: {  	v3 =	vand.u32 $0x7, v3  }
0x12a: {  	v3 =	vor.u32 v3, v4  }
0x12b: {  	v4 =	vperm.xlane v3, v0;
	_ =	sdelay $0x1  }
0x12c: {  	v4 =	vadd.s32 v1, v4;
	_ =	sdelay $0x3  }
0x12d: {  	v3 =	vperm.xlane v3, v2  }
0x12e: {  	[tilespmem:s16], [sflag:$0x1] =	stream.indirect_vreg.gather [hbm4b:s3+s2], $0x80, v4, vm0, $0xb8;
	[tilespmem:$0xC100] =	vst v63  }
0x12f: {  	v3 =	vadd.s32 v1, v3  }
0x130: {  	[tilespmem:s17], [sflag:$0x1] =	stream.indirect_vreg.gather [hbm4b:s5+s2], $0x80, v4, vm0, $0xb8;
	[tilespmem:$0xC100] =	vst v63  }
0x131: {  	_ = 	snop  }
0x132: {  	[tilespmem:s18], [sflag:$0x1] =	stream.indirect_vreg.gather [hbm4b:s6+s2], $0x80, v4, vm0, $0xb8;
	[tilespmem:$0xC100] =	vst v63  }
0x133: {  	_ = 	snop  }
0x134: {  	[tilespmem:s19], [sflag:$0x1] =	stream.indirect_vreg.gather [hbm4b:s3+s2], $0x80, v3, vm0, $0xb8;
	[tilespmem:$0xC100] =	vst v63  }
0x135: {  	_ = 	snop  }
0x136: {  	[tilespmem:s20], [sflag:$0x1] =	stream.indirect_vreg.gather [hbm4b:s5+s2], $0x80, v3, vm0, $0xb8;
	[tilespmem:$0xC100] =	vst v63  }
0x137: {  	_ = 	snop  }
0x138: {  	[tilespmem:s21], [sflag:$0x1] =	stream.indirect_vreg.gather [hbm4b:s6+s2], $0x80, v3, vm0, $0xb8;
	[tilespmem:$0xC100] =	vst v63  }
0x139: {  	v3 =	vld [tilespmem:$0xE0];
	_ =	sdelay $0x4  }
0x13a: {  	v62 =	vshrl.u32 v3, $0x3  }
0x13b: {  	v4 =	vmul.u32 $0x30, v62  }
0x13c: {  	v3 =	vand.u32 $0x7, v3  }
0x13d: {  	v3 =	vor.u32 v3, v4  }
0x13e: {  	v4 =	vperm.xlane v3, v0;
	_ =	sdelay $0x1  }
0x13f: {  	v4 =	vadd.s32 v1, v4;
	_ =	sdelay $0x3  }
0x140: {  	v3 =	vperm.xlane v3, v2  }
0x141: {  	[tilespmem:s22], [sflag:$0x1] =	stream.indirect_vreg.gather [hbm4b:s3+s2], $0x80, v4, vm0, $0xb8;
	[tilespmem:$0xC100] =	vst v63  }
0x142: {  	v3 =	vadd.s32 v1, v3  }
0x143: {  	[tilespmem:s23], [sflag:$0x1] =	stream.indirect_vreg.gather [hbm4b:s5+s2], $0x80, v4, vm0, $0xb8;
	[tilespmem:$0xC100] =	vst v63  }
0x144: {  	_ = 	snop  }
0x145: {  	[tilespmem:s24], [sflag:$0x1] =	stream.indirect_vreg.gather [hbm4b:s6+s2], $0x80, v4, vm0, $0xb8;
	[tilespmem:$0xC100] =	vst v63  }
0x146: {  	_ = 	snop  }
0x147: {  	[tilespmem:s25], [sflag:$0x1] =	stream.indirect_vreg.gather [hbm4b:s3+s2], $0x80, v3, vm0, $0xb8;
	[tilespmem:$0xC100] =	vst v63  }
0x148: {  	_ = 	snop  }
0x149: {  	[tilespmem:s26], [sflag:$0x1] =	stream.indirect_vreg.gather [hbm4b:s5+s2], $0x80, v3, vm0, $0xb8;
	[tilespmem:$0xC100] =	vst v63  }
0x14a: {  	_ = 	snop  }
0x14b: {  	[tilespmem:s28], [sflag:$0x1] =	stream.indirect_vreg.gather [hbm4b:s6+s2], $0x80, v3, vm0, $0xb8;
	[tilespmem:$0xC100] =	vst v63  }
0x14c: {  	v3 =	vld [tilespmem:$0xF0];
	_ =	sdelay $0x4  }
0x14d: {  	v63 =	vshrl.u32 v3, $0x3  }
0x14e: {  	v4 =	vmul.u32 $0x30, v63  }
0x14f: {  	v3 =	vand.u32 $0x7, v3  }
0x150: {  	v3 =	vor.u32 v3, v4  }
0x151: {  	v4 =	vperm.xlane v3, v0;
	_ =	sdelay $0x1  }
0x152: {  	v4 =	vadd.s32 v1, v4;
	_ =	sdelay $0x3  }
0x153: {  	v3 =	vperm.xlane v3, v2  }
0x154: {  	[tilespmem:s29], [sflag:$0x1] =	stream.indirect_vreg.gather [hbm4b:s3+s2], $0x80, v4, vm0, $0xb8;
	[tilespmem:$0xC100] =	vst v63  }
0x155: {  	v3 =	vadd.s32 v1, v3  }
0x156: {  	[tilespmem:s30], [sflag:$0x1] =	stream.indirect_vreg.gather [hbm4b:s5+s2], $0x80, v4, vm0, $0xb8;
	[tilespmem:$0xC100] =	vst v63  }
0x157: {  	_ = 	snop  }
0x158: {  	[tilespmem:s31], [sflag:$0x1] =	stream.indirect_vreg.gather [hbm4b:s6+s2], $0x80, v4, vm0, $0xb8;
	[tilespmem:$0xC100] =	vst v63  }
0x159: {  	_ = 	snop  }
0x15a: {  	[tilespmem:s1], [sflag:$0x1] =	stream.indirect_vreg.gather [hbm4b:s3+s2], $0x80, v3, vm0, $0xb8;
	[tilespmem:$0xC100] =	vst v63  }
0x15b: {  	_ = 	snop  }
0x15c: {  	[tilespmem:s0], [sflag:$0x1] =	stream.indirect_vreg.gather [hbm4b:s5+s2], $0x80, v3, vm0, $0xb8;
	[tilespmem:$0xC100] =	vst v63  }
0x15d: {  	s10 =	simm.s32 $0xB900  }
0x15e: {  	[tilespmem:s10], [sflag:$0x1] =	stream.indirect_vreg.gather [hbm4b:s6+s2], $0x80, v3, vm0, $0xb8;
	[tilespmem:$0xC100] =	vst v63  }
0x15f: {  	_ =	swait.ge [sflag:s4], $0xC000  }
0x160: {  	p0 =	sne.s32 s7, $0x1;
	[sflag:s4] =	ssyncset.done $0x0  }
.Ltmp0:
0x161: {  	s0 =	rddreg [dreg:$0x6];
	[sflag:s4] =	ssyncadd.s32 $0xFFFF4000;
	(pc) =	sbr.rel @p0 .LBB2_1-.Ltmp0, $4  }
0x162: {  	[hbm4b:s0+s2] =	stream.linear.scatter [tilespmem:s9], [sflag:$0x2], $0xC000, $0x38;
	[tilespmem:$0xC100] =	vst v63  }
0x163: {  	_ =	swait.ge [sflag:s8], $0xC000  }
0x164: {  	[sflag:s8] =	ssyncset.done $0x0  }
0x165: {  	s7 =	sadd.s32 $0xFFFFFFFF, s7;
	[sflag:s8] =	ssyncadd.s32 $0xFFFF4000  }
0x166: {  	_ =	sfence.sel $0x180000  }
0x167: {  	[bflag:$0x0] =	sbarrier.arrive $0xFFFF  }
0x168: {  	_ =	strace $0x9000004D  }
0x169: {  	s0 =	stileid.u32;
	[bflag:$0x2] =	sbarrier.arrive $0xFFFF  }
0x16a: {  	p0 =	sne.s32 s0, $0x0;
	s0 =	rddreg [dreg:$0x2]  }
0x16b: {  	s0 =	sadd.s32 @!p0 $0x100000, s0  }
0x16c: {  	[sflag:s0] =	ssyncadd.tile.s32 @!p0 $0x1;
	_ =	shalt  }
.Lfunc_end2:
_tile_overlayer_lowered:
.L_overlay_start_2:
0x16d: {  	(tag) =	ssettag $0x2  }
0x16e: {  	s0 =	rddreg [dreg:$0x0];
	s2 =	stileid.u32  }
0x16f: {  	s1 =	rddreg [dreg:$0x1];
	p0 =	sne.s32 s2, $0x0  }
0x170: {  	s3 =	rddreg [dreg:$0x2];
	[bflag:$0x3] =	sbarrier.arrive $0xFFFF;
	s2 =	simm.s32 @!p0 $0x1C02  }
0x171: {  	[timem:s3], [sflag:s2] =	dma.local @!p0 [hbm:s0], s1  }
0x172: {  	s0 =	simm.s32 @!p0 $0x2  }
0x173: {  	_ =	swait.ge @!p0 [sflag:s0], s1  }
0x174: {  	s1 =	ssub.s32 @!p0 $0x0, s1;
	[sflag:s0] =	ssyncset.done @!p0 $0x0  }
0x175: {  	[sflag:s0] =	ssyncadd.s32 @!p0 s1  }
0x176: {  	[bflag:$0x3] =	sbarrier.arrive $0xFFFF  }
0x177: {  	_ =	shalt  }

// kernel: kernel.22.cloned.1.call-start
scs
__scs_entry_jumppad:
0x0: {  	(pc) =	sbr.rel $0x88, $3  }
0x1: {  	(tag) =	ssettag $0x0;
	lr =	simm.s32 $0x1  }
0x2: {  	[smem:$0x3F86] =	sst lr;
	_ =	strace $0xD0000000  }
0x3: {  	_ = 	snop  }
0x4: {  	_ = 	snop  }
0x5: {  	_ = 	snop  }
0x6: {  	_ = 	snop  }
0x7: {  	_ = 	snop  }
__scs_overlays_trampoline_lowered:
0x8: {  	[smem:$0x3F95] =	sst s0  }
0x9: {  	[smem:$0x3F96] =	sst s1  }
0xa: {  	[smem:$0x3F97] =	sst s2  }
0xb: {  	[smem:$0x3F98] =	sst s3  }
0xc: {  	[smem:$0x3F99] =	sst s4  }
0xd: {  	[smem:$0x3F9A] =	sst s5  }
0xe: {  	[smem:$0x3F9B] =	sst s6  }
0xf: {  	[smem:$0x3F9C] =	sst s7  }
0x10: {  	[smem:$0x3F9D] =	sst s8  }
0x11: {  	[smem:$0x3F9E] =	sst s9;
	s0 =	simm.s32 @!p0 $0x0  }
0x12: {  	s1 =	sld [smem:$0x3F84];
	s0 =	simm.s32 @p0 $0x1  }
0x13: {  	[smem:$0x3F9F] =	sst s0;
	s0 =	simm.s32 @!p1 $0x0  }
0x14: {  	s2 =	sld [smem:$0x3F83];
	s0 =	simm.s32 @p1 $0x1  }
0x15: {  	[smem:$0x3FA0] =	sst s0;
	s0 =	simm.s32 @!p2 $0x0  }
0x16: {  	s3 =	sld [smem:$0x3FDB];
	s0 =	simm.s32 @p2 $0x1  }
0x17: {  	s4 =	simm.s32 $0x1BF5;
	[smem:$0x3FA2] =	sst s0  }
0x18: {  	s0 =	sld [smem:$0x3F85];
	_ =	swait.ge [sflag:s4], $0x0  }
0x19: {  	s7 =	sld [smem:$0x3F86]  }
0x1a: {  	s8 =	sadd.s32 $0xFFFFE003, lr  }
0x1b: {  	s9 =	sadd.s32 $0xFFFFFEF7, lr;
	s5 =	simm.s32 $0xFFFFFFFF;
	p2 =	slt.u32 s8, $0xFFFFF086  }
0x1c: {  	p1 =	slt.u32 s9, $0xF7A;
	s5 =	simm.s32 @!p2 $0x0  }
0x1d: {  	s5 =	simm.s32 @p1 $0x1;
	p0 =	seq.s32 s7, s2  }
0x1e: {  	s7 =	smul.u32 @!p0 $0xF7A, s2;
	p2 =	seq.s32 @!p0 s5, $0x0  }
0x1f: {  	s9 =	smul.u32 $0xF7A, s1;
	s8 =	simm.s32 @!p0 $0x1BF5;
	p2 =	por !p2, p0  }
0x20: {  	[sflag:s8] =	ssyncset.s32 @!p0 $0xFFFFF086;
	s6 =	sadd.s32 @!p0 s3, s7;
	s7 =	simm.s32 @!p0 $0x108  }
0x21: {  	s3 =	sadd.s32 s3, s9;
	s6 =	sadd.s32 @!p0 $0x88, s6;
	s7 =	simm.s32 @p2 $0x1082  }
0x22: {  	[simem:s7], [sflag:s8] =	dma.local @!p0 [hbm:s6], $0xF7A  }
0x23: {  	s9 =	sor.u32 $0xD0000000, s2;
	s6 =	simm.s32 $0x108;
	_ =	swait.ge @!p0 [sflag:s8], $0x0  }
0x24: {  	s3 =	sadd.s32 $0x88, s3;
	s6 =	simm.s32 @!p1 $0x1082;
	[sflag:s4] =	ssyncset.s32 $0xFFFFF086  }
0x25: {  	[simem:s6], [sflag:s4] =	dma.local [hbm:s3], $0xF7A  }
0x26: {  	[smem:$0x3F86] =	sst s1;
	(tag) =	ssettag s2;
	_ =	strace s9  }
0x27: {  	s1 =	sld [smem:$0x3F96]  }
0x28: {  	s2 =	sld [smem:$0x3F97]  }
0x29: {  	s4 =	sld [smem:$0x3F99]  }
0x2a: {  	p0 =	seq.s32 s5, $0x0;
	s5 =	sld [smem:$0x3F9A]  }
0x2b: {  	s6 =	sld [smem:$0x3F9B]  }
0x2c: {  	s7 =	sld [smem:$0x3F9C]  }
0x2d: {  	s3 =	simm.s32 $0x108;
	s8 =	sld [smem:$0x3F9D]  }
0x2e: {  	s3 =	simm.s32 @!p0 $0x1082;
	s9 =	sld [smem:$0x3F9E]  }
0x2f: {  	lr =	sadd.s32 s0, s3;
	s0 =	sld [smem:$0x3F95]  }
0x30: {  	s3 =	sld [smem:$0x3F98]  }
0x31: {  	[smem:$0x3FA1] =	sst s10  }
0x32: {  	s10 =	sld [smem:$0x3F9F];
	_ =	sdelay $0x3  }
0x33: {  	p0 =	seq.s32 s10, $0x1;
	s10 =	sld [smem:$0x3FA1];
	_ =	sdelay $0x3  }
0x34: {  	[smem:$0x3FA1] =	sst s10  }
0x35: {  	s10 =	sld [smem:$0x3FA0];
	_ =	sdelay $0x3  }
0x36: {  	p1 =	seq.s32 s10, $0x1;
	s10 =	sld [smem:$0x3FA1];
	_ =	sdelay $0x3  }
0x37: {  	[smem:$0x3FA1] =	sst s10  }
0x38: {  	s10 =	sld [smem:$0x3FA2]  }
0x39: {  	_ = 	snop;
	(pc) =	sbr.ind lr, $3  }
0x3a: {  	_ = 	snop  }
0x3b: {  	_ = 	snop  }
0x3c: {  	p2 =	seq.s32 s10, $0x1;
	s10 =	sld [smem:$0x3FA1]  }
0x3d: {  	_ =	shalt  }
0x3e: {  	_ =	shalt  }
0x3f: {  	_ =	shalt  }
0x40: {  	_ =	shalt  }
0x41: {  	_ =	shalt  }
0x42: {  	_ =	shalt  }
0x43: {  	_ =	shalt  }
0x44: {  	_ =	shalt  }
0x45: {  	_ =	shalt  }
0x46: {  	_ =	shalt  }
0x47: {  	_ =	shalt  }
0x48: {  	_ =	shalt  }
0x49: {  	_ =	shalt  }
0x4a: {  	_ =	shalt  }
0x4b: {  	_ =	shalt  }
0x4c: {  	_ =	shalt  }
0x4d: {  	_ =	shalt  }
0x4e: {  	_ =	shalt  }
0x4f: {  	_ =	shalt  }
0x50: {  	_ =	shalt  }
0x51: {  	_ =	shalt  }
0x52: {  	_ =	shalt  }
0x53: {  	_ =	shalt  }
0x54: {  	_ =	shalt  }
0x55: {  	_ =	shalt  }
0x56: {  	_ =	shalt  }
0x57: {  	_ =	shalt  }
0x58: {  	_ =	shalt  }
0x59: {  	_ =	shalt  }
0x5a: {  	_ =	shalt  }
0x5b: {  	_ =	shalt  }
0x5c: {  	_ =	shalt  }
0x5d: {  	_ =	shalt  }
0x5e: {  	_ =	shalt  }
0x5f: {  	_ =	shalt  }
0x60: {  	_ =	shalt  }
0x61: {  	_ =	shalt  }
0x62: {  	_ =	shalt  }
0x63: {  	_ =	shalt  }
0x64: {  	_ =	shalt  }
0x65: {  	_ =	shalt  }
0x66: {  	_ =	shalt  }
0x67: {  	_ =	shalt  }
0x68: {  	_ =	shalt  }
0x69: {  	_ =	shalt  }
0x6a: {  	_ =	shalt  }
0x6b: {  	_ =	shalt  }
0x6c: {  	_ =	shalt  }
0x6d: {  	_ =	shalt  }
0x6e: {  	_ =	shalt  }
0x6f: {  	_ =	shalt  }
0x70: {  	_ =	shalt  }
0x71: {  	_ =	shalt  }
0x72: {  	_ =	shalt  }
0x73: {  	_ =	shalt  }
0x74: {  	_ =	shalt  }
0x75: {  	_ =	shalt  }
0x76: {  	_ =	shalt  }
0x77: {  	_ =	shalt  }
0x78: {  	_ =	shalt  }
0x79: {  	_ =	shalt  }
0x7a: {  	_ =	shalt  }
0x7b: {  	_ =	shalt  }
0x7c: {  	_ =	shalt  }
0x7d: {  	_ =	shalt  }
0x7e: {  	_ =	shalt  }
0x7f: {  	_ =	shalt  }
0x80: {  	_ =	shalt  }
0x81: {  	_ =	shalt  }
0x82: {  	_ =	shalt  }
0x83: {  	_ =	shalt  }
0x84: {  	_ =	shalt  }
0x85: {  	_ =	shalt  }
0x86: {  	_ =	shalt  }
0x87: {  	_ =	shalt  }
.Lfunc_end0:
.L_simem_size_0:
called_computation.3_lowered:
.L_overlay_start_0:
0x88: {  	s2 =	sld [smem:$0x3FD9]  }
0x89: {  	s3 =	sld [smem:$0x3FFE];
	_ =	sdelay $0x1  }
0x8a: {  	s1 =	srdreg.scid  }
0x8b: {  	s0 =	sand.u32 $0x1, s1  }
0x8c: {  	s17 =	sshll.u32 s0, $0xA;
	s2 =	sadd.s32 s3, s2  }
0x8d: {  	s2 =	sadd.s32 s2, s17  }
0x8e: {  	[smem:$0x3FAD] =	sst s2  }
0x8f: {  	_ = 	snop  }
0x90: {  	s18 =	sld [smem:$0x3FD0];
	(tm) =	ssettm $0x1  }
0x91: {  	s19 =	sld [smem:$0x3FFB];
	_ =	sdelay $0x3  }
0x92: {  	_ =	strace s19  }
0x93: {  	s2 =	sld [smem:$0x3FFC];
	_ =	sdelay $0x3  }
0x94: {  	_ =	strace s2  }
0x95: {  	s2 =	sld [smem:$0x3FFD];
	_ =	sdelay $0x3  }
0x96: {  	_ =	strace s2  }
0x97: {  	_ =	strace $0x8FFFFFFF  }
0x98: {  	s20 =	sld [smem:$0x3FDB];
	_ =	sdelay $0x1  }
0x99: {  	s4 =	simm.s32 $_scs_section_size  }
0x9a: {  	s5 =	simm.s32 $_size__tile_overlayer_lowered;
	s6 =	simm.s32 $_tile_overlayer_lowered  }
0x9b: {  	s7 =	simm.s32 $0x1BFF;
	s21 =	sshll.u32 s6, $0x1;
	s4 =	sadd.s32 s4, s20  }
0x9c: {  	s22 =	simm.s32 $0x0;
	s5 =	sshll.u32 s5, $0x1;
	s6 =	sadd.s32 s21, s4  }
0x9d: {  	[timem:s22], [sflag:s7] =	dma.local [hbm:s6], s5  }
0x9e: {  	_ =	swait.ge [sflag:s7], s5  }
0x9f: {  	s5 =	ssub.s32 $0x0, s5;
	[sflag:s7] =	ssyncset.done $0x0  }
0xa0: {  	[sflag:s7] =	ssyncadd.s32 s5;
	_ =	sdelay $0x1  }
0xa1: {  	s23 =	simm.s32 $0x1B8B  }
0xa2: {  	_ =	swait.ge [sflag:s23], $0x1  }
0xa3: {  	[sflag:s23] =	ssyncset.done $0x0  }
0xa4: {  	[sflag:s23] =	ssyncadd.s32 $0xFFFFFFFF  }
0xa5: {  	s5 =	sld [smem:$0x0]  }
0xa6: {  	s6 =	sand.u32 $0xFFFFFFFE, s1  }
0xa7: {  	p0 =	sne.s32 s1, s6  }
0xa8: {  	s6 =	sshll.u32 @p0 s6, $0xE  }
0xa9: {  	s6 =	sadd.s32 @p0 $0x11B8D, s6;
	s7 =	sshll.u32 @p0 s5, $0x11  }
0xaa: {  	s6 =	sor.u32 @p0 s7, s6  }
0xab: {  	[sflag:s6] =	ssyncadd.remote.s32 @p0 $0x1;
	_ =	sdelay $0x1  }
0xac: {  	s6 =	simm.s32 @p0 $0x1B8D  }
0xad: {  	_ =	swait.eq @p0 [sflag:s6], $0x1  }
0xae: {  	[sflag:s6] =	ssyncadd.s32 @p0 $0xFFFFFFFF  }
0xaf: {  	s7 =	sshll.u32 @!p0 s1, $0xE  }
0xb0: {  	s7 =	sor.u32 @!p0 $0x4000, s7;
	s6 =	simm.s32 @!p0 $0x1B8D  }
0xb1: {  	s5 =	sshll.u32 @!p0 s5, $0x11;
	s7 =	sadd.s32 @!p0 $0x11B8D, s7;
	_ =	swait.eq @!p0 [sflag:s6], $0x1  }
0xb2: {  	s5 =	sor.u32 @!p0 s5, s7;
	[sflag:s6] =	ssyncadd.s32 @!p0 $0xFFFFFFFF  }
0xb3: {  	s25 =	simm.s32 $0x1B8E;
	s24 =	sld [smem:$0x3FFE];
	[sflag:s5] =	ssyncadd.remote.s32 @!p0 $0x1  }
0xb4: {  	s26 =	simm.s32 $execute0_lowered;
	[smem:$0x3FD2] =	sst s25  }
0xb5: {  	s6 =	sshll.u32 s26, $0x1;
	_ =	strace $0x80000052;
	[dreg:$0x1] =	wrdreg $0xFFFFFFFF  }
0xb6: {  	s28 =	simm.s32 $_size_execute0_lowered;
	s4 =	sadd.s32 s4, s6;
	[dreg:$0x0] =	wrdreg $0x0  }
0xb7: {  	s6 =	sshll.u32 s28, $0x1;
	[dreg:$0x2] =	wrdreg s4  }
0xb8: {  	[dreg:$0x3] =	wrdreg s6  }
0xb9: {  	[dreg:$0x4] =	wrdreg $0xC0  }
0xba: {  	_ =	task [dreg:s22], $0x5FFFF  }
0xbb: {  	[dreg:$0x1] =	wrdreg $0xFFFFFFFF  }
0xbc: {  	[dreg:$0x0] =	wrdreg $0x60  }
0xbd: {  	[dreg:$0x2] =	wrdreg s18  }
0xbe: {  	[dreg:$0x3] =	wrdreg s24  }
0xbf: {  	[dreg:$0x4] =	wrdreg $0x9  }
0xc0: {  	_ =	task.clear_ibuf [dreg:s22], $0x5FFFF;
	_ =	strace $0x90000052  }
0xc1: {  	s29 =	simm.s32 $0x9;
	_ =	strace $0x80000054  }
0xc2: {  	_ =	swait.ge [sflag:s29], $0x1  }
0xc3: {  	[sflag:s29] =	ssyncadd.s32 $0xFFFFFFFF  }
0xc4: {  	_ =	strace $0x90000054  }
0xc5: {  	_ =	sfence  }
0xc6: {  	s30 =	sld [smem:$0x0];
	_ =	sdelay $0x2  }
0xc7: {  	s31 =	sshll.u32 s1, $0xD;
	s1 =	sshrl.u32 s1, $0x2  }
0xc8: {  	s4 =	sand.u32 $0x4000, s31;
	s1 =	sadd.s32 s1, s30  }
0xc9: {  	s0 =	sor.u32 s4, s0;
	s1 =	sshll.u32 s1, $0x11  }
0xca: {  	s0 =	sor.u32 s1, s0  }
0xcb: {  	s0 =	sadd.s32 $0x8F2B, s0  }
0xcc: {  	[sflag:s0] =	ssyncadd.remote.s32 $0x1  }
0xcd: {  	_ =	sfence.sel $0xFFFF  }
0xce: {  	[dreg:$0x0] =	wrdreg $0xFFFFFFFF;
	(pc) =	sbr.abs _section_cstart, $3  }
0xcf: {  	[dreg:$0x1] =	wrdreg $0xFFFFFFFF  }
0xd0: {  	_ =	task.clear_ibuf [dreg:s22], $0x2FFFF;
	_ =	strace $0x9FFFFFFF  }
0xd1: {  	(tm) =	ssettm $0x7FFFFFFF  }
tec
execute0_lowered:
.L_overlay_start_1:
0x0: {  	(tag) =	ssettag $0x1  }
0x1: {  	s1 =	srdreg.scid  }
0x2: {  	s2 =	rddreg [dreg:$0x0];
	s0 =	stileid.u32  }
0x3: {  	s4 =	rddreg [dreg:$0x1];
	s3 =	simm.s32 $0x0;
	s8 =	simm.s32 $0x80  }
0x4: {  	s26 =	simm.s32 $0x880;
	s9 =	simm.s32 $0x1080;
	s10 =	simm.s32 $0x1880  }
0x5: {  	s11 =	simm.s32 $0x2080;
	s12 =	simm.s32 $0x2880;
	s13 =	simm.s32 $0x3080  }
0x6: {  	s14 =	simm.s32 $0x3880;
	s15 =	simm.s32 $0x4080;
	s16 =	simm.s32 $0x4880  }
0x7: {  	s17 =	simm.s32 $0x5080;
	s18 =	simm.s32 $0x5880;
	s19 =	simm.s32 $0x6080  }
0x8: {  	s20 =	simm.s32 $0x6880;
	s21 =	simm.s32 $0x7080;
	s22 =	simm.s32 $0x7880  }
0x9: {  	s23 =	simm.s32 $0x8080;
	s24 =	simm.s32 $0x8880;
	s28 =	simm.s32 $0xA080  }
0xa: {  	s29 =	simm.s32 $0xA880;
	s30 =	simm.s32 $0xB080;
	s31 =	simm.s32 $0xB880  }
0xb: {  	s1 =	sand.u32 $0x1, s1;
	s5 =	sshll.u32 s0, $0x4;
	[smem:$0x7FF] =	sst s3  }
0xc: {  	s6 =	sshll.u32 s1, $0x3;
	s1 =	ssub.s32 $0x2, s1;
	_ =	strace $0x80000053  }
0xd: {  	[dreg:$0x5] =	wrdreg s26;
	s26 =	simm.s32 $0x9880;
	s5 =	sor.u32 s6, s5  }
0xe: {  	s7 =	sshrl.u32 s1, $0x1;
	s6 =	smul.u32 $0x300, s5;
	s5 =	sadd.s32 s5, s4  }
0xf: {  	s1 =	ssub.s32 s1, s7;
	s7 =	simm.s32 $0x2;
	s25 =	sadd.s32 $0x35800, s5  }
0x10: {  	v2 =	vlaneseq.u32;
	s5 =	sadd.s32 $0x200, s2;
	s6 =	sadd.s32 s6, s4;
	[dreg:$0x3] =	wrdreg s25  }
0x11: {  	vm0 =	vmmov $0xffff;
	v1 =	vshrl.u32 v2, $0x3;
	s4 =	sadd.s32 $0x100, s2;
	s25 =	simm.s32 $0x9080;
	s6 =	sadd.s32 $0x65A00, s6  }
0x12: {  	v0 =	vand.u32 $0x7, v2;
	v2 =	vor.u32 $0x8, v2;
	v1 =	vmul.u32 $0x8, v1;
	[dreg:$0x4] =	wrdreg s6;
	s6 =	smax.u32 s1, $0x1;
	s1 =	simm.s32 $0x1  }
.LBB2_1:
0x13: {  	s0 =	rddreg [dreg:$0x3]  }
0x14: {  	[tilespmem:s3], [sflag:$0x2] =	stream.linear.gather [hbm4b:s0+s3], $0x40, $0x38;
	[tilespmem:$0xC080] =	vst v63  }
0x15: {  	_ =	swait.ge [sflag:s7], $0x40  }
0x16: {  	[sflag:s7] =	ssyncset.done $0x0  }
0x17: {  	[sflag:s7] =	ssyncadd.s32 $0xFFFFFFC0  }
0x18: {  	v3 =	vld [tilespmem:$0x0];
	_ =	sdelay $0x4  }
0x19: {  	v4 =	vshrl.u32 v3, $0x3  }
0x1a: {  	v4 =	vmul.u32 $0x30, v4  }
0x1b: {  	v3 =	vand.u32 $0x7, v3  }
0x1c: {  	v3 =	vor.u32 v3, v4  }
0x1d: {  	v4 =	vperm.xlane v3, v0;
	_ =	sdelay $0x1  }
0x1e: {  	v4 =	vadd.s32 v1, v4;
	_ =	sdelay $0x3  }
0x1f: {  	v3 =	vperm.xlane v3, v2  }
0x20: {  	[tilespmem:s8], [sflag:$0x1] =	stream.indirect_vreg.gather [hbm4b:s2+s3], $0x80, v4, vm0, $0xb8;
	[tilespmem:$0xC080] =	vst v63  }
0x21: {  	s0 =	rddreg [dreg:$0x5];
	v3 =	vadd.s32 v1, v3  }
0x22: {  	[tilespmem:s0], [sflag:$0x1] =	stream.indirect_vreg.gather [hbm4b:s4+s3], $0x80, v4, vm0, $0xb8;
	[tilespmem:$0xC080] =	vst v63  }
0x23: {  	_ = 	snop  }
0x24: {  	[tilespmem:s9], [sflag:$0x1] =	stream.indirect_vreg.gather [hbm4b:s5+s3], $0x80, v4, vm0, $0xb8;
	[tilespmem:$0xC080] =	vst v63  }
0x25: {  	_ = 	snop  }
0x26: {  	[tilespmem:s10], [sflag:$0x1] =	stream.indirect_vreg.gather [hbm4b:s2+s3], $0x80, v3, vm0, $0xb8;
	[tilespmem:$0xC080] =	vst v63  }
0x27: {  	_ = 	snop  }
0x28: {  	[tilespmem:s11], [sflag:$0x1] =	stream.indirect_vreg.gather [hbm4b:s4+s3], $0x80, v3, vm0, $0xb8;
	[tilespmem:$0xC080] =	vst v63  }
0x29: {  	_ = 	snop  }
0x2a: {  	[tilespmem:s12], [sflag:$0x1] =	stream.indirect_vreg.gather [hbm4b:s5+s3], $0x80, v3, vm0, $0xb8;
	[tilespmem:$0xC080] =	vst v63  }
0x2b: {  	v3 =	vld [tilespmem:$0x10];
	_ =	sdelay $0x4  }
0x2c: {  	v61 =	vshrl.u32 v3, $0x3  }
0x2d: {  	v4 =	vmul.u32 $0x30, v61  }
0x2e: {  	v3 =	vand.u32 $0x7, v3  }
0x2f: {  	v3 =	vor.u32 v3, v4  }
0x30: {  	v4 =	vperm.xlane v3, v0;
	_ =	sdelay $0x1  }
0x31: {  	v4 =	vadd.s32 v1, v4;
	_ =	sdelay $0x3  }
0x32: {  	v3 =	vperm.xlane v3, v2  }
0x33: {  	[tilespmem:s13], [sflag:$0x1] =	stream.indirect_vreg.gather [hbm4b:s2+s3], $0x80, v4, vm0, $0xb8;
	[tilespmem:$0xC080] =	vst v63  }
0x34: {  	v3 =	vadd.s32 v1, v3  }
0x35: {  	[tilespmem:s14], [sflag:$0x1] =	stream.indirect_vreg.gather [hbm4b:s4+s3], $0x80, v4, vm0, $0xb8;
	[tilespmem:$0xC080] =	vst v63  }
0x36: {  	_ = 	snop  }
0x37: {  	[tilespmem:s15], [sflag:$0x1] =	stream.indirect_vreg.gather [hbm4b:s5+s3], $0x80, v4, vm0, $0xb8;
	[tilespmem:$0xC080] =	vst v63  }
0x38: {  	_ = 	snop  }
0x39: {  	[tilespmem:s16], [sflag:$0x1] =	stream.indirect_vreg.gather [hbm4b:s2+s3], $0x80, v3, vm0, $0xb8;
	[tilespmem:$0xC080] =	vst v63  }
0x3a: {  	_ = 	snop  }
0x3b: {  	[tilespmem:s17], [sflag:$0x1] =	stream.indirect_vreg.gather [hbm4b:s4+s3], $0x80, v3, vm0, $0xb8;
	[tilespmem:$0xC080] =	vst v63  }
0x3c: {  	_ = 	snop  }
0x3d: {  	[tilespmem:s18], [sflag:$0x1] =	stream.indirect_vreg.gather [hbm4b:s5+s3], $0x80, v3, vm0, $0xb8;
	[tilespmem:$0xC080] =	vst v63  }
0x3e: {  	v3 =	vld [tilespmem:$0x20];
	_ =	sdelay $0x4  }
0x3f: {  	v62 =	vshrl.u32 v3, $0x3  }
0x40: {  	v4 =	vmul.u32 $0x30, v62  }
0x41: {  	v3 =	vand.u32 $0x7, v3  }
0x42: {  	v3 =	vor.u32 v3, v4  }
0x43: {  	v4 =	vperm.xlane v3, v0;
	_ =	sdelay $0x1  }
0x44: {  	v4 =	vadd.s32 v1, v4;
	_ =	sdelay $0x3  }
0x45: {  	v3 =	vperm.xlane v3, v2  }
0x46: {  	[tilespmem:s19], [sflag:$0x1] =	stream.indirect_vreg.gather [hbm4b:s2+s3], $0x80, v4, vm0, $0xb8;
	[tilespmem:$0xC080] =	vst v63  }
0x47: {  	v3 =	vadd.s32 v1, v3  }
0x48: {  	[tilespmem:s20], [sflag:$0x1] =	stream.indirect_vreg.gather [hbm4b:s4+s3], $0x80, v4, vm0, $0xb8;
	[tilespmem:$0xC080] =	vst v63  }
0x49: {  	_ = 	snop  }
0x4a: {  	[tilespmem:s21], [sflag:$0x1] =	stream.indirect_vreg.gather [hbm4b:s5+s3], $0x80, v4, vm0, $0xb8;
	[tilespmem:$0xC080] =	vst v63  }
0x4b: {  	_ = 	snop  }
0x4c: {  	[tilespmem:s22], [sflag:$0x1] =	stream.indirect_vreg.gather [hbm4b:s2+s3], $0x80, v3, vm0, $0xb8;
	[tilespmem:$0xC080] =	vst v63  }
0x4d: {  	_ = 	snop  }
0x4e: {  	[tilespmem:s23], [sflag:$0x1] =	stream.indirect_vreg.gather [hbm4b:s4+s3], $0x80, v3, vm0, $0xb8;
	[tilespmem:$0xC080] =	vst v63  }
0x4f: {  	_ = 	snop  }
0x50: {  	[tilespmem:s24], [sflag:$0x1] =	stream.indirect_vreg.gather [hbm4b:s5+s3], $0x80, v3, vm0, $0xb8;
	[tilespmem:$0xC080] =	vst v63  }
0x51: {  	v3 =	vld [tilespmem:$0x30];
	_ =	sdelay $0x4  }
0x52: {  	v63 =	vshrl.u32 v3, $0x3  }
0x53: {  	v4 =	vmul.u32 $0x30, v63  }
0x54: {  	v3 =	vand.u32 $0x7, v3  }
0x55: {  	v3 =	vor.u32 v3, v4  }
0x56: {  	v4 =	vperm.xlane v3, v0;
	_ =	sdelay $0x1  }
0x57: {  	v4 =	vadd.s32 v1, v4;
	_ =	sdelay $0x3  }
0x58: {  	v3 =	vperm.xlane v3, v2  }
0x59: {  	[tilespmem:s25], [sflag:$0x1] =	stream.indirect_vreg.gather [hbm4b:s2+s3], $0x80, v4, vm0, $0xb8;
	[tilespmem:$0xC080] =	vst v63  }
0x5a: {  	v3 =	vadd.s32 v1, v3  }
0x5b: {  	[tilespmem:s26], [sflag:$0x1] =	stream.indirect_vreg.gather [hbm4b:s4+s3], $0x80, v4, vm0, $0xb8;
	[tilespmem:$0xC080] =	vst v63  }
0x5c: {  	_ = 	snop  }
0x5d: {  	[tilespmem:s28], [sflag:$0x1] =	stream.indirect_vreg.gather [hbm4b:s5+s3], $0x80, v4, vm0, $0xb8;
	[tilespmem:$0xC080] =	vst v63  }
0x5e: {  	_ = 	snop  }
0x5f: {  	[tilespmem:s29], [sflag:$0x1] =	stream.indirect_vreg.gather [hbm4b:s2+s3], $0x80, v3, vm0, $0xb8;
	[tilespmem:$0xC080] =	vst v63  }
0x60: {  	_ = 	snop  }
0x61: {  	[tilespmem:s30], [sflag:$0x1] =	stream.indirect_vreg.gather [hbm4b:s4+s3], $0x80, v3, vm0, $0xb8;
	[tilespmem:$0xC080] =	vst v63  }
0x62: {  	_ = 	snop  }
0x63: {  	[tilespmem:s31], [sflag:$0x1] =	stream.indirect_vreg.gather [hbm4b:s5+s3], $0x80, v3, vm0, $0xb8;
	[tilespmem:$0xC080] =	vst v63  }
0x64: {  	_ =	swait.ge [sflag:s1], $0xC000  }
0x65: {  	p0 =	sne.s32 s6, $0x1;
	[sflag:s1] =	ssyncset.done $0x0  }
.Ltmp0:
0x66: {  	s0 =	rddreg [dreg:$0x4];
	[sflag:s1] =	ssyncadd.s32 $0xFFFF4000;
	(pc) =	sbr.rel @p0 .LBB2_1-.Ltmp0, $4  }
0x67: {  	[hbm4b:s0+s3] =	stream.linear.scatter [tilespmem:s8], [sflag:$0x2], $0xC000, $0x38;
	[tilespmem:$0xC080] =	vst v63  }
0x68: {  	_ =	swait.ge [sflag:s7], $0xC000  }
0x69: {  	[sflag:s7] =	ssyncset.done $0x0  }
0x6a: {  	s6 =	sadd.s32 $0xFFFFFFFF, s6;
	[sflag:s7] =	ssyncadd.s32 $0xFFFF4000  }
0x6b: {  	_ =	sfence.sel $0x180000  }
0x6c: {  	[bflag:$0x0] =	sbarrier.arrive $0xFFFF  }
0x6d: {  	_ =	strace $0x90000053  }
0x6e: {  	s0 =	stileid.u32;
	[bflag:$0x2] =	sbarrier.arrive $0xFFFF  }
0x6f: {  	p0 =	sne.s32 s0, $0x0;
	s0 =	rddreg [dreg:$0x2]  }
0x70: {  	s0 =	sadd.s32 @!p0 $0x100000, s0  }
0x71: {  	[sflag:s0] =	ssyncadd.tile.s32 @!p0 $0x1;
	_ =	shalt  }
.Lfunc_end2:
_tile_overlayer_lowered:
.L_overlay_start_2:
0x72: {  	(tag) =	ssettag $0x2  }
0x73: {  	s0 =	rddreg [dreg:$0x0];
	s2 =	stileid.u32  }
0x74: {  	s1 =	rddreg [dreg:$0x1];
	p0 =	sne.s32 s2, $0x0  }
0x75: {  	s3 =	rddreg [dreg:$0x2];
	[bflag:$0x3] =	sbarrier.arrive $0xFFFF;
	s2 =	simm.s32 @!p0 $0x1C02  }
0x76: {  	[timem:s3], [sflag:s2] =	dma.local @!p0 [hbm:s0], s1  }
0x77: {  	s0 =	simm.s32 @!p0 $0x2  }
0x78: {  	_ =	swait.ge @!p0 [sflag:s0], s1  }
0x79: {  	s1 =	ssub.s32 @!p0 $0x0, s1;
	[sflag:s0] =	ssyncset.done @!p0 $0x0  }
0x7a: {  	[sflag:s0] =	ssyncadd.s32 @!p0 s1  }
0x7b: {  	[bflag:$0x3] =	sbarrier.arrive $0xFFFF  }
0x7c: {  	_ =	shalt  }

// kernel: kernel.25.cloned.1.call-start
scs
__scs_entry_jumppad:
0x0: {  	(pc) =	sbr.rel $0x88, $3  }
0x1: {  	(tag) =	ssettag $0x0;
	lr =	simm.s32 $0x1  }
0x2: {  	[smem:$0x3F86] =	sst lr;
	_ =	strace $0xD0000000  }
0x3: {  	_ = 	snop  }
0x4: {  	_ = 	snop  }
0x5: {  	_ = 	snop  }
0x6: {  	_ = 	snop  }
0x7: {  	_ = 	snop  }
__scs_overlays_trampoline_lowered:
0x8: {  	[smem:$0x3F95] =	sst s0  }
0x9: {  	[smem:$0x3F96] =	sst s1  }
0xa: {  	[smem:$0x3F97] =	sst s2  }
0xb: {  	[smem:$0x3F98] =	sst s3  }
0xc: {  	[smem:$0x3F99] =	sst s4  }
0xd: {  	[smem:$0x3F9A] =	sst s5  }
0xe: {  	[smem:$0x3F9B] =	sst s6  }
0xf: {  	[smem:$0x3F9C] =	sst s7  }
0x10: {  	[smem:$0x3F9D] =	sst s8  }
0x11: {  	[smem:$0x3F9E] =	sst s9;
	s0 =	simm.s32 @!p0 $0x0  }
0x12: {  	s1 =	sld [smem:$0x3F84];
	s0 =	simm.s32 @p0 $0x1  }
0x13: {  	[smem:$0x3F9F] =	sst s0;
	s0 =	simm.s32 @!p1 $0x0  }
0x14: {  	s2 =	sld [smem:$0x3F83];
	s0 =	simm.s32 @p1 $0x1  }
0x15: {  	[smem:$0x3FA0] =	sst s0;
	s0 =	simm.s32 @!p2 $0x0  }
0x16: {  	s3 =	sld [smem:$0x3FDB];
	s0 =	simm.s32 @p2 $0x1  }
0x17: {  	s4 =	simm.s32 $0x1BF5;
	[smem:$0x3FA2] =	sst s0  }
0x18: {  	s0 =	sld [smem:$0x3F85];
	_ =	swait.ge [sflag:s4], $0x0  }
0x19: {  	s7 =	sld [smem:$0x3F86]  }
0x1a: {  	s8 =	sadd.s32 $0xFFFFE003, lr  }
0x1b: {  	s9 =	sadd.s32 $0xFFFFFEF7, lr;
	s5 =	simm.s32 $0xFFFFFFFF;
	p2 =	slt.u32 s8, $0xFFFFF086  }
0x1c: {  	p1 =	slt.u32 s9, $0xF7A;
	s5 =	simm.s32 @!p2 $0x0  }
0x1d: {  	s5 =	simm.s32 @p1 $0x1;
	p0 =	seq.s32 s7, s2  }
0x1e: {  	s7 =	smul.u32 @!p0 $0xF7A, s2;
	p2 =	seq.s32 @!p0 s5, $0x0  }
0x1f: {  	s9 =	smul.u32 $0xF7A, s1;
	s8 =	simm.s32 @!p0 $0x1BF5;
	p2 =	por !p2, p0  }
0x20: {  	[sflag:s8] =	ssyncset.s32 @!p0 $0xFFFFF086;
	s6 =	sadd.s32 @!p0 s3, s7;
	s7 =	simm.s32 @!p0 $0x108  }
0x21: {  	s3 =	sadd.s32 s3, s9;
	s6 =	sadd.s32 @!p0 $0x88, s6;
	s7 =	simm.s32 @p2 $0x1082  }
0x22: {  	[simem:s7], [sflag:s8] =	dma.local @!p0 [hbm:s6], $0xF7A  }
0x23: {  	s9 =	sor.u32 $0xD0000000, s2;
	s6 =	simm.s32 $0x108;
	_ =	swait.ge @!p0 [sflag:s8], $0x0  }
0x24: {  	s3 =	sadd.s32 $0x88, s3;
	s6 =	simm.s32 @!p1 $0x1082;
	[sflag:s4] =	ssyncset.s32 $0xFFFFF086  }
0x25: {  	[simem:s6], [sflag:s4] =	dma.local [hbm:s3], $0xF7A  }
0x26: {  	[smem:$0x3F86] =	sst s1;
	(tag) =	ssettag s2;
	_ =	strace s9  }
0x27: {  	s1 =	sld [smem:$0x3F96]  }
0x28: {  	s2 =	sld [smem:$0x3F97]  }
0x29: {  	s4 =	sld [smem:$0x3F99]  }
0x2a: {  	p0 =	seq.s32 s5, $0x0;
	s5 =	sld [smem:$0x3F9A]  }
0x2b: {  	s6 =	sld [smem:$0x3F9B]  }
0x2c: {  	s7 =	sld [smem:$0x3F9C]  }
0x2d: {  	s3 =	simm.s32 $0x108;
	s8 =	sld [smem:$0x3F9D]  }
0x2e: {  	s3 =	simm.s32 @!p0 $0x1082;
	s9 =	sld [smem:$0x3F9E]  }
0x2f: {  	lr =	sadd.s32 s0, s3;
	s0 =	sld [smem:$0x3F95]  }
0x30: {  	s3 =	sld [smem:$0x3F98]  }
0x31: {  	[smem:$0x3FA1] =	sst s10  }
0x32: {  	s10 =	sld [smem:$0x3F9F];
	_ =	sdelay $0x3  }
0x33: {  	p0 =	seq.s32 s10, $0x1;
	s10 =	sld [smem:$0x3FA1];
	_ =	sdelay $0x3  }
0x34: {  	[smem:$0x3FA1] =	sst s10  }
0x35: {  	s10 =	sld [smem:$0x3FA0];
	_ =	sdelay $0x3  }
0x36: {  	p1 =	seq.s32 s10, $0x1;
	s10 =	sld [smem:$0x3FA1];
	_ =	sdelay $0x3  }
0x37: {  	[smem:$0x3FA1] =	sst s10  }
0x38: {  	s10 =	sld [smem:$0x3FA2]  }
0x39: {  	_ = 	snop;
	(pc) =	sbr.ind lr, $3  }
0x3a: {  	_ = 	snop  }
0x3b: {  	_ = 	snop  }
0x3c: {  	p2 =	seq.s32 s10, $0x1;
	s10 =	sld [smem:$0x3FA1]  }
0x3d: {  	_ =	shalt  }
0x3e: {  	_ =	shalt  }
0x3f: {  	_ =	shalt  }
0x40: {  	_ =	shalt  }
0x41: {  	_ =	shalt  }
0x42: {  	_ =	shalt  }
0x43: {  	_ =	shalt  }
0x44: {  	_ =	shalt  }
0x45: {  	_ =	shalt  }
0x46: {  	_ =	shalt  }
0x47: {  	_ =	shalt  }
0x48: {  	_ =	shalt  }
0x49: {  	_ =	shalt  }
0x4a: {  	_ =	shalt  }
0x4b: {  	_ =	shalt  }
0x4c: {  	_ =	shalt  }
0x4d: {  	_ =	shalt  }
0x4e: {  	_ =	shalt  }
0x4f: {  	_ =	shalt  }
0x50: {  	_ =	shalt  }
0x51: {  	_ =	shalt  }
0x52: {  	_ =	shalt  }
0x53: {  	_ =	shalt  }
0x54: {  	_ =	shalt  }
0x55: {  	_ =	shalt  }
0x56: {  	_ =	shalt  }
0x57: {  	_ =	shalt  }
0x58: {  	_ =	shalt  }
0x59: {  	_ =	shalt  }
0x5a: {  	_ =	shalt  }
0x5b: {  	_ =	shalt  }
0x5c: {  	_ =	shalt  }
0x5d: {  	_ =	shalt  }
0x5e: {  	_ =	shalt  }
0x5f: {  	_ =	shalt  }
0x60: {  	_ =	shalt  }
0x61: {  	_ =	shalt  }
0x62: {  	_ =	shalt  }
0x63: {  	_ =	shalt  }
0x64: {  	_ =	shalt  }
0x65: {  	_ =	shalt  }
0x66: {  	_ =	shalt  }
0x67: {  	_ =	shalt  }
0x68: {  	_ =	shalt  }
0x69: {  	_ =	shalt  }
0x6a: {  	_ =	shalt  }
0x6b: {  	_ =	shalt  }
0x6c: {  	_ =	shalt  }
0x6d: {  	_ =	shalt  }
0x6e: {  	_ =	shalt  }
0x6f: {  	_ =	shalt  }
0x70: {  	_ =	shalt  }
0x71: {  	_ =	shalt  }
0x72: {  	_ =	shalt  }
0x73: {  	_ =	shalt  }
0x74: {  	_ =	shalt  }
0x75: {  	_ =	shalt  }
0x76: {  	_ =	shalt  }
0x77: {  	_ =	shalt  }
0x78: {  	_ =	shalt  }
0x79: {  	_ =	shalt  }
0x7a: {  	_ =	shalt  }
0x7b: {  	_ =	shalt  }
0x7c: {  	_ =	shalt  }
0x7d: {  	_ =	shalt  }
0x7e: {  	_ =	shalt  }
0x7f: {  	_ =	shalt  }
0x80: {  	_ =	shalt  }
0x81: {  	_ =	shalt  }
0x82: {  	_ =	shalt  }
0x83: {  	_ =	shalt  }
0x84: {  	_ =	shalt  }
0x85: {  	_ =	shalt  }
0x86: {  	_ =	shalt  }
0x87: {  	_ =	shalt  }
.Lfunc_end0:
.L_simem_size_0:
called_computation.4_lowered:
.L_overlay_start_0:
0x88: {  	s2 =	sld [smem:$0x3FD9]  }
0x89: {  	s3 =	sld [smem:$0x3FFE];
	_ =	sdelay $0x1  }
0x8a: {  	s1 =	srdreg.scid  }
0x8b: {  	s0 =	sand.u32 $0x1, s1  }
0x8c: {  	s17 =	sshll.u32 s0, $0xA;
	s2 =	sadd.s32 s3, s2  }
0x8d: {  	s2 =	sadd.s32 s2, s17  }
0x8e: {  	[smem:$0x3FAD] =	sst s2  }
0x8f: {  	_ = 	snop  }
0x90: {  	s2 =	sld [smem:$0x3FD0];
	(tm) =	ssettm $0x1  }
0x91: {  	s18 =	sld [smem:$0x3FFB];
	_ =	sdelay $0x3  }
0x92: {  	_ =	strace s18  }
0x93: {  	s3 =	sld [smem:$0x3FFC];
	_ =	sdelay $0x3  }
0x94: {  	_ =	strace s3  }
0x95: {  	s3 =	sld [smem:$0x3FFD];
	_ =	sdelay $0x3  }
0x96: {  	_ =	strace s3  }
0x97: {  	_ =	strace $0x8FFFFFFF  }
0x98: {  	s19 =	sld [smem:$0x3FDB];
	_ =	sdelay $0x1  }
0x99: {  	s4 =	simm.s32 $_scs_section_size  }
0x9a: {  	s5 =	simm.s32 $_size__tile_overlayer_lowered;
	s6 =	simm.s32 $_tile_overlayer_lowered  }
0x9b: {  	s22 =	simm.s32 $0x1BFF;
	s21 =	sshll.u32 s6, $0x1;
	s3 =	sadd.s32 s4, s19  }
0x9c: {  	s7 =	simm.s32 $0x0;
	s20 =	sshll.u32 s5, $0x1;
	s5 =	sadd.s32 s21, s3  }
0x9d: {  	[timem:s7], [sflag:s22] =	dma.local [hbm:s5], s20  }
0x9e: {  	_ =	swait.ge [sflag:s22], s20  }
0x9f: {  	s4 =	ssub.s32 $0x0, s20;
	[sflag:s22] =	ssyncset.done $0x0  }
0xa0: {  	[sflag:s22] =	ssyncadd.s32 s4;
	_ =	sdelay $0x1  }
0xa1: {  	s23 =	simm.s32 $0x1B8B  }
0xa2: {  	_ =	swait.ge [sflag:s23], $0x1  }
0xa3: {  	[sflag:s23] =	ssyncset.done $0x0  }
0xa4: {  	s25 =	simm.s32 $0x1B8E;
	s24 =	sld [smem:$0x3FFE];
	[sflag:s23] =	ssyncadd.s32 $0xFFFFFFFF  }
0xa5: {  	s26 =	simm.s32 $execute0_lowered;
	[smem:$0x3FD2] =	sst s25  }
0xa6: {  	s5 =	sshll.u32 s26, $0x1;
	_ =	strace $0x8000004F;
	[dreg:$0x1] =	wrdreg $0xFFFFFFFF  }
0xa7: {  	s28 =	simm.s32 $_size_execute0_lowered;
	s3 =	sadd.s32 s3, s5;
	[dreg:$0x0] =	wrdreg $0x0  }
0xa8: {  	s5 =	sshll.u32 s28, $0x1;
	[dreg:$0x2] =	wrdreg s3  }
0xa9: {  	[dreg:$0x3] =	wrdreg s5  }
0xaa: {  	[dreg:$0x4] =	wrdreg $0xC0  }
0xab: {  	_ =	task [dreg:s7], $0x5FFFF  }
0xac: {  	[dreg:$0x1] =	wrdreg $0xFFFFFFFF  }
0xad: {  	[dreg:$0x0] =	wrdreg $0x60  }
0xae: {  	[dreg:$0x2] =	wrdreg s2  }
0xaf: {  	[dreg:$0x3] =	wrdreg s24  }
0xb0: {  	[dreg:$0x4] =	wrdreg $0xA  }
0xb1: {  	_ =	task.clear_ibuf [dreg:s7], $0x5FFFF;
	_ =	strace $0x9000004F  }
0xb2: {  	s29 =	simm.s32 $0xA;
	_ =	strace $0x80000051  }
0xb3: {  	_ =	swait.ge [sflag:s29], $0x1  }
0xb4: {  	[sflag:s29] =	ssyncadd.s32 $0xFFFFFFFF  }
0xb5: {  	_ =	strace $0x90000051  }
0xb6: {  	_ =	sfence  }
0xb7: {  	s30 =	sld [smem:$0x0];
	_ =	sdelay $0x2  }
0xb8: {  	s31 =	sshll.u32 s1, $0xD;
	s1 =	sshrl.u32 s1, $0x2  }
0xb9: {  	s3 =	sand.u32 $0x4000, s31;
	s1 =	sadd.s32 s1, s30  }
0xba: {  	s0 =	sor.u32 s3, s0;
	s1 =	sshll.u32 s1, $0x11  }
0xbb: {  	s0 =	sor.u32 s1, s0  }
0xbc: {  	s0 =	sadd.s32 $0x8F2B, s0  }
0xbd: {  	[sflag:s0] =	ssyncadd.remote.s32 $0x1  }
0xbe: {  	_ =	sfence.sel $0xFFFF  }
0xbf: {  	[dreg:$0x0] =	wrdreg $0xFFFFFFFF;
	(pc) =	sbr.abs _section_cstart, $3  }
0xc0: {  	[dreg:$0x1] =	wrdreg $0xFFFFFFFF  }
0xc1: {  	_ =	task.clear_ibuf [dreg:s7], $0x2FFFF;
	_ =	strace $0x9FFFFFFF  }
0xc2: {  	(tm) =	ssettm $0x7FFFFFFF  }
0xc3: {  	_ =	shalt  }
tec
execute0_lowered:
.L_overlay_start_1:
0x0: {  	(tag) =	ssettag $0x1  }
0x1: {  	s1 =	srdreg.scid  }
0x2: {  	s2 =	rddreg [dreg:$0x0];
	s0 =	stileid.u32  }
0x3: {  	s4 =	rddreg [dreg:$0x1];
	s3 =	simm.s32 $0x0;
	s8 =	simm.s32 $0x80  }
0x4: {  	s26 =	simm.s32 $0x880;
	s9 =	simm.s32 $0x1080;
	s10 =	simm.s32 $0x1880  }
0x5: {  	s11 =	simm.s32 $0x2080;
	s12 =	simm.s32 $0x2880;
	s13 =	simm.s32 $0x3080  }
0x6: {  	s14 =	simm.s32 $0x3880;
	s15 =	simm.s32 $0x4080;
	s16 =	simm.s32 $0x4880  }
0x7: {  	s17 =	simm.s32 $0x5080;
	s18 =	simm.s32 $0x5880;
	s19 =	simm.s32 $0x6080  }
0x8: {  	s20 =	simm.s32 $0x6880;
	s21 =	simm.s32 $0x7080;
	s22 =	simm.s32 $0x7880  }
0x9: {  	s23 =	simm.s32 $0x8080;
	s24 =	simm.s32 $0x8880;
	s28 =	simm.s32 $0xA080  }
0xa: {  	s29 =	simm.s32 $0xA880;
	s30 =	simm.s32 $0xB080;
	s31 =	simm.s32 $0xB880  }
0xb: {  	s1 =	sand.u32 $0x1, s1;
	s5 =	sshll.u32 s0, $0x4;
	[smem:$0x7FF] =	sst s3  }
0xc: {  	s6 =	sshll.u32 s1, $0x3;
	s1 =	ssub.s32 $0x2, s1;
	_ =	strace $0x80000050  }
0xd: {  	[dreg:$0x5] =	wrdreg s26;
	s26 =	simm.s32 $0x9880;
	s5 =	sor.u32 s6, s5  }
0xe: {  	s7 =	sshrl.u32 s1, $0x1;
	s6 =	smul.u32 $0x300, s5;
	s5 =	sadd.s32 s5, s4  }
0xf: {  	s1 =	ssub.s32 s1, s7;
	s7 =	simm.s32 $0x2;
	s25 =	sadd.s32 $0x35600, s5  }
0x10: {  	v2 =	vlaneseq.u32;
	s5 =	sadd.s32 $0x200, s2;
	s6 =	sadd.s32 s6, s4;
	[dreg:$0x3] =	wrdreg s25  }
0x11: {  	vm0 =	vmmov $0xffff;
	v1 =	vshrl.u32 v2, $0x3;
	s4 =	sadd.s32 $0x100, s2;
	s25 =	simm.s32 $0x9080;
	s6 =	sadd.s32 $0x35A00, s6  }
0x12: {  	v0 =	vand.u32 $0x7, v2;
	v2 =	vor.u32 $0x8, v2;
	v1 =	vmul.u32 $0x8, v1;
	[dreg:$0x4] =	wrdreg s6;
	s6 =	smax.u32 s1, $0x1;
	s1 =	simm.s32 $0x1  }
.LBB2_1:
0x13: {  	s0 =	rddreg [dreg:$0x3]  }
0x14: {  	[tilespmem:s3], [sflag:$0x2] =	stream.linear.gather [hbm4b:s0+s3], $0x40, $0x38;
	[tilespmem:$0xC080] =	vst v63  }
0x15: {  	_ =	swait.ge [sflag:s7], $0x40  }
0x16: {  	[sflag:s7] =	ssyncset.done $0x0  }
0x17: {  	[sflag:s7] =	ssyncadd.s32 $0xFFFFFFC0  }
0x18: {  	v3 =	vld [tilespmem:$0x0];
	_ =	sdelay $0x4  }
0x19: {  	v4 =	vshrl.u32 v3, $0x3  }
0x1a: {  	v4 =	vmul.u32 $0x30, v4  }
0x1b: {  	v3 =	vand.u32 $0x7, v3  }
0x1c: {  	v3 =	vor.u32 v3, v4  }
0x1d: {  	v4 =	vperm.xlane v3, v0;
	_ =	sdelay $0x1  }
0x1e: {  	v4 =	vadd.s32 v1, v4;
	_ =	sdelay $0x3  }
0x1f: {  	v3 =	vperm.xlane v3, v2  }
0x20: {  	[tilespmem:s8], [sflag:$0x1] =	stream.indirect_vreg.gather [hbm4b:s2+s3], $0x80, v4, vm0, $0xb8;
	[tilespmem:$0xC080] =	vst v63  }
0x21: {  	s0 =	rddreg [dreg:$0x5];
	v3 =	vadd.s32 v1, v3  }
0x22: {  	[tilespmem:s0], [sflag:$0x1] =	stream.indirect_vreg.gather [hbm4b:s4+s3], $0x80, v4, vm0, $0xb8;
	[tilespmem:$0xC080] =	vst v63  }
0x23: {  	_ = 	snop  }
0x24: {  	[tilespmem:s9], [sflag:$0x1] =	stream.indirect_vreg.gather [hbm4b:s5+s3], $0x80, v4, vm0, $0xb8;
	[tilespmem:$0xC080] =	vst v63  }
0x25: {  	_ = 	snop  }
0x26: {  	[tilespmem:s10], [sflag:$0x1] =	stream.indirect_vreg.gather [hbm4b:s2+s3], $0x80, v3, vm0, $0xb8;
	[tilespmem:$0xC080] =	vst v63  }
0x27: {  	_ = 	snop  }
0x28: {  	[tilespmem:s11], [sflag:$0x1] =	stream.indirect_vreg.gather [hbm4b:s4+s3], $0x80, v3, vm0, $0xb8;
	[tilespmem:$0xC080] =	vst v63  }
0x29: {  	_ = 	snop  }
0x2a: {  	[tilespmem:s12], [sflag:$0x1] =	stream.indirect_vreg.gather [hbm4b:s5+s3], $0x80, v3, vm0, $0xb8;
	[tilespmem:$0xC080] =	vst v63  }
0x2b: {  	v3 =	vld [tilespmem:$0x10];
	_ =	sdelay $0x4  }
0x2c: {  	v61 =	vshrl.u32 v3, $0x3  }
0x2d: {  	v4 =	vmul.u32 $0x30, v61  }
0x2e: {  	v3 =	vand.u32 $0x7, v3  }
0x2f: {  	v3 =	vor.u32 v3, v4  }
0x30: {  	v4 =	vperm.xlane v3, v0;
	_ =	sdelay $0x1  }
0x31: {  	v4 =	vadd.s32 v1, v4;
	_ =	sdelay $0x3  }
0x32: {  	v3 =	vperm.xlane v3, v2  }
0x33: {  	[tilespmem:s13], [sflag:$0x1] =	stream.indirect_vreg.gather [hbm4b:s2+s3], $0x80, v4, vm0, $0xb8;
	[tilespmem:$0xC080] =	vst v63  }
0x34: {  	v3 =	vadd.s32 v1, v3  }
0x35: {  	[tilespmem:s14], [sflag:$0x1] =	stream.indirect_vreg.gather [hbm4b:s4+s3], $0x80, v4, vm0, $0xb8;
	[tilespmem:$0xC080] =	vst v63  }
0x36: {  	_ = 	snop  }
0x37: {  	[tilespmem:s15], [sflag:$0x1] =	stream.indirect_vreg.gather [hbm4b:s5+s3], $0x80, v4, vm0, $0xb8;
	[tilespmem:$0xC080] =	vst v63  }
0x38: {  	_ = 	snop  }
0x39: {  	[tilespmem:s16], [sflag:$0x1] =	stream.indirect_vreg.gather [hbm4b:s2+s3], $0x80, v3, vm0, $0xb8;
	[tilespmem:$0xC080] =	vst v63  }
0x3a: {  	_ = 	snop  }
0x3b: {  	[tilespmem:s17], [sflag:$0x1] =	stream.indirect_vreg.gather [hbm4b:s4+s3], $0x80, v3, vm0, $0xb8;
	[tilespmem:$0xC080] =	vst v63  }
0x3c: {  	_ = 	snop  }
0x3d: {  	[tilespmem:s18], [sflag:$0x1] =	stream.indirect_vreg.gather [hbm4b:s5+s3], $0x80, v3, vm0, $0xb8;
	[tilespmem:$0xC080] =	vst v63  }
0x3e: {  	v3 =	vld [tilespmem:$0x20];
	_ =	sdelay $0x4  }
0x3f: {  	v62 =	vshrl.u32 v3, $0x3  }
0x40: {  	v4 =	vmul.u32 $0x30, v62  }
0x41: {  	v3 =	vand.u32 $0x7, v3  }
0x42: {  	v3 =	vor.u32 v3, v4  }
0x43: {  	v4 =	vperm.xlane v3, v0;
	_ =	sdelay $0x1  }
0x44: {  	v4 =	vadd.s32 v1, v4;
	_ =	sdelay $0x3  }
0x45: {  	v3 =	vperm.xlane v3, v2  }
0x46: {  	[tilespmem:s19], [sflag:$0x1] =	stream.indirect_vreg.gather [hbm4b:s2+s3], $0x80, v4, vm0, $0xb8;
	[tilespmem:$0xC080] =	vst v63  }
0x47: {  	v3 =	vadd.s32 v1, v3  }
0x48: {  	[tilespmem:s20], [sflag:$0x1] =	stream.indirect_vreg.gather [hbm4b:s4+s3], $0x80, v4, vm0, $0xb8;
	[tilespmem:$0xC080] =	vst v63  }
0x49: {  	_ = 	snop  }
0x4a: {  	[tilespmem:s21], [sflag:$0x1] =	stream.indirect_vreg.gather [hbm4b:s5+s3], $0x80, v4, vm0, $0xb8;
	[tilespmem:$0xC080] =	vst v63  }
0x4b: {  	_ = 	snop  }
0x4c: {  	[tilespmem:s22], [sflag:$0x1] =	stream.indirect_vreg.gather [hbm4b:s2+s3], $0x80, v3, vm0, $0xb8;
	[tilespmem:$0xC080] =	vst v63  }
0x4d: {  	_ = 	snop  }
0x4e: {  	[tilespmem:s23], [sflag:$0x1] =	stream.indirect_vreg.gather [hbm4b:s4+s3], $0x80, v3, vm0, $0xb8;
	[tilespmem:$0xC080] =	vst v63  }
0x4f: {  	_ = 	snop  }
0x50: {  	[tilespmem:s24], [sflag:$0x1] =	stream.indirect_vreg.gather [hbm4b:s5+s3], $0x80, v3, vm0, $0xb8;
	[tilespmem:$0xC080] =	vst v63  }
0x51: {  	v3 =	vld [tilespmem:$0x30];
	_ =	sdelay $0x4  }
0x52: {  	v63 =	vshrl.u32 v3, $0x3  }
0x53: {  	v4 =	vmul.u32 $0x30, v63  }
0x54: {  	v3 =	vand.u32 $0x7, v3  }
0x55: {  	v3 =	vor.u32 v3, v4  }
0x56: {  	v4 =	vperm.xlane v3, v0;
	_ =	sdelay $0x1  }
0x57: {  	v4 =	vadd.s32 v1, v4;
	_ =	sdelay $0x3  }
0x58: {  	v3 =	vperm.xlane v3, v2  }
0x59: {  	[tilespmem:s25], [sflag:$0x1] =	stream.indirect_vreg.gather [hbm4b:s2+s3], $0x80, v4, vm0, $0xb8;
	[tilespmem:$0xC080] =	vst v63  }
0x5a: {  	v3 =	vadd.s32 v1, v3  }
0x5b: {  	[tilespmem:s26], [sflag:$0x1] =	stream.indirect_vreg.gather [hbm4b:s4+s3], $0x80, v4, vm0, $0xb8;
	[tilespmem:$0xC080] =	vst v63  }
0x5c: {  	_ = 	snop  }
0x5d: {  	[tilespmem:s28], [sflag:$0x1] =	stream.indirect_vreg.gather [hbm4b:s5+s3], $0x80, v4, vm0, $0xb8;
	[tilespmem:$0xC080] =	vst v63  }
0x5e: {  	_ = 	snop  }
0x5f: {  	[tilespmem:s29], [sflag:$0x1] =	stream.indirect_vreg.gather [hbm4b:s2+s3], $0x80, v3, vm0, $0xb8;
	[tilespmem:$0xC080] =	vst v63  }
0x60: {  	_ = 	snop  }
0x61: {  	[tilespmem:s30], [sflag:$0x1] =	stream.indirect_vreg.gather [hbm4b:s4+s3], $0x80, v3, vm0, $0xb8;
	[tilespmem:$0xC080] =	vst v63  }
0x62: {  	_ = 	snop  }
0x63: {  	[tilespmem:s31], [sflag:$0x1] =	stream.indirect_vreg.gather [hbm4b:s5+s3], $0x80, v3, vm0, $0xb8;
	[tilespmem:$0xC080] =	vst v63  }
0x64: {  	_ =	swait.ge [sflag:s1], $0xC000  }
0x65: {  	p0 =	sne.s32 s6, $0x1;
	[sflag:s1] =	ssyncset.done $0x0  }
.Ltmp0:
0x66: {  	s0 =	rddreg [dreg:$0x4];
	[sflag:s1] =	ssyncadd.s32 $0xFFFF4000;
	(pc) =	sbr.rel @p0 .LBB2_1-.Ltmp0, $4  }
0x67: {  	[hbm4b:s0+s3] =	stream.linear.scatter [tilespmem:s8], [sflag:$0x2], $0xC000, $0x38;
	[tilespmem:$0xC080] =	vst v63  }
0x68: {  	_ =	swait.ge [sflag:s7], $0xC000  }
0x69: {  	[sflag:s7] =	ssyncset.done $0x0  }
0x6a: {  	s6 =	sadd.s32 $0xFFFFFFFF, s6;
	[sflag:s7] =	ssyncadd.s32 $0xFFFF4000  }
0x6b: {  	_ =	sfence.sel $0x180000  }
0x6c: {  	[bflag:$0x0] =	sbarrier.arrive $0xFFFF  }
0x6d: {  	_ =	strace $0x90000050  }
0x6e: {  	s0 =	stileid.u32;
	[bflag:$0x2] =	sbarrier.arrive $0xFFFF  }
0x6f: {  	p0 =	sne.s32 s0, $0x0;
	s0 =	rddreg [dreg:$0x2]  }
0x70: {  	s0 =	sadd.s32 @!p0 $0x100000, s0  }
0x71: {  	[sflag:s0] =	ssyncadd.tile.s32 @!p0 $0x1;
	_ =	shalt  }
.Lfunc_end2:
_tile_overlayer_lowered:
.L_overlay_start_2:
0x72: {  	(tag) =	ssettag $0x2  }
0x73: {  	s0 =	rddreg [dreg:$0x0];
	s2 =	stileid.u32  }
0x74: {  	s1 =	rddreg [dreg:$0x1];
	p0 =	sne.s32 s2, $0x0  }
0x75: {  	s3 =	rddreg [dreg:$0x2];
	[bflag:$0x3] =	sbarrier.arrive $0xFFFF;
	s2 =	simm.s32 @!p0 $0x1C02  }
0x76: {  	[timem:s3], [sflag:s2] =	dma.local @!p0 [hbm:s0], s1  }
0x77: {  	s0 =	simm.s32 @!p0 $0x2  }
0x78: {  	_ =	swait.ge @!p0 [sflag:s0], s1  }
0x79: {  	s1 =	ssub.s32 @!p0 $0x0, s1;
	[sflag:s0] =	ssyncset.done @!p0 $0x0  }
0x7a: {  	[sflag:s0] =	ssyncadd.s32 @!p0 s1  }
0x7b: {  	[bflag:$0x3] =	sbarrier.arrive $0xFFFF  }
0x7c: {  	_ =	shalt  }

</sc_bundles>
